<compile_context>
chip_gen: v7x
topology: tpu7x:2x2x1
jax: 0.10.2.dev20260603
libtpu: 0.0.44.dev20260713+nightly
codegen_flags: <defaults>
</compile_context>

<pallas_src>
import functools

import jax
import jax.numpy as jnp
from jax import lax
from jax.experimental import pallas as pl
from jax.experimental.pallas import tpu as pltpu
from jax.experimental.pallas import tpu_sc as plsc

N_NODES = 10000
N_EDGES = 320000
DIM = 128

NUM_CORES = 2
NUM_SUBCORES = 16
NUM_TILES = NUM_CORES * NUM_SUBCORES

EDGES_PER_TILE = N_EDGES // NUM_TILES
CHUNK = 50
PHASES = 4
PHASE_STEPS = 50
STEPS = PHASES * PHASE_STEPS
NBUF = 5
ROWS_PER_TILE = 624
ROWS_TAIL = N_NODES - NUM_SUBCORES * ROWS_PER_TILE

_ROW_BLK = 2000


def _mlp1_body(x_ref, w1_ref, b1_ref, w2_ref, b2_ref, o_ref):
    h = jnp.maximum(
        jnp.dot(x_ref[...], w1_ref[...], preferred_element_type=jnp.float32)
        + b1_ref[...], 0.0)
    o_ref[...] = jnp.maximum(
        jnp.dot(h, w2_ref[...], preferred_element_type=jnp.float32)
        + b2_ref[...], 0.0)


def _mlp2_body(z0_ref, z1_ref, w3_ref, b3_ref, w4_ref, b4_ref, o_ref):
    z = z0_ref[...] + z1_ref[...]
    h = jnp.maximum(
        jnp.dot(z, w3_ref[...], preferred_element_type=jnp.float32)
        + b3_ref[...], 0.0)
    o_ref[...] = jnp.maximum(
        jnp.dot(h, w4_ref[...], preferred_element_type=jnp.float32)
        + b4_ref[...], 0.0)


_full = pl.BlockSpec((DIM, DIM), lambda i: (0, 0))
_bias = pl.BlockSpec((1, DIM), lambda i: (0, 0))
_rows = pl.BlockSpec((_ROW_BLK, DIM), lambda i: (i, 0))

_mlp1 = pl.pallas_call(
    _mlp1_body,
    grid=(N_NODES // _ROW_BLK,),
    in_specs=[_rows, _full, _bias, _full, _bias],
    out_specs=_rows,
    out_shape=jax.ShapeDtypeStruct((N_NODES, DIM), jnp.float32),
)

_mlp2 = pl.pallas_call(
    _mlp2_body,
    grid=(N_NODES // _ROW_BLK,),
    in_specs=[_rows, _rows, _full, _bias, _full, _bias],
    out_specs=_rows,
    out_shape=jax.ShapeDtypeStruct((N_NODES, DIM), jnp.float32),
)


@functools.partial(
    pl.kernel,
    out_type=jax.ShapeDtypeStruct((NUM_CORES, N_NODES, DIM), jnp.float32),
    mesh=plsc.VectorSubcoreMesh(core_axis_name="c", subcore_axis_name="s"),
    scratch_types=[
        pltpu.VMEM((PHASE_STEPS, CHUNK), jnp.int32),
        pltpu.VMEM((PHASE_STEPS, CHUNK), jnp.int32),
        [pltpu.VMEM((CHUNK, DIM), jnp.float32)] * NBUF,
        pltpu.VMEM_SHARED((N_NODES, DIM), jnp.float32),
        [pltpu.SemaphoreType.DMA] * NBUF,
    ],
)
def _aggregate(m_hbm, src_hbm, dst_hbm, zeros_hbm, out_hbm,
               src_v, dst_v, rows_v, z_sh, sems):
    c = lax.axis_index("c")
    s = lax.axis_index("s")
    wid = s * NUM_CORES + c

    pltpu.sync_copy(zeros_hbm.at[pl.ds(0, ROWS_PER_TILE)],
                    z_sh.at[pl.ds(s * ROWS_PER_TILE, ROWS_PER_TILE)])
    @pl.when(s == NUM_SUBCORES - 1)
    def _zero_tail():
        pltpu.sync_copy(
            zeros_hbm.at[pl.ds(0, ROWS_TAIL)],
            z_sh.at[pl.ds(NUM_SUBCORES * ROWS_PER_TILE, ROWS_TAIL)])
    plsc.subcore_barrier()

    for p in range(PHASES):
        pltpu.sync_copy(src_hbm.at[wid].at[p], src_v)
        pltpu.sync_copy(dst_hbm.at[wid].at[p], dst_v)
        for b in range(NBUF):
            pltpu.async_copy(m_hbm.at[src_v.at[b]], rows_v[b], sems[b])

        def step(j, carry):
            base = NBUF * j
            for b in range(NBUF):
                i = base + b
                pltpu.make_async_copy(
                    m_hbm.at[src_v.at[i]], rows_v[b], sems[b]).wait()
                pltpu.sync_copy(rows_v[b], z_sh.at[dst_v.at[i]], add=True)

                @pl.when(i + NBUF < PHASE_STEPS)
                def _refill():
                    pltpu.async_copy(
                        m_hbm.at[src_v.at[i + NBUF]], rows_v[b], sems[b])
            return carry

        lax.fori_loop(0, PHASE_STEPS // NBUF, step, 0)
    plsc.subcore_barrier()

    pltpu.sync_copy(
        z_sh.at[pl.ds(s * ROWS_PER_TILE, ROWS_PER_TILE)],
        out_hbm.at[c].at[pl.ds(s * ROWS_PER_TILE, ROWS_PER_TILE)])
    @pl.when(s == NUM_SUBCORES - 1)
    def _out_tail():
        pltpu.sync_copy(
            z_sh.at[pl.ds(NUM_SUBCORES * ROWS_PER_TILE, ROWS_TAIL)],
            out_hbm.at[c].at[pl.ds(NUM_SUBCORES * ROWS_PER_TILE, ROWS_TAIL)])


def kernel(x, edge_index, W1, b1, W2, b2, W3, b3, W4, b4):
    src = edge_index[0].astype(jnp.int32).reshape(
        NUM_TILES, PHASES, PHASE_STEPS, CHUNK)
    dst = edge_index[1].astype(jnp.int32).reshape(
        NUM_TILES, PHASES, PHASE_STEPS, CHUNK)
    m = _mlp1(x, W1, b1.reshape(1, DIM), W2, b2.reshape(1, DIM))
    zeros = jnp.zeros((ROWS_PER_TILE, DIM), jnp.float32)
    z_parts = _aggregate(m, src, dst, zeros)
    return _mlp2(z_parts[0], z_parts[1],
                 W3, b3.reshape(1, DIM), W4, b4.reshape(1, DIM))

# --- scband reference (transcript-rebuilt; emitter-appended) ---
"""Pipeline reference for scband-aggregator-42494406427359 (READ-ONLY COPY).

The authoritative reference and input builder live on the scoring server;
editing this copy changes nothing except your own understanding.
"""

import jax, jax.numpy as jnp
import numpy as np

N_NODES = 10000
N_EDGES = 320000
NODE_DIM = 128
EMB_DIM = 128
OUT_DIM = 128


def setup_inputs(seed: int = 0) -> dict:
    key = jax.random.key(seed)
    ks = [jax.random.fold_in(key, i) for i in range(12)]
    x = jax.random.normal(ks[0], (N_NODES, NODE_DIM), dtype=jnp.float32)
    edge_index = jax.random.randint(ks[1], (2, N_EDGES), 0, N_NODES, dtype=jnp.int64)
    s1 = 1.0 / np.sqrt(NODE_DIM)
    s2 = 1.0 / np.sqrt(EMB_DIM)
    # pre_layers: FNN(node_dim, [node_dim], emb_dim) -> Linear(node_dim,node_dim), ReLU, Linear(node_dim,emb_dim)
    W1 = jax.random.normal(ks[2], (NODE_DIM, NODE_DIM), dtype=jnp.float32) * s1
    b1 = jnp.zeros((NODE_DIM,), dtype=jnp.float32)
    W2 = jax.random.normal(ks[3], (NODE_DIM, EMB_DIM), dtype=jnp.float32) * s1
    b2 = jnp.zeros((EMB_DIM,), dtype=jnp.float32)
    # update_layers: FNN(emb_dim, [emb_dim], out_dim)
    W3 = jax.random.normal(ks[4], (EMB_DIM, EMB_DIM), dtype=jnp.float32) * s2
    b3 = jnp.zeros((EMB_DIM,), dtype=jnp.float32)
    W4 = jax.random.normal(ks[5], (EMB_DIM, OUT_DIM), dtype=jnp.float32) * s2
    b4 = jnp.zeros((OUT_DIM,), dtype=jnp.float32)
    return {"x": x, "edge_index": edge_index, "W1": W1, "b1": b1, "W2": W2, "b2": b2, "W3": W3, "b3": b3, "W4": W4, "b4": b4}


def reference(x, edge_index, W1, b1, W2, b2, W3, b3, W4, b4):
    # reverse=False so edges are used as-is
    src = edge_index[0]
    dst = edge_index[1]
    # msg_func: msg = relu(pre_layers(edges.src['y']))
    h_src = jnp.take(x, src, axis=0)  # gather per-edge src features [E, node_dim]
    pre_hidden = jax.nn.relu(h_src @ W1 + b1)
    msg = jax.nn.relu(pre_hidden @ W2 + b2)  # [E, emb_dim]
    # fn.sum('m', 'z'): scatter-add messages to destination nodes
    z = jax.ops.segment_sum(msg, dst, num_segments=N_NODES)  # [N, emb_dim]
    # node_update: h = relu(update_layers(z))
    upd_hidden = jax.nn.relu(z @ W3 + b3)
    h = jax.nn.relu(upd_hidden @ W4 + b4)  # [N, out_dim]
    return h

if __name__ == "__main__":
    import jax
    _d = setup_inputs()
    print(jax.jit(kernel)(*tuple(_d.values())))

</pallas_src>

<mosaic_0001>
#map = affine_map<(d0, d1) -> (0, 0)>
#map1 = affine_map<(d0, d1) -> (0, 0, 0, 0)>
#map2 = affine_map<(d0, d1) -> (0, 0, 0)>
module attributes {stable_mosaic.version = 14 : i64} {
  func.func @_aggregate(%arg0: i32, %arg1: i32, %arg2: memref<10000x128xf32, #tpu.memory_space<hbm>>, %arg3: memref<32x4x50x50xi32, #tpu.memory_space<hbm>>, %arg4: memref<32x4x50x50xi32, #tpu.memory_space<hbm>>, %arg5: memref<624x128xf32, #tpu.memory_space<hbm>>, %arg6: memref<2x10000x128xf32, #tpu.memory_space<hbm>>, %arg7: memref<50x50xi32, #tpu.memory_space<vmem>>, %arg8: memref<50x50xi32, #tpu.memory_space<vmem>>, %arg9: memref<50x128xf32, #tpu.memory_space<vmem>>, %arg10: memref<50x128xf32, #tpu.memory_space<vmem>>, %arg11: memref<50x128xf32, #tpu.memory_space<vmem>>, %arg12: memref<50x128xf32, #tpu.memory_space<vmem>>, %arg13: memref<50x128xf32, #tpu.memory_space<vmem>>, %arg14: memref<10000x128xf32, #tpu.memory_space<vmem_shared>>, %arg15: memref<!tpu.dma_semaphore, #tpu.memory_space<semaphore_mem>>, %arg16: memref<!tpu.dma_semaphore, #tpu.memory_space<semaphore_mem>>, %arg17: memref<!tpu.dma_semaphore, #tpu.memory_space<semaphore_mem>>, %arg18: memref<!tpu.dma_semaphore, #tpu.memory_space<semaphore_mem>>, %arg19: memref<!tpu.dma_semaphore, #tpu.memory_space<semaphore_mem>>) attributes {dimension_semantics = [#tpu.dimension_semantics<core_parallel>, #tpu.dimension_semantics<subcore_parallel>], iteration_bounds = array<i64: 2, 16>, scalar_prefetch = 0 : i64, scratch_operands = 13 : i64, tpu.core_type = #tpu.core_type<sc_vector_subcore>, window_params = [{transform_indices = #map}, {transform_indices = #map1}, {transform_indices = #map1}, {transform_indices = #map}, {transform_indices = #map2}]} {
    %mul3A = arith.constant 2 : i32
    %mul3A_0 = arith.muli %arg1, %mul3A : i32
    %add3A = arith.addi %mul3A_0, %arg0 : i32
    %mul3A_1 = arith.constant 624 : i32
    %mul3A_2 = arith.muli %arg1, %mul3A_1 : i32
    "tpu.region"() ({
      %run_scoped3A_184 = tpu.sem_alloc : memref<!tpu.dma_semaphore, #tpu.memory_space<semaphore_mem>>
      %dma_start3A_185 = arith.constant 0 : i32
      %dma_start3A_186 = tpu.memref_slice %arg14[%mul3A_2, %dma_start3A_185] : memref<10000x128xf32, #tpu.memory_space<vmem_shared>> -> memref<624x128xf32, #tpu.memory_space<vmem_shared>>
      %dma_start3A_187 = arith.constant 0 : i32
      %dma_start3A_188 = arith.constant 0 : i32
      %dma_start3A_189 = tpu.memref_slice %arg5[%dma_start3A_187, %dma_start3A_188] : memref<624x128xf32, #tpu.memory_space<hbm>> -> memref<624x128xf32, #tpu.memory_space<hbm>>
      tpu.enqueue_dma source(%dma_start3A_189 : memref<624x128xf32, #tpu.memory_space<hbm>>) target(%dma_start3A_186 : memref<624x128xf32, #tpu.memory_space<vmem_shared>>) target_semaphore(%run_scoped3A_184 : memref<!tpu.dma_semaphore, #tpu.memory_space<semaphore_mem>>)
      %dma_wait3A = arith.constant 0 : i32
      %dma_wait3A_190 = tpu.memref_slice %arg14[%mul3A_2, %dma_wait3A] : memref<10000x128xf32, #tpu.memory_space<vmem_shared>> -> memref<624x128xf32, #tpu.memory_space<vmem_shared>>
      %dma_wait3A_191 = arith.constant 0 : i32
      %dma_wait3A_192 = arith.constant 0 : i32
      %dma_wait3A_193 = tpu.memref_slice %arg5[%dma_wait3A_191, %dma_wait3A_192] : memref<624x128xf32, #tpu.memory_space<hbm>> -> memref<624x128xf32, #tpu.memory_space<hbm>>
      tpu.wait_dma2 semaphore(%run_scoped3A_184 : memref<!tpu.dma_semaphore, #tpu.memory_space<semaphore_mem>>) src(%dma_wait3A_193 : memref<624x128xf32, #tpu.memory_space<hbm>>) dst(%dma_wait3A_190 : memref<624x128xf32, #tpu.memory_space<vmem_shared>>)
      tpu.yield
    }) : () -> ()
    %eq3A = arith.constant 15 : i32
    %eq3A_3 = arith.cmpi eq, %arg1, %eq3A : i32
    %convert_element_type3A = arith.extui %eq3A_3 : i1 to i32
    %cond3A = arith.constant 0 : i32
    %cond3A_4 = arith.cmpi ne, %convert_element_type3A, %cond3A : i32
    scf.if %cond3A_4 {
      "tpu.region"() ({
        %run_scoped3A_184 = tpu.sem_alloc : memref<!tpu.dma_semaphore, #tpu.memory_space<semaphore_mem>>
        %dma_start3A_185 = arith.constant 9984 : i32
        %dma_start3A_186 = arith.constant 0 : i32
        %dma_start3A_187 = tpu.memref_slice %arg14[%dma_start3A_185, %dma_start3A_186] : memref<10000x128xf32, #tpu.memory_space<vmem_shared>> -> memref<16x128xf32, #tpu.memory_space<vmem_shared>>
        %dma_start3A_188 = arith.constant 0 : i32
        %dma_start3A_189 = arith.constant 0 : i32
        %dma_start3A_190 = tpu.memref_slice %arg5[%dma_start3A_188, %dma_start3A_189] : memref<624x128xf32, #tpu.memory_space<hbm>> -> memref<16x128xf32, #tpu.memory_space<hbm>>
        tpu.enqueue_dma source(%dma_start3A_190 : memref<16x128xf32, #tpu.memory_space<hbm>>) target(%dma_start3A_187 : memref<16x128xf32, #tpu.memory_space<vmem_shared>>) target_semaphore(%run_scoped3A_184 : memref<!tpu.dma_semaphore, #tpu.memory_space<semaphore_mem>>)
        %dma_wait3A = arith.constant 9984 : i32
        %dma_wait3A_191 = arith.constant 0 : i32
        %dma_wait3A_192 = tpu.memref_slice %arg14[%dma_wait3A, %dma_wait3A_191] : memref<10000x128xf32, #tpu.memory_space<vmem_shared>> -> memref<16x128xf32, #tpu.memory_space<vmem_shared>>
        %dma_wait3A_193 = arith.constant 0 : i32
        %dma_wait3A_194 = arith.constant 0 : i32
        %dma_wait3A_195 = tpu.memref_slice %arg5[%dma_wait3A_193, %dma_wait3A_194] : memref<624x128xf32, #tpu.memory_space<hbm>> -> memref<16x128xf32, #tpu.memory_space<hbm>>
        tpu.wait_dma2 semaphore(%run_scoped3A_184 : memref<!tpu.dma_semaphore, #tpu.memory_space<semaphore_mem>>) src(%dma_wait3A_195 : memref<16x128xf32, #tpu.memory_space<hbm>>) dst(%dma_wait3A_192 : memref<16x128xf32, #tpu.memory_space<vmem_shared>>)
        tpu.yield
      }) : () -> ()
    } else {
    }
    %barrier3A = arith.constant 0 : index
    tpu.barrier barrier_id(%barrier3A)
    %run_scoped3A = arith.constant 0 : i32
    "tpu.region"() ({
      %run_scoped3A_184 = tpu.sem_alloc : memref<!tpu.dma_semaphore, #tpu.memory_space<semaphore_mem>>
      %dma_start3A_185 = arith.constant 0 : i32
      %dma_start3A_186 = arith.constant 0 : i32
      %dma_start3A_187 = arith.constant 0 : i32
      %dma_start3A_188 = tpu.memref_slice %arg3[%add3A, %dma_start3A_185, %dma_start3A_186, %dma_start3A_187] : memref<32x4x50x50xi32, #tpu.memory_space<hbm>> -> memref<1x4x50x50xi32, #tpu.memory_space<hbm>>
      %dma_start3A_189 = tpu.memref_squeeze %dma_start3A_188 : memref<1x4x50x50xi32, #tpu.memory_space<hbm>> -> memref<4x50x50xi32, #tpu.memory_space<hbm>>
      %dma_start3A_190 = arith.constant 0 : i32
      %dma_start3A_191 = arith.constant 0 : i32
      %dma_start3A_192 = tpu.memref_slice %dma_start3A_189[%run_scoped3A, %dma_start3A_190, %dma_start3A_191] : memref<4x50x50xi32, #tpu.memory_space<hbm>> -> memref<1x50x50xi32, #tpu.memory_space<hbm>>
      %dma_start3A_193 = tpu.memref_squeeze %dma_start3A_192 : memref<1x50x50xi32, #tpu.memory_space<hbm>> -> memref<50x50xi32, #tpu.memory_space<hbm>>
      %dma_start3A_194 = arith.constant 0 : i32
      %dma_start3A_195 = arith.constant 0 : i32
      %dma_start3A_196 = arith.constant 0 : i32
      %dma_start3A_197 = tpu.memref_slice %arg3[%add3A, %dma_start3A_194, %dma_start3A_195, %dma_start3A_196] : memref<32x4x50x50xi32, #tpu.memory_space<hbm>> -> memref<1x4x50x50xi32, #tpu.memory_space<hbm>>
      %dma_start3A_198 = tpu.memref_squeeze %dma_start3A_197 : memref<1x4x50x50xi32, #tpu.memory_space<hbm>> -> memref<4x50x50xi32, #tpu.memory_space<hbm>>
      %dma_start3A_199 = arith.constant 0 : i32
      %dma_start3A_200 = arith.constant 0 : i32
      %dma_start3A_201 = tpu.memref_slice %dma_start3A_198[%run_scoped3A, %dma_start3A_199, %dma_start3A_200] : memref<4x50x50xi32, #tpu.memory_space<hbm>> -> memref<1x50x50xi32, #tpu.memory_space<hbm>>
      %dma_start3A_202 = tpu.memref_squeeze %dma_start3A_201 : memref<1x50x50xi32, #tpu.memory_space<hbm>> -> memref<50x50xi32, #tpu.memory_space<hbm>>
      tpu.enqueue_dma source(%dma_start3A_202 : memref<50x50xi32, #tpu.memory_space<hbm>>) target(%arg7 : memref<50x50xi32, #tpu.memory_space<vmem>>) target_semaphore(%run_scoped3A_184 : memref<!tpu.dma_semaphore, #tpu.memory_space<semaphore_mem>>)
      %dma_wait3A = arith.constant 0 : i32
      %dma_wait3A_203 = arith.constant 0 : i32
      %dma_wait3A_204 = arith.constant 0 : i32
      %dma_wait3A_205 = tpu.memref_slice %arg3[%add3A, %dma_wait3A, %dma_wait3A_203, %dma_wait3A_204] : memref<32x4x50x50xi32, #tpu.memory_space<hbm>> -> memref<1x4x50x50xi32, #tpu.memory_space<hbm>>
      %dma_wait3A_206 = tpu.memref_squeeze %dma_wait3A_205 : memref<1x4x50x50xi32, #tpu.memory_space<hbm>> -> memref<4x50x50xi32, #tpu.memory_space<hbm>>
      %dma_wait3A_207 = arith.constant 0 : i32
      %dma_wait3A_208 = arith.constant 0 : i32
      %dma_wait3A_209 = tpu.memref_slice %dma_wait3A_206[%run_scoped3A, %dma_wait3A_207, %dma_wait3A_208] : memref<4x50x50xi32, #tpu.memory_space<hbm>> -> memref<1x50x50xi32, #tpu.memory_space<hbm>>
      %dma_wait3A_210 = tpu.memref_squeeze %dma_wait3A_209 : memref<1x50x50xi32, #tpu.memory_space<hbm>> -> memref<50x50xi32, #tpu.memory_space<hbm>>
      %dma_wait3A_211 = arith.constant 0 : i32
      %dma_wait3A_212 = arith.constant 0 : i32
      %dma_wait3A_213 = arith.constant 0 : i32
      %dma_wait3A_214 = tpu.memref_slice %arg3[%add3A, %dma_wait3A_211, %dma_wait3A_212, %dma_wait3A_213] : memref<32x4x50x50xi32, #tpu.memory_space<hbm>> -> memref<1x4x50x50xi32, #tpu.memory_space<hbm>>
      %dma_wait3A_215 = tpu.memref_squeeze %dma_wait3A_214 : memref<1x4x50x50xi32, #tpu.memory_space<hbm>> -> memref<4x50x50xi32, #tpu.memory_space<hbm>>
      %dma_wait3A_216 = arith.constant 0 : i32
      %dma_wait3A_217 = arith.constant 0 : i32
      %dma_wait3A_218 = tpu.memref_slice %dma_wait3A_215[%run_scoped3A, %dma_wait3A_216, %dma_wait3A_217] : memref<4x50x50xi32, #tpu.memory_space<hbm>> -> memref<1x50x50xi32, #tpu.memory_space<hbm>>
      %dma_wait3A_219 = tpu.memref_squeeze %dma_wait3A_218 : memref<1x50x50xi32, #tpu.memory_space<hbm>> -> memref<50x50xi32, #tpu.memory_space<hbm>>
      tpu.wait_dma2 semaphore(%run_scoped3A_184 : memref<!tpu.dma_semaphore, #tpu.memory_space<semaphore_mem>>) src(%dma_wait3A_219 : memref<50x50xi32, #tpu.memory_space<hbm>>) dst(%arg7 : memref<50x50xi32, #tpu.memory_space<vmem>>)
      tpu.yield
    }) : () -> ()
    %run_scoped3A_5 = arith.constant 0 : i32
    "tpu.region"() ({
      %run_scoped3A_184 = tpu.sem_alloc : memref<!tpu.dma_semaphore, #tpu.memory_space<semaphore_mem>>
      %dma_start3A_185 = arith.constant 0 : i32
      %dma_start3A_186 = arith.constant 0 : i32
      %dma_start3A_187 = arith.constant 0 : i32
      %dma_start3A_188 = tpu.memref_slice %arg4[%add3A, %dma_start3A_185, %dma_start3A_186, %dma_start3A_187] : memref<32x4x50x50xi32, #tpu.memory_space<hbm>> -> memref<1x4x50x50xi32, #tpu.memory_space<hbm>>
      %dma_start3A_189 = tpu.memref_squeeze %dma_start3A_188 : memref<1x4x50x50xi32, #tpu.memory_space<hbm>> -> memref<4x50x50xi32, #tpu.memory_space<hbm>>
      %dma_start3A_190 = arith.constant 0 : i32
      %dma_start3A_191 = arith.constant 0 : i32
      %dma_start3A_192 = tpu.memref_slice %dma_start3A_189[%run_scoped3A_5, %dma_start3A_190, %dma_start3A_191] : memref<4x50x50xi32, #tpu.memory_space<hbm>> -> memref<1x50x50xi32, #tpu.memory_space<hbm>>
      %dma_start3A_193 = tpu.memref_squeeze %dma_start3A_192 : memref<1x50x50xi32, #tpu.memory_space<hbm>> -> memref<50x50xi32, #tpu.memory_space<hbm>>
      %dma_start3A_194 = arith.constant 0 : i32
      %dma_start3A_195 = arith.constant 0 : i32
      %dma_start3A_196 = arith.constant 0 : i32
      %dma_start3A_197 = tpu.memref_slice %arg4[%add3A, %dma_start3A_194, %dma_start3A_195, %dma_start3A_196] : memref<32x4x50x50xi32, #tpu.memory_space<hbm>> -> memref<1x4x50x50xi32, #tpu.memory_space<hbm>>
      %dma_start3A_198 = tpu.memref_squeeze %dma_start3A_197 : memref<1x4x50x50xi32, #tpu.memory_space<hbm>> -> memref<4x50x50xi32, #tpu.memory_space<hbm>>
      %dma_start3A_199 = arith.constant 0 : i32
      %dma_start3A_200 = arith.constant 0 : i32
      %dma_start3A_201 = tpu.memref_slice %dma_start3A_198[%run_scoped3A_5, %dma_start3A_199, %dma_start3A_200] : memref<4x50x50xi32, #tpu.memory_space<hbm>> -> memref<1x50x50xi32, #tpu.memory_space<hbm>>
      %dma_start3A_202 = tpu.memref_squeeze %dma_start3A_201 : memref<1x50x50xi32, #tpu.memory_space<hbm>> -> memref<50x50xi32, #tpu.memory_space<hbm>>
      tpu.enqueue_dma source(%dma_start3A_202 : memref<50x50xi32, #tpu.memory_space<hbm>>) target(%arg8 : memref<50x50xi32, #tpu.memory_space<vmem>>) target_semaphore(%run_scoped3A_184 : memref<!tpu.dma_semaphore, #tpu.memory_space<semaphore_mem>>)
      %dma_wait3A = arith.constant 0 : i32
      %dma_wait3A_203 = arith.constant 0 : i32
      %dma_wait3A_204 = arith.constant 0 : i32
      %dma_wait3A_205 = tpu.memref_slice %arg4[%add3A, %dma_wait3A, %dma_wait3A_203, %dma_wait3A_204] : memref<32x4x50x50xi32, #tpu.memory_space<hbm>> -> memref<1x4x50x50xi32, #tpu.memory_space<hbm>>
      %dma_wait3A_206 = tpu.memref_squeeze %dma_wait3A_205 : memref<1x4x50x50xi32, #tpu.memory_space<hbm>> -> memref<4x50x50xi32, #tpu.memory_space<hbm>>
      %dma_wait3A_207 = arith.constant 0 : i32
      %dma_wait3A_208 = arith.constant 0 : i32
      %dma_wait3A_209 = tpu.memref_slice %dma_wait3A_206[%run_scoped3A_5, %dma_wait3A_207, %dma_wait3A_208] : memref<4x50x50xi32, #tpu.memory_space<hbm>> -> memref<1x50x50xi32, #tpu.memory_space<hbm>>
      %dma_wait3A_210 = tpu.memref_squeeze %dma_wait3A_209 : memref<1x50x50xi32, #tpu.memory_space<hbm>> -> memref<50x50xi32, #tpu.memory_space<hbm>>
      %dma_wait3A_211 = arith.constant 0 : i32
      %dma_wait3A_212 = arith.constant 0 : i32
      %dma_wait3A_213 = arith.constant 0 : i32
      %dma_wait3A_214 = tpu.memref_slice %arg4[%add3A, %dma_wait3A_211, %dma_wait3A_212, %dma_wait3A_213] : memref<32x4x50x50xi32, #tpu.memory_space<hbm>> -> memref<1x4x50x50xi32, #tpu.memory_space<hbm>>
      %dma_wait3A_215 = tpu.memref_squeeze %dma_wait3A_214 : memref<1x4x50x50xi32, #tpu.memory_space<hbm>> -> memref<4x50x50xi32, #tpu.memory_space<hbm>>
      %dma_wait3A_216 = arith.constant 0 : i32
      %dma_wait3A_217 = arith.constant 0 : i32
      %dma_wait3A_218 = tpu.memref_slice %dma_wait3A_215[%run_scoped3A_5, %dma_wait3A_216, %dma_wait3A_217] : memref<4x50x50xi32, #tpu.memory_space<hbm>> -> memref<1x50x50xi32, #tpu.memory_space<hbm>>
      %dma_wait3A_219 = tpu.memref_squeeze %dma_wait3A_218 : memref<1x50x50xi32, #tpu.memory_space<hbm>> -> memref<50x50xi32, #tpu.memory_space<hbm>>
      tpu.wait_dma2 semaphore(%run_scoped3A_184 : memref<!tpu.dma_semaphore, #tpu.memory_space<semaphore_mem>>) src(%dma_wait3A_219 : memref<50x50xi32, #tpu.memory_space<hbm>>) dst(%arg8 : memref<50x50xi32, #tpu.memory_space<vmem>>)
      tpu.yield
    }) : () -> ()
    %dma_start3A = arith.constant 0 : i32
    %dma_start3A_6 = arith.constant 0 : i32
    %dma_start3A_7 = tpu.memref_slice %arg7[%dma_start3A, %dma_start3A_6] : memref<50x50xi32, #tpu.memory_space<vmem>> -> memref<1x50xi32, #tpu.memory_space<vmem>>
    %dma_start3A_8 = tpu.memref_squeeze %dma_start3A_7 : memref<1x50xi32, #tpu.memory_space<vmem>> -> memref<50xi32, #tpu.memory_space<vmem>>
    %dma_start3A_9 = arith.constant 0 : i32
    %dma_start3A_10 = arith.constant 0 : i32
    %dma_start3A_11 = tpu.memref_slice %arg2[%dma_start3A_9, %dma_start3A_10] : memref<10000x128xf32, #tpu.memory_space<hbm>> -> memref<10000x128xf32, #tpu.memory_space<hbm>>
    tpu.enqueue_indirect_dma source(%dma_start3A_11 : memref<10000x128xf32, #tpu.memory_space<hbm>>) target(%arg9 : memref<50x128xf32, #tpu.memory_space<vmem>>) offsets(%dma_start3A_8 : memref<50xi32, #tpu.memory_space<vmem>>) semaphore(%arg15 : memref<!tpu.dma_semaphore, #tpu.memory_space<semaphore_mem>>)
    %dma_start3A_12 = arith.constant 1 : i32
    %dma_start3A_13 = arith.constant 0 : i32
    %dma_start3A_14 = tpu.memref_slice %arg7[%dma_start3A_12, %dma_start3A_13] : memref<50x50xi32, #tpu.memory_space<vmem>> -> memref<1x50xi32, #tpu.memory_space<vmem>>
    %dma_start3A_15 = tpu.memref_squeeze %dma_start3A_14 : memref<1x50xi32, #tpu.memory_space<vmem>> -> memref<50xi32, #tpu.memory_space<vmem>>
    %dma_start3A_16 = arith.constant 0 : i32
    %dma_start3A_17 = arith.constant 0 : i32
    %dma_start3A_18 = tpu.memref_slice %arg2[%dma_start3A_16, %dma_start3A_17] : memref<10000x128xf32, #tpu.memory_space<hbm>> -> memref<10000x128xf32, #tpu.memory_space<hbm>>
    tpu.enqueue_indirect_dma source(%dma_start3A_18 : memref<10000x128xf32, #tpu.memory_space<hbm>>) target(%arg10 : memref<50x128xf32, #tpu.memory_space<vmem>>) offsets(%dma_start3A_15 : memref<50xi32, #tpu.memory_space<vmem>>) semaphore(%arg16 : memref<!tpu.dma_semaphore, #tpu.memory_space<semaphore_mem>>)
    %dma_start3A_19 = arith.constant 2 : i32
    %dma_start3A_20 = arith.constant 0 : i32
    %dma_start3A_21 = tpu.memref_slice %arg7[%dma_start3A_19, %dma_start3A_20] : memref<50x50xi32, #tpu.memory_space<vmem>> -> memref<1x50xi32, #tpu.memory_space<vmem>>
    %dma_start3A_22 = tpu.memref_squeeze %dma_start3A_21 : memref<1x50xi32, #tpu.memory_space<vmem>> -> memref<50xi32, #tpu.memory_space<vmem>>
    %dma_start3A_23 = arith.constant 0 : i32
    %dma_start3A_24 = arith.constant 0 : i32
    %dma_start3A_25 = tpu.memref_slice %arg2[%dma_start3A_23, %dma_start3A_24] : memref<10000x128xf32, #tpu.memory_space<hbm>> -> memref<10000x128xf32, #tpu.memory_space<hbm>>
    tpu.enqueue_indirect_dma source(%dma_start3A_25 : memref<10000x128xf32, #tpu.memory_space<hbm>>) target(%arg11 : memref<50x128xf32, #tpu.memory_space<vmem>>) offsets(%dma_start3A_22 : memref<50xi32, #tpu.memory_space<vmem>>) semaphore(%arg17 : memref<!tpu.dma_semaphore, #tpu.memory_space<semaphore_mem>>)
    %dma_start3A_26 = arith.constant 3 : i32
    %dma_start3A_27 = arith.constant 0 : i32
    %dma_start3A_28 = tpu.memref_slice %arg7[%dma_start3A_26, %dma_start3A_27] : memref<50x50xi32, #tpu.memory_space<vmem>> -> memref<1x50xi32, #tpu.memory_space<vmem>>
    %dma_start3A_29 = tpu.memref_squeeze %dma_start3A_28 : memref<1x50xi32, #tpu.memory_space<vmem>> -> memref<50xi32, #tpu.memory_space<vmem>>
    %dma_start3A_30 = arith.constant 0 : i32
    %dma_start3A_31 = arith.constant 0 : i32
    %dma_start3A_32 = tpu.memref_slice %arg2[%dma_start3A_30, %dma_start3A_31] : memref<10000x128xf32, #tpu.memory_space<hbm>> -> memref<10000x128xf32, #tpu.memory_space<hbm>>
    tpu.enqueue_indirect_dma source(%dma_start3A_32 : memref<10000x128xf32, #tpu.memory_space<hbm>>) target(%arg12 : memref<50x128xf32, #tpu.memory_space<vmem>>) offsets(%dma_start3A_29 : memref<50xi32, #tpu.memory_space<vmem>>) semaphore(%arg18 : memref<!tpu.dma_semaphore, #tpu.memory_space<semaphore_mem>>)
    %dma_start3A_33 = arith.constant 4 : i32
    %dma_start3A_34 = arith.constant 0 : i32
    %dma_start3A_35 = tpu.memref_slice %arg7[%dma_start3A_33, %dma_start3A_34] : memref<50x50xi32, #tpu.memory_space<vmem>> -> memref<1x50xi32, #tpu.memory_space<vmem>>
    %dma_start3A_36 = tpu.memref_squeeze %dma_start3A_35 : memref<1x50xi32, #tpu.memory_space<vmem>> -> memref<50xi32, #tpu.memory_space<vmem>>
    %dma_start3A_37 = arith.constant 0 : i32
    %dma_start3A_38 = arith.constant 0 : i32
    %dma_start3A_39 = tpu.memref_slice %arg2[%dma_start3A_37, %dma_start3A_38] : memref<10000x128xf32, #tpu.memory_space<hbm>> -> memref<10000x128xf32, #tpu.memory_space<hbm>>
    tpu.enqueue_indirect_dma source(%dma_start3A_39 : memref<10000x128xf32, #tpu.memory_space<hbm>>) target(%arg13 : memref<50x128xf32, #tpu.memory_space<vmem>>) offsets(%dma_start3A_36 : memref<50xi32, #tpu.memory_space<vmem>>) semaphore(%arg19 : memref<!tpu.dma_semaphore, #tpu.memory_space<semaphore_mem>>)
    %scan3A = arith.constant 0 : i32
    %scan3A_40 = arith.constant 0 : i32
    %scan3A_41 = arith.constant 10 : i32
    %scan3A_42 = arith.addi %scan3A_40, %scan3A_41 : i32
    %scan3A_43 = arith.constant 1 : i32
    scf.for %scan3A_184 = %scan3A_40 to %scan3A_42 step %scan3A_43  : i32 {
      %mul3A_185 = arith.constant 5 : i32
      %mul3A_186 = arith.muli %mul3A_185, %scan3A_184 : i32
      %add3A_187 = arith.constant 0 : i32
      %add3A_188 = arith.addi %mul3A_186, %add3A_187 : i32
      %dma_wait3A = arith.constant 0 : i32
      %dma_wait3A_189 = tpu.memref_slice %arg7[%add3A_188, %dma_wait3A] : memref<50x50xi32, #tpu.memory_space<vmem>> -> memref<1x50xi32, #tpu.memory_space<vmem>>
      %dma_wait3A_190 = tpu.memref_squeeze %dma_wait3A_189 : memref<1x50xi32, #tpu.memory_space<vmem>> -> memref<50xi32, #tpu.memory_space<vmem>>
      %dma_wait3A_191 = arith.constant 0 : i32
      %dma_wait3A_192 = arith.constant 0 : i32
      %dma_wait3A_193 = tpu.memref_slice %arg2[%dma_wait3A_191, %dma_wait3A_192] : memref<10000x128xf32, #tpu.memory_space<hbm>> -> memref<10000x128xf32, #tpu.memory_space<hbm>>
      tpu.wait_indirect_dma semaphore(%arg15 : memref<!tpu.dma_semaphore, #tpu.memory_space<semaphore_mem>>) src(%dma_wait3A_193 : memref<10000x128xf32, #tpu.memory_space<hbm>>) dst(%arg9 : memref<50x128xf32, #tpu.memory_space<vmem>>)
      "tpu.region"() ({
        %run_scoped3A_260 = tpu.sem_alloc : memref<!tpu.dma_semaphore, #tpu.memory_space<semaphore_mem>>
        %dma_start3A_261 = arith.constant 0 : i32
        %dma_start3A_262 = tpu.memref_slice %arg8[%add3A_188, %dma_start3A_261] : memref<50x50xi32, #tpu.memory_space<vmem>> -> memref<1x50xi32, #tpu.memory_space<vmem>>
        %dma_start3A_263 = tpu.memref_squeeze %dma_start3A_262 : memref<1x50xi32, #tpu.memory_space<vmem>> -> memref<50xi32, #tpu.memory_space<vmem>>
        %dma_start3A_264 = arith.constant 0 : i32
        %dma_start3A_265 = arith.constant 0 : i32
        %dma_start3A_266 = tpu.memref_slice %arg14[%dma_start3A_264, %dma_start3A_265] : memref<10000x128xf32, #tpu.memory_space<vmem_shared>> -> memref<10000x128xf32, #tpu.memory_space<vmem_shared>>
        tpu.enqueue_indirect_dma source(%arg9 : memref<50x128xf32, #tpu.memory_space<vmem>>) target(%dma_start3A_266 : memref<10000x128xf32, #tpu.memory_space<vmem_shared>>) offsets(%dma_start3A_263 : memref<50xi32, #tpu.memory_space<vmem>>) semaphore(%run_scoped3A_260 : memref<!tpu.dma_semaphore, #tpu.memory_space<semaphore_mem>>) {add = true}
        %dma_wait3A_267 = arith.constant 0 : i32
        %dma_wait3A_268 = tpu.memref_slice %arg8[%add3A_188, %dma_wait3A_267] : memref<50x50xi32, #tpu.memory_space<vmem>> -> memref<1x50xi32, #tpu.memory_space<vmem>>
        %dma_wait3A_269 = tpu.memref_squeeze %dma_wait3A_268 : memref<1x50xi32, #tpu.memory_space<vmem>> -> memref<50xi32, #tpu.memory_space<vmem>>
        %dma_wait3A_270 = arith.constant 0 : i32
        %dma_wait3A_271 = arith.constant 0 : i32
        %dma_wait3A_272 = tpu.memref_slice %arg14[%dma_wait3A_270, %dma_wait3A_271] : memref<10000x128xf32, #tpu.memory_space<vmem_shared>> -> memref<10000x128xf32, #tpu.memory_space<vmem_shared>>
        tpu.wait_indirect_dma semaphore(%run_scoped3A_260 : memref<!tpu.dma_semaphore, #tpu.memory_space<semaphore_mem>>) src(%arg9 : memref<50x128xf32, #tpu.memory_space<vmem>>) dst(%dma_wait3A_272 : memref<10000x128xf32, #tpu.memory_space<vmem_shared>>)
        tpu.yield
      }) : () -> ()
      %add3A_194 = arith.constant 5 : i32
      %add3A_195 = arith.addi %add3A_188, %add3A_194 : i32
      %lt3A = arith.constant 50 : i32
      %lt3A_196 = arith.cmpi slt, %add3A_195, %lt3A : i32
      %convert_element_type3A_197 = arith.extui %lt3A_196 : i1 to i32
      %cond3A_198 = arith.constant 0 : i32
      %cond3A_199 = arith.cmpi ne, %convert_element_type3A_197, %cond3A_198 : i32
      scf.if %cond3A_199 {
        %add3A_260 = arith.constant 5 : i32
        %add3A_261 = arith.addi %add3A_188, %add3A_260 : i32
        %dma_start3A_262 = arith.constant 0 : i32
        %dma_start3A_263 = tpu.memref_slice %arg7[%add3A_261, %dma_start3A_262] : memref<50x50xi32, #tpu.memory_space<vmem>> -> memref<1x50xi32, #tpu.memory_space<vmem>>
        %dma_start3A_264 = tpu.memref_squeeze %dma_start3A_263 : memref<1x50xi32, #tpu.memory_space<vmem>> -> memref<50xi32, #tpu.memory_space<vmem>>
        %dma_start3A_265 = arith.constant 0 : i32
        %dma_start3A_266 = arith.constant 0 : i32
        %dma_start3A_267 = tpu.memref_slice %arg2[%dma_start3A_265, %dma_start3A_266] : memref<10000x128xf32, #tpu.memory_space<hbm>> -> memref<10000x128xf32, #tpu.memory_space<hbm>>
        tpu.enqueue_indirect_dma source(%dma_start3A_267 : memref<10000x128xf32, #tpu.memory_space<hbm>>) target(%arg9 : memref<50x128xf32, #tpu.memory_space<vmem>>) offsets(%dma_start3A_264 : memref<50xi32, #tpu.memory_space<vmem>>) semaphore(%arg15 : memref<!tpu.dma_semaphore, #tpu.memory_space<semaphore_mem>>)
      } else {
      }
      %add3A_200 = arith.constant 1 : i32
      %add3A_201 = arith.addi %mul3A_186, %add3A_200 : i32
      %dma_wait3A_202 = arith.constant 0 : i32
      %dma_wait3A_203 = tpu.memref_slice %arg7[%add3A_201, %dma_wait3A_202] : memref<50x50xi32, #tpu.memory_space<vmem>> -> memref<1x50xi32, #tpu.memory_space<vmem>>
      %dma_wait3A_204 = tpu.memref_squeeze %dma_wait3A_203 : memref<1x50xi32, #tpu.memory_space<vmem>> -> memref<50xi32, #tpu.memory_space<vmem>>
      %dma_wait3A_205 = arith.constant 0 : i32
      %dma_wait3A_206 = arith.constant 0 : i32
      %dma_wait3A_207 = tpu.memref_slice %arg2[%dma_wait3A_205, %dma_wait3A_206] : memref<10000x128xf32, #tpu.memory_space<hbm>> -> memref<10000x128xf32, #tpu.memory_space<hbm>>
      tpu.wait_indirect_dma semaphore(%arg16 : memref<!tpu.dma_semaphore, #tpu.memory_space<semaphore_mem>>) src(%dma_wait3A_207 : memref<10000x128xf32, #tpu.memory_space<hbm>>) dst(%arg10 : memref<50x128xf32, #tpu.memory_space<vmem>>)
      "tpu.region"() ({
        %run_scoped3A_260 = tpu.sem_alloc : memref<!tpu.dma_semaphore, #tpu.memory_space<semaphore_mem>>
        %dma_start3A_261 = arith.constant 0 : i32
        %dma_start3A_262 = tpu.memref_slice %arg8[%add3A_201, %dma_start3A_261] : memref<50x50xi32, #tpu.memory_space<vmem>> -> memref<1x50xi32, #tpu.memory_space<vmem>>
        %dma_start3A_263 = tpu.memref_squeeze %dma_start3A_262 : memref<1x50xi32, #tpu.memory_space<vmem>> -> memref<50xi32, #tpu.memory_space<vmem>>
        %dma_start3A_264 = arith.constant 0 : i32
        %dma_start3A_265 = arith.constant 0 : i32
        %dma_start3A_266 = tpu.memref_slice %arg14[%dma_start3A_264, %dma_start3A_265] : memref<10000x128xf32, #tpu.memory_space<vmem_shared>> -> memref<10000x128xf32, #tpu.memory_space<vmem_shared>>
        tpu.enqueue_indirect_dma source(%arg10 : memref<50x128xf32, #tpu.memory_space<vmem>>) target(%dma_start3A_266 : memref<10000x128xf32, #tpu.memory_space<vmem_shared>>) offsets(%dma_start3A_263 : memref<50xi32, #tpu.memory_space<vmem>>) semaphore(%run_scoped3A_260 : memref<!tpu.dma_semaphore, #tpu.memory_space<semaphore_mem>>) {add = true}
        %dma_wait3A_267 = arith.constant 0 : i32
        %dma_wait3A_268 = tpu.memref_slice %arg8[%add3A_201, %dma_wait3A_267] : memref<50x50xi32, #tpu.memory_space<vmem>> -> memref<1x50xi32, #tpu.memory_space<vmem>>
        %dma_wait3A_269 = tpu.memref_squeeze %dma_wait3A_268 : memref<1x50xi32, #tpu.memory_space<vmem>> -> memref<50xi32, #tpu.memory_space<vmem>>
        %dma_wait3A_270 = arith.constant 0 : i32
        %dma_wait3A_271 = arith.constant 0 : i32
        %dma_wait3A_272 = tpu.memref_slice %arg14[%dma_wait3A_270, %dma_wait3A_271] : memref<10000x128xf32, #tpu.memory_space<vmem_shared>> -> memref<10000x128xf32, #tpu.memory_space<vmem_shared>>
        tpu.wait_indirect_dma semaphore(%run_scoped3A_260 : memref<!tpu.dma_semaphore, #tpu.memory_space<semaphore_mem>>) src(%arg10 : memref<50x128xf32, #tpu.memory_space<vmem>>) dst(%dma_wait3A_272 : memref<10000x128xf32, #tpu.memory_space<vmem_shared>>)
        tpu.yield
      }) : () -> ()
      %add3A_208 = arith.constant 5 : i32
      %add3A_209 = arith.addi %add3A_201, %add3A_208 : i32
      %lt3A_210 = arith.constant 50 : i32
      %lt3A_211 = arith.cmpi slt, %add3A_209, %lt3A_210 : i32
      %convert_element_type3A_212 = arith.extui %lt3A_211 : i1 to i32
      %cond3A_213 = arith.constant 0 : i32
      %cond3A_214 = arith.cmpi ne, %convert_element_type3A_212, %cond3A_213 : i32
      scf.if %cond3A_214 {
        %add3A_260 = arith.constant 5 : i32
        %add3A_261 = arith.addi %add3A_201, %add3A_260 : i32
        %dma_start3A_262 = arith.constant 0 : i32
        %dma_start3A_263 = tpu.memref_slice %arg7[%add3A_261, %dma_start3A_262] : memref<50x50xi32, #tpu.memory_space<vmem>> -> memref<1x50xi32, #tpu.memory_space<vmem>>
        %dma_start3A_264 = tpu.memref_squeeze %dma_start3A_263 : memref<1x50xi32, #tpu.memory_space<vmem>> -> memref<50xi32, #tpu.memory_space<vmem>>
        %dma_start3A_265 = arith.constant 0 : i32
        %dma_start3A_266 = arith.constant 0 : i32
        %dma_start3A_267 = tpu.memref_slice %arg2[%dma_start3A_265, %dma_start3A_266] : memref<10000x128xf32, #tpu.memory_space<hbm>> -> memref<10000x128xf32, #tpu.memory_space<hbm>>
        tpu.enqueue_indirect_dma source(%dma_start3A_267 : memref<10000x128xf32, #tpu.memory_space<hbm>>) target(%arg10 : memref<50x128xf32, #tpu.memory_space<vmem>>) offsets(%dma_start3A_264 : memref<50xi32, #tpu.memory_space<vmem>>) semaphore(%arg16 : memref<!tpu.dma_semaphore, #tpu.memory_space<semaphore_mem>>)
      } else {
      }
      %add3A_215 = arith.constant 2 : i32
      %add3A_216 = arith.addi %mul3A_186, %add3A_215 : i32
      %dma_wait3A_217 = arith.constant 0 : i32
      %dma_wait3A_218 = tpu.memref_slice %arg7[%add3A_216, %dma_wait3A_217] : memref<50x50xi32, #tpu.memory_space<vmem>> -> memref<1x50xi32, #tpu.memory_space<vmem>>
      %dma_wait3A_219 = tpu.memref_squeeze %dma_wait3A_218 : memref<1x50xi32, #tpu.memory_space<vmem>> -> memref<50xi32, #tpu.memory_space<vmem>>
      %dma_wait3A_220 = arith.constant 0 : i32
      %dma_wait3A_221 = arith.constant 0 : i32
      %dma_wait3A_222 = tpu.memref_slice %arg2[%dma_wait3A_220, %dma_wait3A_221] : memref<10000x128xf32, #tpu.memory_space<hbm>> -> memref<10000x128xf32, #tpu.memory_space<hbm>>
      tpu.wait_indirect_dma semaphore(%arg17 : memref<!tpu.dma_semaphore, #tpu.memory_space<semaphore_mem>>) src(%dma_wait3A_222 : memref<10000x128xf32, #tpu.memory_space<hbm>>) dst(%arg11 : memref<50x128xf32, #tpu.memory_space<vmem>>)
      "tpu.region"() ({
        %run_scoped3A_260 = tpu.sem_alloc : memref<!tpu.dma_semaphore, #tpu.memory_space<semaphore_mem>>
        %dma_start3A_261 = arith.constant 0 : i32
        %dma_start3A_262 = tpu.memref_slice %arg8[%add3A_216, %dma_start3A_261] : memref<50x50xi32, #tpu.memory_space<vmem>> -> memref<1x50xi32, #tpu.memory_space<vmem>>
        %dma_start3A_263 = tpu.memref_squeeze %dma_start3A_262 : memref<1x50xi32, #tpu.memory_space<vmem>> -> memref<50xi32, #tpu.memory_space<vmem>>
        %dma_start3A_264 = arith.constant 0 : i32
        %dma_start3A_265 = arith.constant 0 : i32
        %dma_start3A_266 = tpu.memref_slice %arg14[%dma_start3A_264, %dma_start3A_265] : memref<10000x128xf32, #tpu.memory_space<vmem_shared>> -> memref<10000x128xf32, #tpu.memory_space<vmem_shared>>
        tpu.enqueue_indirect_dma source(%arg11 : memref<50x128xf32, #tpu.memory_space<vmem>>) target(%dma_start3A_266 : memref<10000x128xf32, #tpu.memory_space<vmem_shared>>) offsets(%dma_start3A_263 : memref<50xi32, #tpu.memory_space<vmem>>) semaphore(%run_scoped3A_260 : memref<!tpu.dma_semaphore, #tpu.memory_space<semaphore_mem>>) {add = true}
        %dma_wait3A_267 = arith.constant 0 : i32
        %dma_wait3A_268 = tpu.memref_slice %arg8[%add3A_216, %dma_wait3A_267] : memref<50x50xi32, #tpu.memory_space<vmem>> -> memref<1x50xi32, #tpu.memory_space<vmem>>
        %dma_wait3A_269 = tpu.memref_squeeze %dma_wait3A_268 : memref<1x50xi32, #tpu.memory_space<vmem>> -> memref<50xi32, #tpu.memory_space<vmem>>
        %dma_wait3A_270 = arith.constant 0 : i32
        %dma_wait3A_271 = arith.constant 0 : i32
        %dma_wait3A_272 = tpu.memref_slice %arg14[%dma_wait3A_270, %dma_wait3A_271] : memref<10000x128xf32, #tpu.memory_space<vmem_shared>> -> memref<10000x128xf32, #tpu.memory_space<vmem_shared>>
        tpu.wait_indirect_dma semaphore(%run_scoped3A_260 : memref<!tpu.dma_semaphore, #tpu.memory_space<semaphore_mem>>) src(%arg11 : memref<50x128xf32, #tpu.memory_space<vmem>>) dst(%dma_wait3A_272 : memref<10000x128xf32, #tpu.memory_space<vmem_shared>>)
        tpu.yield
      }) : () -> ()
      %add3A_223 = arith.constant 5 : i32
      %add3A_224 = arith.addi %add3A_216, %add3A_223 : i32
      %lt3A_225 = arith.constant 50 : i32
      %lt3A_226 = arith.cmpi slt, %add3A_224, %lt3A_225 : i32
      %convert_element_type3A_227 = arith.extui %lt3A_226 : i1 to i32
      %cond3A_228 = arith.constant 0 : i32
      %cond3A_229 = arith.cmpi ne, %convert_element_type3A_227, %cond3A_228 : i32
      scf.if %cond3A_229 {
        %add3A_260 = arith.constant 5 : i32
        %add3A_261 = arith.addi %add3A_216, %add3A_260 : i32
        %dma_start3A_262 = arith.constant 0 : i32
        %dma_start3A_263 = tpu.memref_slice %arg7[%add3A_261, %dma_start3A_262] : memref<50x50xi32, #tpu.memory_space<vmem>> -> memref<1x50xi32, #tpu.memory_space<vmem>>
        %dma_start3A_264 = tpu.memref_squeeze %dma_start3A_263 : memref<1x50xi32, #tpu.memory_space<vmem>> -> memref<50xi32, #tpu.memory_space<vmem>>
        %dma_start3A_265 = arith.constant 0 : i32
        %dma_start3A_266 = arith.constant 0 : i32
        %dma_start3A_267 = tpu.memref_slice %arg2[%dma_start3A_265, %dma_start3A_266] : memref<10000x128xf32, #tpu.memory_space<hbm>> -> memref<10000x128xf32, #tpu.memory_space<hbm>>
        tpu.enqueue_indirect_dma source(%dma_start3A_267 : memref<10000x128xf32, #tpu.memory_space<hbm>>) target(%arg11 : memref<50x128xf32, #tpu.memory_space<vmem>>) offsets(%dma_start3A_264 : memref<50xi32, #tpu.memory_space<vmem>>) semaphore(%arg17 : memref<!tpu.dma_semaphore, #tpu.memory_space<semaphore_mem>>)
      } else {
      }
      %add3A_230 = arith.constant 3 : i32
      %add3A_231 = arith.addi %mul3A_186, %add3A_230 : i32
      %dma_wait3A_232 = arith.constant 0 : i32
      %dma_wait3A_233 = tpu.memref_slice %arg7[%add3A_231, %dma_wait3A_232] : memref<50x50xi32, #tpu.memory_space<vmem>> -> memref<1x50xi32, #tpu.memory_space<vmem>>
      %dma_wait3A_234 = tpu.memref_squeeze %dma_wait3A_233 : memref<1x50xi32, #tpu.memory_space<vmem>> -> memref<50xi32, #tpu.memory_space<vmem>>
      %dma_wait3A_235 = arith.constant 0 : i32
      %dma_wait3A_236 = arith.constant 0 : i32
      %dma_wait3A_237 = tpu.memref_slice %arg2[%dma_wait3A_235, %dma_wait3A_236] : memref<10000x128xf32, #tpu.memory_space<hbm>> -> memref<10000x128xf32, #tpu.memory_space<hbm>>
      tpu.wait_indirect_dma semaphore(%arg18 : memref<!tpu.dma_semaphore, #tpu.memory_space<semaphore_mem>>) src(%dma_wait3A_237 : memref<10000x128xf32, #tpu.memory_space<hbm>>) dst(%arg12 : memref<50x128xf32, #tpu.memory_space<vmem>>)
      "tpu.region"() ({
        %run_scoped3A_260 = tpu.sem_alloc : memref<!tpu.dma_semaphore, #tpu.memory_space<semaphore_mem>>
        %dma_start3A_261 = arith.constant 0 : i32
        %dma_start3A_262 = tpu.memref_slice %arg8[%add3A_231, %dma_start3A_261] : memref<50x50xi32, #tpu.memory_space<vmem>> -> memref<1x50xi32, #tpu.memory_space<vmem>>
        %dma_start3A_263 = tpu.memref_squeeze %dma_start3A_262 : memref<1x50xi32, #tpu.memory_space<vmem>> -> memref<50xi32, #tpu.memory_space<vmem>>
        %dma_start3A_264 = arith.constant 0 : i32
        %dma_start3A_265 = arith.constant 0 : i32
        %dma_start3A_266 = tpu.memref_slice %arg14[%dma_start3A_264, %dma_start3A_265] : memref<10000x128xf32, #tpu.memory_space<vmem_shared>> -> memref<10000x128xf32, #tpu.memory_space<vmem_shared>>
        tpu.enqueue_indirect_dma source(%arg12 : memref<50x128xf32, #tpu.memory_space<vmem>>) target(%dma_start3A_266 : memref<10000x128xf32, #tpu.memory_space<vmem_shared>>) offsets(%dma_start3A_263 : memref<50xi32, #tpu.memory_space<vmem>>) semaphore(%run_scoped3A_260 : memref<!tpu.dma_semaphore, #tpu.memory_space<semaphore_mem>>) {add = true}
        %dma_wait3A_267 = arith.constant 0 : i32
        %dma_wait3A_268 = tpu.memref_slice %arg8[%add3A_231, %dma_wait3A_267] : memref<50x50xi32, #tpu.memory_space<vmem>> -> memref<1x50xi32, #tpu.memory_space<vmem>>
        %dma_wait3A_269 = tpu.memref_squeeze %dma_wait3A_268 : memref<1x50xi32, #tpu.memory_space<vmem>> -> memref<50xi32, #tpu.memory_space<vmem>>
        %dma_wait3A_270 = arith.constant 0 : i32
        %dma_wait3A_271 = arith.constant 0 : i32
        %dma_wait3A_272 = tpu.memref_slice %arg14[%dma_wait3A_270, %dma_wait3A_271] : memref<10000x128xf32, #tpu.memory_space<vmem_shared>> -> memref<10000x128xf32, #tpu.memory_space<vmem_shared>>
        tpu.wait_indirect_dma semaphore(%run_scoped3A_260 : memref<!tpu.dma_semaphore, #tpu.memory_space<semaphore_mem>>) src(%arg12 : memref<50x128xf32, #tpu.memory_space<vmem>>) dst(%dma_wait3A_272 : memref<10000x128xf32, #tpu.memory_space<vmem_shared>>)
        tpu.yield
      }) : () -> ()
      %add3A_238 = arith.constant 5 : i32
      %add3A_239 = arith.addi %add3A_231, %add3A_238 : i32
      %lt3A_240 = arith.constant 50 : i32
      %lt3A_241 = arith.cmpi slt, %add3A_239, %lt3A_240 : i32
      %convert_element_type3A_242 = arith.extui %lt3A_241 : i1 to i32
      %cond3A_243 = arith.constant 0 : i32
      %cond3A_244 = arith.cmpi ne, %convert_element_type3A_242, %cond3A_243 : i32
      scf.if %cond3A_244 {
        %add3A_260 = arith.constant 5 : i32
        %add3A_261 = arith.addi %add3A_231, %add3A_260 : i32
        %dma_start3A_262 = arith.constant 0 : i32
        %dma_start3A_263 = tpu.memref_slice %arg7[%add3A_261, %dma_start3A_262] : memref<50x50xi32, #tpu.memory_space<vmem>> -> memref<1x50xi32, #tpu.memory_space<vmem>>
        %dma_start3A_264 = tpu.memref_squeeze %dma_start3A_263 : memref<1x50xi32, #tpu.memory_space<vmem>> -> memref<50xi32, #tpu.memory_space<vmem>>
        %dma_start3A_265 = arith.constant 0 : i32
        %dma_start3A_266 = arith.constant 0 : i32
        %dma_start3A_267 = tpu.memref_slice %arg2[%dma_start3A_265, %dma_start3A_266] : memref<10000x128xf32, #tpu.memory_space<hbm>> -> memref<10000x128xf32, #tpu.memory_space<hbm>>
        tpu.enqueue_indirect_dma source(%dma_start3A_267 : memref<10000x128xf32, #tpu.memory_space<hbm>>) target(%arg12 : memref<50x128xf32, #tpu.memory_space<vmem>>) offsets(%dma_start3A_264 : memref<50xi32, #tpu.memory_space<vmem>>) semaphore(%arg18 : memref<!tpu.dma_semaphore, #tpu.memory_space<semaphore_mem>>)
      } else {
      }
      %add3A_245 = arith.constant 4 : i32
      %add3A_246 = arith.addi %mul3A_186, %add3A_245 : i32
      %dma_wait3A_247 = arith.constant 0 : i32
      %dma_wait3A_248 = tpu.memref_slice %arg7[%add3A_246, %dma_wait3A_247] : memref<50x50xi32, #tpu.memory_space<vmem>> -> memref<1x50xi32, #tpu.memory_space<vmem>>
      %dma_wait3A_249 = tpu.memref_squeeze %dma_wait3A_248 : memref<1x50xi32, #tpu.memory_space<vmem>> -> memref<50xi32, #tpu.memory_space<vmem>>
      %dma_wait3A_250 = arith.constant 0 : i32
      %dma_wait3A_251 = arith.constant 0 : i32
      %dma_wait3A_252 = tpu.memref_slice %arg2[%dma_wait3A_250, %dma_wait3A_251] : memref<10000x128xf32, #tpu.memory_space<hbm>> -> memref<10000x128xf32, #tpu.memory_space<hbm>>
      tpu.wait_indirect_dma semaphore(%arg19 : memref<!tpu.dma_semaphore, #tpu.memory_space<semaphore_mem>>) src(%dma_wait3A_252 : memref<10000x128xf32, #tpu.memory_space<hbm>>) dst(%arg13 : memref<50x128xf32, #tpu.memory_space<vmem>>)
      "tpu.region"() ({
        %run_scoped3A_260 = tpu.sem_alloc : memref<!tpu.dma_semaphore, #tpu.memory_space<semaphore_mem>>
        %dma_start3A_261 = arith.constant 0 : i32
        %dma_start3A_262 = tpu.memref_slice %arg8[%add3A_246, %dma_start3A_261] : memref<50x50xi32, #tpu.memory_space<vmem>> -> memref<1x50xi32, #tpu.memory_space<vmem>>
        %dma_start3A_263 = tpu.memref_squeeze %dma_start3A_262 : memref<1x50xi32, #tpu.memory_space<vmem>> -> memref<50xi32, #tpu.memory_space<vmem>>
        %dma_start3A_264 = arith.constant 0 : i32
        %dma_start3A_265 = arith.constant 0 : i32
        %dma_start3A_266 = tpu.memref_slice %arg14[%dma_start3A_264, %dma_start3A_265] : memref<10000x128xf32, #tpu.memory_space<vmem_shared>> -> memref<10000x128xf32, #tpu.memory_space<vmem_shared>>
        tpu.enqueue_indirect_dma source(%arg13 : memref<50x128xf32, #tpu.memory_space<vmem>>) target(%dma_start3A_266 : memref<10000x128xf32, #tpu.memory_space<vmem_shared>>) offsets(%dma_start3A_263 : memref<50xi32, #tpu.memory_space<vmem>>) semaphore(%run_scoped3A_260 : memref<!tpu.dma_semaphore, #tpu.memory_space<semaphore_mem>>) {add = true}
        %dma_wait3A_267 = arith.constant 0 : i32
        %dma_wait3A_268 = tpu.memref_slice %arg8[%add3A_246, %dma_wait3A_267] : memref<50x50xi32, #tpu.memory_space<vmem>> -> memref<1x50xi32, #tpu.memory_space<vmem>>
        %dma_wait3A_269 = tpu.memref_squeeze %dma_wait3A_268 : memref<1x50xi32, #tpu.memory_space<vmem>> -> memref<50xi32, #tpu.memory_space<vmem>>
        %dma_wait3A_270 = arith.constant 0 : i32
        %dma_wait3A_271 = arith.constant 0 : i32
        %dma_wait3A_272 = tpu.memref_slice %arg14[%dma_wait3A_270, %dma_wait3A_271] : memref<10000x128xf32, #tpu.memory_space<vmem_shared>> -> memref<10000x128xf32, #tpu.memory_space<vmem_shared>>
        tpu.wait_indirect_dma semaphore(%run_scoped3A_260 : memref<!tpu.dma_semaphore, #tpu.memory_space<semaphore_mem>>) src(%arg13 : memref<50x128xf32, #tpu.memory_space<vmem>>) dst(%dma_wait3A_272 : memref<10000x128xf32, #tpu.memory_space<vmem_shared>>)
        tpu.yield
      }) : () -> ()
      %add3A_253 = arith.constant 5 : i32
      %add3A_254 = arith.addi %add3A_246, %add3A_253 : i32
      %lt3A_255 = arith.constant 50 : i32
      %lt3A_256 = arith.cmpi slt, %add3A_254, %lt3A_255 : i32
      %convert_element_type3A_257 = arith.extui %lt3A_256 : i1 to i32
      %cond3A_258 = arith.constant 0 : i32
      %cond3A_259 = arith.cmpi ne, %convert_element_type3A_257, %cond3A_258 : i32
      scf.if %cond3A_259 {
        %add3A_260 = arith.constant 5 : i32
        %add3A_261 = arith.addi %add3A_246, %add3A_260 : i32
        %dma_start3A_262 = arith.constant 0 : i32
        %dma_start3A_263 = tpu.memref_slice %arg7[%add3A_261, %dma_start3A_262] : memref<50x50xi32, #tpu.memory_space<vmem>> -> memref<1x50xi32, #tpu.memory_space<vmem>>
        %dma_start3A_264 = tpu.memref_squeeze %dma_start3A_263 : memref<1x50xi32, #tpu.memory_space<vmem>> -> memref<50xi32, #tpu.memory_space<vmem>>
        %dma_start3A_265 = arith.constant 0 : i32
        %dma_start3A_266 = arith.constant 0 : i32
        %dma_start3A_267 = tpu.memref_slice %arg2[%dma_start3A_265, %dma_start3A_266] : memref<10000x128xf32, #tpu.memory_space<hbm>> -> memref<10000x128xf32, #tpu.memory_space<hbm>>
        tpu.enqueue_indirect_dma source(%dma_start3A_267 : memref<10000x128xf32, #tpu.memory_space<hbm>>) target(%arg13 : memref<50x128xf32, #tpu.memory_space<vmem>>) offsets(%dma_start3A_264 : memref<50xi32, #tpu.memory_space<vmem>>) semaphore(%arg19 : memref<!tpu.dma_semaphore, #tpu.memory_space<semaphore_mem>>)
      } else {
      }
    }
    %scan3A_44 = arith.constant 10 : i32
    %run_scoped3A_45 = arith.constant 1 : i32
    "tpu.region"() ({
      %run_scoped3A_184 = tpu.sem_alloc : memref<!tpu.dma_semaphore, #tpu.memory_space<semaphore_mem>>
      %dma_start3A_185 = arith.constant 0 : i32
      %dma_start3A_186 = arith.constant 0 : i32
      %dma_start3A_187 = arith.constant 0 : i32
      %dma_start3A_188 = tpu.memref_slice %arg3[%add3A, %dma_start3A_185, %dma_start3A_186, %dma_start3A_187] : memref<32x4x50x50xi32, #tpu.memory_space<hbm>> -> memref<1x4x50x50xi32, #tpu.memory_space<hbm>>
      %dma_start3A_189 = tpu.memref_squeeze %dma_start3A_188 : memref<1x4x50x50xi32, #tpu.memory_space<hbm>> -> memref<4x50x50xi32, #tpu.memory_space<hbm>>
      %dma_start3A_190 = arith.constant 0 : i32
      %dma_start3A_191 = arith.constant 0 : i32
      %dma_start3A_192 = tpu.memref_slice %dma_start3A_189[%run_scoped3A_45, %dma_start3A_190, %dma_start3A_191] : memref<4x50x50xi32, #tpu.memory_space<hbm>> -> memref<1x50x50xi32, #tpu.memory_space<hbm>>
      %dma_start3A_193 = tpu.memref_squeeze %dma_start3A_192 : memref<1x50x50xi32, #tpu.memory_space<hbm>> -> memref<50x50xi32, #tpu.memory_space<hbm>>
      %dma_start3A_194 = arith.constant 0 : i32
      %dma_start3A_195 = arith.constant 0 : i32
      %dma_start3A_196 = arith.constant 0 : i32
      %dma_start3A_197 = tpu.memref_slice %arg3[%add3A, %dma_start3A_194, %dma_start3A_195, %dma_start3A_196] : memref<32x4x50x50xi32, #tpu.memory_space<hbm>> -> memref<1x4x50x50xi32, #tpu.memory_space<hbm>>
      %dma_start3A_198 = tpu.memref_squeeze %dma_start3A_197 : memref<1x4x50x50xi32, #tpu.memory_space<hbm>> -> memref<4x50x50xi32, #tpu.memory_space<hbm>>
      %dma_start3A_199 = arith.constant 0 : i32
      %dma_start3A_200 = arith.constant 0 : i32
      %dma_start3A_201 = tpu.memref_slice %dma_start3A_198[%run_scoped3A_45, %dma_start3A_199, %dma_start3A_200] : memref<4x50x50xi32, #tpu.memory_space<hbm>> -> memref<1x50x50xi32, #tpu.memory_space<hbm>>
      %dma_start3A_202 = tpu.memref_squeeze %dma_start3A_201 : memref<1x50x50xi32, #tpu.memory_space<hbm>> -> memref<50x50xi32, #tpu.memory_space<hbm>>
      tpu.enqueue_dma source(%dma_start3A_202 : memref<50x50xi32, #tpu.memory_space<hbm>>) target(%arg7 : memref<50x50xi32, #tpu.memory_space<vmem>>) target_semaphore(%run_scoped3A_184 : memref<!tpu.dma_semaphore, #tpu.memory_space<semaphore_mem>>)
      %dma_wait3A = arith.constant 0 : i32
      %dma_wait3A_203 = arith.constant 0 : i32
      %dma_wait3A_204 = arith.constant 0 : i32
      %dma_wait3A_205 = tpu.memref_slice %arg3[%add3A, %dma_wait3A, %dma_wait3A_203, %dma_wait3A_204] : memref<32x4x50x50xi32, #tpu.memory_space<hbm>> -> memref<1x4x50x50xi32, #tpu.memory_space<hbm>>
      %dma_wait3A_206 = tpu.memref_squeeze %dma_wait3A_205 : memref<1x4x50x50xi32, #tpu.memory_space<hbm>> -> memref<4x50x50xi32, #tpu.memory_space<hbm>>
      %dma_wait3A_207 = arith.constant 0 : i32
      %dma_wait3A_208 = arith.constant 0 : i32
      %dma_wait3A_209 = tpu.memref_slice %dma_wait3A_206[%run_scoped3A_45, %dma_wait3A_207, %dma_wait3A_208] : memref<4x50x50xi32, #tpu.memory_space<hbm>> -> memref<1x50x50xi32, #tpu.memory_space<hbm>>
      %dma_wait3A_210 = tpu.memref_squeeze %dma_wait3A_209 : memref<1x50x50xi32, #tpu.memory_space<hbm>> -> memref<50x50xi32, #tpu.memory_space<hbm>>
      %dma_wait3A_211 = arith.constant 0 : i32
      %dma_wait3A_212 = arith.constant 0 : i32
      %dma_wait3A_213 = arith.constant 0 : i32
      %dma_wait3A_214 = tpu.memref_slice %arg3[%add3A, %dma_wait3A_211, %dma_wait3A_212, %dma_wait3A_213] : memref<32x4x50x50xi32, #tpu.memory_space<hbm>> -> memref<1x4x50x50xi32, #tpu.memory_space<hbm>>
      %dma_wait3A_215 = tpu.memref_squeeze %dma_wait3A_214 : memref<1x4x50x50xi32, #tpu.memory_space<hbm>> -> memref<4x50x50xi32, #tpu.memory_space<hbm>>
      %dma_wait3A_216 = arith.constant 0 : i32
      %dma_wait3A_217 = arith.constant 0 : i32
      %dma_wait3A_218 = tpu.memref_slice %dma_wait3A_215[%run_scoped3A_45, %dma_wait3A_216, %dma_wait3A_217] : memref<4x50x50xi32, #tpu.memory_space<hbm>> -> memref<1x50x50xi32, #tpu.memory_space<hbm>>
      %dma_wait3A_219 = tpu.memref_squeeze %dma_wait3A_218 : memref<1x50x50xi32, #tpu.memory_space<hbm>> -> memref<50x50xi32, #tpu.memory_space<hbm>>
      tpu.wait_dma2 semaphore(%run_scoped3A_184 : memref<!tpu.dma_semaphore, #tpu.memory_space<semaphore_mem>>) src(%dma_wait3A_219 : memref<50x50xi32, #tpu.memory_space<hbm>>) dst(%arg7 : memref<50x50xi32, #tpu.memory_space<vmem>>)
      tpu.yield
    }) : () -> ()
    %run_scoped3A_46 = arith.constant 1 : i32
    "tpu.region"() ({
      %run_scoped3A_184 = tpu.sem_alloc : memref<!tpu.dma_semaphore, #tpu.memory_space<semaphore_mem>>
      %dma_start3A_185 = arith.constant 0 : i32
      %dma_start3A_186 = arith.constant 0 : i32
      %dma_start3A_187 = arith.constant 0 : i32
      %dma_start3A_188 = tpu.memref_slice %arg4[%add3A, %dma_start3A_185, %dma_start3A_186, %dma_start3A_187] : memref<32x4x50x50xi32, #tpu.memory_space<hbm>> -> memref<1x4x50x50xi32, #tpu.memory_space<hbm>>
      %dma_start3A_189 = tpu.memref_squeeze %dma_start3A_188 : memref<1x4x50x50xi32, #tpu.memory_space<hbm>> -> memref<4x50x50xi32, #tpu.memory_space<hbm>>
      %dma_start3A_190 = arith.constant 0 : i32
      %dma_start3A_191 = arith.constant 0 : i32
      %dma_start3A_192 = tpu.memref_slice %dma_start3A_189[%run_scoped3A_46, %dma_start3A_190, %dma_start3A_191] : memref<4x50x50xi32, #tpu.memory_space<hbm>> -> memref<1x50x50xi32, #tpu.memory_space<hbm>>
      %dma_start3A_193 = tpu.memref_squeeze %dma_start3A_192 : memref<1x50x50xi32, #tpu.memory_space<hbm>> -> memref<50x50xi32, #tpu.memory_space<hbm>>
      %dma_start3A_194 = arith.constant 0 : i32
      %dma_start3A_195 = arith.constant 0 : i32
      %dma_start3A_196 = arith.constant 0 : i32
      %dma_start3A_197 = tpu.memref_slice %arg4[%add3A, %dma_start3A_194, %dma_start3A_195, %dma_start3A_196] : memref<32x4x50x50xi32, #tpu.memory_space<hbm>> -> memref<1x4x50x50xi32, #tpu.memory_space<hbm>>
      %dma_start3A_198 = tpu.memref_squeeze %dma_start3A_197 : memref<1x4x50x50xi32, #tpu.memory_space<hbm>> -> memref<4x50x50xi32, #tpu.memory_space<hbm>>
      %dma_start3A_199 = arith.constant 0 : i32
      %dma_start3A_200 = arith.constant 0 : i32
      %dma_start3A_201 = tpu.memref_slice %dma_start3A_198[%run_scoped3A_46, %dma_start3A_199, %dma_start3A_200] : memref<4x50x50xi32, #tpu.memory_space<hbm>> -> memref<1x50x50xi32, #tpu.memory_space<hbm>>
      %dma_start3A_202 = tpu.memref_squeeze %dma_start3A_201 : memref<1x50x50xi32, #tpu.memory_space<hbm>> -> memref<50x50xi32, #tpu.memory_space<hbm>>
      tpu.enqueue_dma source(%dma_start3A_202 : memref<50x50xi32, #tpu.memory_space<hbm>>) target(%arg8 : memref<50x50xi32, #tpu.memory_space<vmem>>) target_semaphore(%run_scoped3A_184 : memref<!tpu.dma_semaphore, #tpu.memory_space<semaphore_mem>>)
      %dma_wait3A = arith.constant 0 : i32
      %dma_wait3A_203 = arith.constant 0 : i32
      %dma_wait3A_204 = arith.constant 0 : i32
      %dma_wait3A_205 = tpu.memref_slice %arg4[%add3A, %dma_wait3A, %dma_wait3A_203, %dma_wait3A_204] : memref<32x4x50x50xi32, #tpu.memory_space<hbm>> -> memref<1x4x50x50xi32, #tpu.memory_space<hbm>>
      %dma_wait3A_206 = tpu.memref_squeeze %dma_wait3A_205 : memref<1x4x50x50xi32, #tpu.memory_space<hbm>> -> memref<4x50x50xi32, #tpu.memory_space<hbm>>
      %dma_wait3A_207 = arith.constant 0 : i32
      %dma_wait3A_208 = arith.constant 0 : i32
      %dma_wait3A_209 = tpu.memref_slice %dma_wait3A_206[%run_scoped3A_46, %dma_wait3A_207, %dma_wait3A_208] : memref<4x50x50xi32, #tpu.memory_space<hbm>> -> memref<1x50x50xi32, #tpu.memory_space<hbm>>
      %dma_wait3A_210 = tpu.memref_squeeze %dma_wait3A_209 : memref<1x50x50xi32, #tpu.memory_space<hbm>> -> memref<50x50xi32, #tpu.memory_space<hbm>>
      %dma_wait3A_211 = arith.constant 0 : i32
      %dma_wait3A_212 = arith.constant 0 : i32
      %dma_wait3A_213 = arith.constant 0 : i32
      %dma_wait3A_214 = tpu.memref_slice %arg4[%add3A, %dma_wait3A_211, %dma_wait3A_212, %dma_wait3A_213] : memref<32x4x50x50xi32, #tpu.memory_space<hbm>> -> memref<1x4x50x50xi32, #tpu.memory_space<hbm>>
      %dma_wait3A_215 = tpu.memref_squeeze %dma_wait3A_214 : memref<1x4x50x50xi32, #tpu.memory_space<hbm>> -> memref<4x50x50xi32, #tpu.memory_space<hbm>>
      %dma_wait3A_216 = arith.constant 0 : i32
      %dma_wait3A_217 = arith.constant 0 : i32
      %dma_wait3A_218 = tpu.memref_slice %dma_wait3A_215[%run_scoped3A_46, %dma_wait3A_216, %dma_wait3A_217] : memref<4x50x50xi32, #tpu.memory_space<hbm>> -> memref<1x50x50xi32, #tpu.memory_space<hbm>>
      %dma_wait3A_219 = tpu.memref_squeeze %dma_wait3A_218 : memref<1x50x50xi32, #tpu.memory_space<hbm>> -> memref<50x50xi32, #tpu.memory_space<hbm>>
      tpu.wait_dma2 semaphore(%run_scoped3A_184 : memref<!tpu.dma_semaphore, #tpu.memory_space<semaphore_mem>>) src(%dma_wait3A_219 : memref<50x50xi32, #tpu.memory_space<hbm>>) dst(%arg8 : memref<50x50xi32, #tpu.memory_space<vmem>>)
      tpu.yield
    }) : () -> ()
    %dma_start3A_47 = arith.constant 0 : i32
    %dma_start3A_48 = arith.constant 0 : i32
    %dma_start3A_49 = tpu.memref_slice %arg7[%dma_start3A_47, %dma_start3A_48] : memref<50x50xi32, #tpu.memory_space<vmem>> -> memref<1x50xi32, #tpu.memory_space<vmem>>
    %dma_start3A_50 = tpu.memref_squeeze %dma_start3A_49 : memref<1x50xi32, #tpu.memory_space<vmem>> -> memref<50xi32, #tpu.memory_space<vmem>>
    %dma_start3A_51 = arith.constant 0 : i32
    %dma_start3A_52 = arith.constant 0 : i32
    %dma_start3A_53 = tpu.memref_slice %arg2[%dma_start3A_51, %dma_start3A_52] : memref<10000x128xf32, #tpu.memory_space<hbm>> -> memref<10000x128xf32, #tpu.memory_space<hbm>>
    tpu.enqueue_indirect_dma source(%dma_start3A_53 : memref<10000x128xf32, #tpu.memory_space<hbm>>) target(%arg9 : memref<50x128xf32, #tpu.memory_space<vmem>>) offsets(%dma_start3A_50 : memref<50xi32, #tpu.memory_space<vmem>>) semaphore(%arg15 : memref<!tpu.dma_semaphore, #tpu.memory_space<semaphore_mem>>)
    %dma_start3A_54 = arith.constant 1 : i32
    %dma_start3A_55 = arith.constant 0 : i32
    %dma_start3A_56 = tpu.memref_slice %arg7[%dma_start3A_54, %dma_start3A_55] : memref<50x50xi32, #tpu.memory_space<vmem>> -> memref<1x50xi32, #tpu.memory_space<vmem>>
    %dma_start3A_57 = tpu.memref_squeeze %dma_start3A_56 : memref<1x50xi32, #tpu.memory_space<vmem>> -> memref<50xi32, #tpu.memory_space<vmem>>
    %dma_start3A_58 = arith.constant 0 : i32
    %dma_start3A_59 = arith.constant 0 : i32
    %dma_start3A_60 = tpu.memref_slice %arg2[%dma_start3A_58, %dma_start3A_59] : memref<10000x128xf32, #tpu.memory_space<hbm>> -> memref<10000x128xf32, #tpu.memory_space<hbm>>
    tpu.enqueue_indirect_dma source(%dma_start3A_60 : memref<10000x128xf32, #tpu.memory_space<hbm>>) target(%arg10 : memref<50x128xf32, #tpu.memory_space<vmem>>) offsets(%dma_start3A_57 : memref<50xi32, #tpu.memory_space<vmem>>) semaphore(%arg16 : memref<!tpu.dma_semaphore, #tpu.memory_space<semaphore_mem>>)
    %dma_start3A_61 = arith.constant 2 : i32
    %dma_start3A_62 = arith.constant 0 : i32
    %dma_start3A_63 = tpu.memref_slice %arg7[%dma_start3A_61, %dma_start3A_62] : memref<50x50xi32, #tpu.memory_space<vmem>> -> memref<1x50xi32, #tpu.memory_space<vmem>>
    %dma_start3A_64 = tpu.memref_squeeze %dma_start3A_63 : memref<1x50xi32, #tpu.memory_space<vmem>> -> memref<50xi32, #tpu.memory_space<vmem>>
    %dma_start3A_65 = arith.constant 0 : i32
    %dma_start3A_66 = arith.constant 0 : i32
    %dma_start3A_67 = tpu.memref_slice %arg2[%dma_start3A_65, %dma_start3A_66] : memref<10000x128xf32, #tpu.memory_space<hbm>> -> memref<10000x128xf32, #tpu.memory_space<hbm>>
    tpu.enqueue_indirect_dma source(%dma_start3A_67 : memref<10000x128xf32, #tpu.memory_space<hbm>>) target(%arg11 : memref<50x128xf32, #tpu.memory_space<vmem>>) offsets(%dma_start3A_64 : memref<50xi32, #tpu.memory_space<vmem>>) semaphore(%arg17 : memref<!tpu.dma_semaphore, #tpu.memory_space<semaphore_mem>>)
    %dma_start3A_68 = arith.constant 3 : i32
    %dma_start3A_69 = arith.constant 0 : i32
    %dma_start3A_70 = tpu.memref_slice %arg7[%dma_start3A_68, %dma_start3A_69] : memref<50x50xi32, #tpu.memory_space<vmem>> -> memref<1x50xi32, #tpu.memory_space<vmem>>
    %dma_start3A_71 = tpu.memref_squeeze %dma_start3A_70 : memref<1x50xi32, #tpu.memory_space<vmem>> -> memref<50xi32, #tpu.memory_space<vmem>>
    %dma_start3A_72 = arith.constant 0 : i32
    %dma_start3A_73 = arith.constant 0 : i32
    %dma_start3A_74 = tpu.memref_slice %arg2[%dma_start3A_72, %dma_start3A_73] : memref<10000x128xf32, #tpu.memory_space<hbm>> -> memref<10000x128xf32, #tpu.memory_space<hbm>>
    tpu.enqueue_indirect_dma source(%dma_start3A_74 : memref<10000x128xf32, #tpu.memory_space<hbm>>) target(%arg12 : memref<50x128xf32, #tpu.memory_space<vmem>>) offsets(%dma_start3A_71 : memref<50xi32, #tpu.memory_space<vmem>>) semaphore(%arg18 : memref<!tpu.dma_semaphore, #tpu.memory_space<semaphore_mem>>)
    %dma_start3A_75 = arith.constant 4 : i32
    %dma_start3A_76 = arith.constant 0 : i32
    %dma_start3A_77 = tpu.memref_slice %arg7[%dma_start3A_75, %dma_start3A_76] : memref<50x50xi32, #tpu.memory_space<vmem>> -> memref<1x50xi32, #tpu.memory_space<vmem>>
    %dma_start3A_78 = tpu.memref_squeeze %dma_start3A_77 : memref<1x50xi32, #tpu.memory_space<vmem>> -> memref<50xi32, #tpu.memory_space<vmem>>
    %dma_start3A_79 = arith.constant 0 : i32
    %dma_start3A_80 = arith.constant 0 : i32
    %dma_start3A_81 = tpu.memref_slice %arg2[%dma_start3A_79, %dma_start3A_80] : memref<10000x128xf32, #tpu.memory_space<hbm>> -> memref<10000x128xf32, #tpu.memory_space<hbm>>
    tpu.enqueue_indirect_dma source(%dma_start3A_81 : memref<10000x128xf32, #tpu.memory_space<hbm>>) target(%arg13 : memref<50x128xf32, #tpu.memory_space<vmem>>) offsets(%dma_start3A_78 : memref<50xi32, #tpu.memory_space<vmem>>) semaphore(%arg19 : memref<!tpu.dma_semaphore, #tpu.memory_space<semaphore_mem>>)
    %scan3A_82 = arith.constant 0 : i32
    %scan3A_83 = arith.constant 0 : i32
    %scan3A_84 = arith.constant 10 : i32
    %scan3A_85 = arith.addi %scan3A_83, %scan3A_84 : i32
    %scan3A_86 = arith.constant 1 : i32
    scf.for %scan3A_184 = %scan3A_83 to %scan3A_85 step %scan3A_86  : i32 {
      %mul3A_185 = arith.constant 5 : i32
      %mul3A_186 = arith.muli %mul3A_185, %scan3A_184 : i32
      %add3A_187 = arith.constant 0 : i32
      %add3A_188 = arith.addi %mul3A_186, %add3A_187 : i32
      %dma_wait3A = arith.constant 0 : i32
      %dma_wait3A_189 = tpu.memref_slice %arg7[%add3A_188, %dma_wait3A] : memref<50x50xi32, #tpu.memory_space<vmem>> -> memref<1x50xi32, #tpu.memory_space<vmem>>
      %dma_wait3A_190 = tpu.memref_squeeze %dma_wait3A_189 : memref<1x50xi32, #tpu.memory_space<vmem>> -> memref<50xi32, #tpu.memory_space<vmem>>
      %dma_wait3A_191 = arith.constant 0 : i32
      %dma_wait3A_192 = arith.constant 0 : i32
      %dma_wait3A_193 = tpu.memref_slice %arg2[%dma_wait3A_191, %dma_wait3A_192] : memref<10000x128xf32, #tpu.memory_space<hbm>> -> memref<10000x128xf32, #tpu.memory_space<hbm>>
      tpu.wait_indirect_dma semaphore(%arg15 : memref<!tpu.dma_semaphore, #tpu.memory_space<semaphore_mem>>) src(%dma_wait3A_193 : memref<10000x128xf32, #tpu.memory_space<hbm>>) dst(%arg9 : memref<50x128xf32, #tpu.memory_space<vmem>>)
      "tpu.region"() ({
        %run_scoped3A_260 = tpu.sem_alloc : memref<!tpu.dma_semaphore, #tpu.memory_space<semaphore_mem>>
        %dma_start3A_261 = arith.constant 0 : i32
        %dma_start3A_262 = tpu.memref_slice %arg8[%add3A_188, %dma_start3A_261] : memref<50x50xi32, #tpu.memory_space<vmem>> -> memref<1x50xi32, #tpu.memory_space<vmem>>
        %dma_start3A_263 = tpu.memref_squeeze %dma_start3A_262 : memref<1x50xi32, #tpu.memory_space<vmem>> -> memref<50xi32, #tpu.memory_space<vmem>>
        %dma_start3A_264 = arith.constant 0 : i32
        %dma_start3A_265 = arith.constant 0 : i32
        %dma_start3A_266 = tpu.memref_slice %arg14[%dma_start3A_264, %dma_start3A_265] : memref<10000x128xf32, #tpu.memory_space<vmem_shared>> -> memref<10000x128xf32, #tpu.memory_space<vmem_shared>>
        tpu.enqueue_indirect_dma source(%arg9 : memref<50x128xf32, #tpu.memory_space<vmem>>) target(%dma_start3A_266 : memref<10000x128xf32, #tpu.memory_space<vmem_shared>>) offsets(%dma_start3A_263 : memref<50xi32, #tpu.memory_space<vmem>>) semaphore(%run_scoped3A_260 : memref<!tpu.dma_semaphore, #tpu.memory_space<semaphore_mem>>) {add = true}
        %dma_wait3A_267 = arith.constant 0 : i32
        %dma_wait3A_268 = tpu.memref_slice %arg8[%add3A_188, %dma_wait3A_267] : memref<50x50xi32, #tpu.memory_space<vmem>> -> memref<1x50xi32, #tpu.memory_space<vmem>>
        %dma_wait3A_269 = tpu.memref_squeeze %dma_wait3A_268 : memref<1x50xi32, #tpu.memory_space<vmem>> -> memref<50xi32, #tpu.memory_space<vmem>>
        %dma_wait3A_270 = arith.constant 0 : i32
        %dma_wait3A_271 = arith.constant 0 : i32
        %dma_wait3A_272 = tpu.memref_slice %arg14[%dma_wait3A_270, %dma_wait3A_271] : memref<10000x128xf32, #tpu.memory_space<vmem_shared>> -> memref<10000x128xf32, #tpu.memory_space<vmem_shared>>
        tpu.wait_indirect_dma semaphore(%run_scoped3A_260 : memref<!tpu.dma_semaphore, #tpu.memory_space<semaphore_mem>>) src(%arg9 : memref<50x128xf32, #tpu.memory_space<vmem>>) dst(%dma_wait3A_272 : memref<10000x128xf32, #tpu.memory_space<vmem_shared>>)
        tpu.yield
      }) : () -> ()
      %add3A_194 = arith.constant 5 : i32
      %add3A_195 = arith.addi %add3A_188, %add3A_194 : i32
      %lt3A = arith.constant 50 : i32
      %lt3A_196 = arith.cmpi slt, %add3A_195, %lt3A : i32
      %convert_element_type3A_197 = arith.extui %lt3A_196 : i1 to i32
      %cond3A_198 = arith.constant 0 : i32
      %cond3A_199 = arith.cmpi ne, %convert_element_type3A_197, %cond3A_198 : i32
      scf.if %cond3A_199 {
        %add3A_260 = arith.constant 5 : i32
        %add3A_261 = arith.addi %add3A_188, %add3A_260 : i32
        %dma_start3A_262 = arith.constant 0 : i32
        %dma_start3A_263 = tpu.memref_slice %arg7[%add3A_261, %dma_start3A_262] : memref<50x50xi32, #tpu.memory_space<vmem>> -> memref<1x50xi32, #tpu.memory_space<vmem>>
        %dma_start3A_264 = tpu.memref_squeeze %dma_start3A_263 : memref<1x50xi32, #tpu.memory_space<vmem>> -> memref<50xi32, #tpu.memory_space<vmem>>
        %dma_start3A_265 = arith.constant 0 : i32
        %dma_start3A_266 = arith.constant 0 : i32
        %dma_start3A_267 = tpu.memref_slice %arg2[%dma_start3A_265, %dma_start3A_266] : memref<10000x128xf32, #tpu.memory_space<hbm>> -> memref<10000x128xf32, #tpu.memory_space<hbm>>
        tpu.enqueue_indirect_dma source(%dma_start3A_267 : memref<10000x128xf32, #tpu.memory_space<hbm>>) target(%arg9 : memref<50x128xf32, #tpu.memory_space<vmem>>) offsets(%dma_start3A_264 : memref<50xi32, #tpu.memory_space<vmem>>) semaphore(%arg15 : memref<!tpu.dma_semaphore, #tpu.memory_space<semaphore_mem>>)
      } else {
      }
      %add3A_200 = arith.constant 1 : i32
      %add3A_201 = arith.addi %mul3A_186, %add3A_200 : i32
      %dma_wait3A_202 = arith.constant 0 : i32
      %dma_wait3A_203 = tpu.memref_slice %arg7[%add3A_201, %dma_wait3A_202] : memref<50x50xi32, #tpu.memory_space<vmem>> -> memref<1x50xi32, #tpu.memory_space<vmem>>
      %dma_wait3A_204 = tpu.memref_squeeze %dma_wait3A_203 : memref<1x50xi32, #tpu.memory_space<vmem>> -> memref<50xi32, #tpu.memory_space<vmem>>
      %dma_wait3A_205 = arith.constant 0 : i32
      %dma_wait3A_206 = arith.constant 0 : i32
      %dma_wait3A_207 = tpu.memref_slice %arg2[%dma_wait3A_205, %dma_wait3A_206] : memref<10000x128xf32, #tpu.memory_space<hbm>> -> memref<10000x128xf32, #tpu.memory_space<hbm>>
      tpu.wait_indirect_dma semaphore(%arg16 : memref<!tpu.dma_semaphore, #tpu.memory_space<semaphore_mem>>) src(%dma_wait3A_207 : memref<10000x128xf32, #tpu.memory_space<hbm>>) dst(%arg10 : memref<50x128xf32, #tpu.memory_space<vmem>>)
      "tpu.region"() ({
        %run_scoped3A_260 = tpu.sem_alloc : memref<!tpu.dma_semaphore, #tpu.memory_space<semaphore_mem>>
        %dma_start3A_261 = arith.constant 0 : i32
        %dma_start3A_262 = tpu.memref_slice %arg8[%add3A_201, %dma_start3A_261] : memref<50x50xi32, #tpu.memory_space<vmem>> -> memref<1x50xi32, #tpu.memory_space<vmem>>
        %dma_start3A_263 = tpu.memref_squeeze %dma_start3A_262 : memref<1x50xi32, #tpu.memory_space<vmem>> -> memref<50xi32, #tpu.memory_space<vmem>>
        %dma_start3A_264 = arith.constant 0 : i32
        %dma_start3A_265 = arith.constant 0 : i32
        %dma_start3A_266 = tpu.memref_slice %arg14[%dma_start3A_264, %dma_start3A_265] : memref<10000x128xf32, #tpu.memory_space<vmem_shared>> -> memref<10000x128xf32, #tpu.memory_space<vmem_shared>>
        tpu.enqueue_indirect_dma source(%arg10 : memref<50x128xf32, #tpu.memory_space<vmem>>) target(%dma_start3A_266 : memref<10000x128xf32, #tpu.memory_space<vmem_shared>>) offsets(%dma_start3A_263 : memref<50xi32, #tpu.memory_space<vmem>>) semaphore(%run_scoped3A_260 : memref<!tpu.dma_semaphore, #tpu.memory_space<semaphore_mem>>) {add = true}
        %dma_wait3A_267 = arith.constant 0 : i32
        %dma_wait3A_268 = tpu.memref_slice %arg8[%add3A_201, %dma_wait3A_267] : memref<50x50xi32, #tpu.memory_space<vmem>> -> memref<1x50xi32, #tpu.memory_space<vmem>>
        %dma_wait3A_269 = tpu.memref_squeeze %dma_wait3A_268 : memref<1x50xi32, #tpu.memory_space<vmem>> -> memref<50xi32, #tpu.memory_space<vmem>>
        %dma_wait3A_270 = arith.constant 0 : i32
        %dma_wait3A_271 = arith.constant 0 : i32
        %dma_wait3A_272 = tpu.memref_slice %arg14[%dma_wait3A_270, %dma_wait3A_271] : memref<10000x128xf32, #tpu.memory_space<vmem_shared>> -> memref<10000x128xf32, #tpu.memory_space<vmem_shared>>
        tpu.wait_indirect_dma semaphore(%run_scoped3A_260 : memref<!tpu.dma_semaphore, #tpu.memory_space<semaphore_mem>>) src(%arg10 : memref<50x128xf32, #tpu.memory_space<vmem>>) dst(%dma_wait3A_272 : memref<10000x128xf32, #tpu.memory_space<vmem_shared>>)
        tpu.yield
      }) : () -> ()
      %add3A_208 = arith.constant 5 : i32
      %add3A_209 = arith.addi %add3A_201, %add3A_208 : i32
      %lt3A_210 = arith.constant 50 : i32
      %lt3A_211 = arith.cmpi slt, %add3A_209, %lt3A_210 : i32
      %convert_element_type3A_212 = arith.extui %lt3A_211 : i1 to i32
      %cond3A_213 = arith.constant 0 : i32
      %cond3A_214 = arith.cmpi ne, %convert_element_type3A_212, %cond3A_213 : i32
      scf.if %cond3A_214 {
        %add3A_260 = arith.constant 5 : i32
        %add3A_261 = arith.addi %add3A_201, %add3A_260 : i32
        %dma_start3A_262 = arith.constant 0 : i32
        %dma_start3A_263 = tpu.memref_slice %arg7[%add3A_261, %dma_start3A_262] : memref<50x50xi32, #tpu.memory_space<vmem>> -> memref<1x50xi32, #tpu.memory_space<vmem>>
        %dma_start3A_264 = tpu.memref_squeeze %dma_start3A_263 : memref<1x50xi32, #tpu.memory_space<vmem>> -> memref<50xi32, #tpu.memory_space<vmem>>
        %dma_start3A_265 = arith.constant 0 : i32
        %dma_start3A_266 = arith.constant 0 : i32
        %dma_start3A_267 = tpu.memref_slice %arg2[%dma_start3A_265, %dma_start3A_266] : memref<10000x128xf32, #tpu.memory_space<hbm>> -> memref<10000x128xf32, #tpu.memory_space<hbm>>
        tpu.enqueue_indirect_dma source(%dma_start3A_267 : memref<10000x128xf32, #tpu.memory_space<hbm>>) target(%arg10 : memref<50x128xf32, #tpu.memory_space<vmem>>) offsets(%dma_start3A_264 : memref<50xi32, #tpu.memory_space<vmem>>) semaphore(%arg16 : memref<!tpu.dma_semaphore, #tpu.memory_space<semaphore_mem>>)
      } else {
      }
      %add3A_215 = arith.constant 2 : i32
      %add3A_216 = arith.addi %mul3A_186, %add3A_215 : i32
      %dma_wait3A_217 = arith.constant 0 : i32
      %dma_wait3A_218 = tpu.memref_slice %arg7[%add3A_216, %dma_wait3A_217] : memref<50x50xi32, #tpu.memory_space<vmem>> -> memref<1x50xi32, #tpu.memory_space<vmem>>
      %dma_wait3A_219 = tpu.memref_squeeze %dma_wait3A_218 : memref<1x50xi32, #tpu.memory_space<vmem>> -> memref<50xi32, #tpu.memory_space<vmem>>
      %dma_wait3A_220 = arith.constant 0 : i32
      %dma_wait3A_221 = arith.constant 0 : i32
      %dma_wait3A_222 = tpu.memref_slice %arg2[%dma_wait3A_220, %dma_wait3A_221] : memref<10000x128xf32, #tpu.memory_space<hbm>> -> memref<10000x128xf32, #tpu.memory_space<hbm>>
      tpu.wait_indirect_dma semaphore(%arg17 : memref<!tpu.dma_semaphore, #tpu.memory_space<semaphore_mem>>) src(%dma_wait3A_222 : memref<10000x128xf32, #tpu.memory_space<hbm>>) dst(%arg11 : memref<50x128xf32, #tpu.memory_space<vmem>>)
      "tpu.region"() ({
        %run_scoped3A_260 = tpu.sem_alloc : memref<!tpu.dma_semaphore, #tpu.memory_space<semaphore_mem>>
        %dma_start3A_261 = arith.constant 0 : i32
        %dma_start3A_262 = tpu.memref_slice %arg8[%add3A_216, %dma_start3A_261] : memref<50x50xi32, #tpu.memory_space<vmem>> -> memref<1x50xi32, #tpu.memory_space<vmem>>
        %dma_start3A_263 = tpu.memref_squeeze %dma_start3A_262 : memref<1x50xi32, #tpu.memory_space<vmem>> -> memref<50xi32, #tpu.memory_space<vmem>>
        %dma_start3A_264 = arith.constant 0 : i32
        %dma_start3A_265 = arith.constant 0 : i32
        %dma_start3A_266 = tpu.memref_slice %arg14[%dma_start3A_264, %dma_start3A_265] : memref<10000x128xf32, #tpu.memory_space<vmem_shared>> -> memref<10000x128xf32, #tpu.memory_space<vmem_shared>>
        tpu.enqueue_indirect_dma source(%arg11 : memref<50x128xf32, #tpu.memory_space<vmem>>) target(%dma_start3A_266 : memref<10000x128xf32, #tpu.memory_space<vmem_shared>>) offsets(%dma_start3A_263 : memref<50xi32, #tpu.memory_space<vmem>>) semaphore(%run_scoped3A_260 : memref<!tpu.dma_semaphore, #tpu.memory_space<semaphore_mem>>) {add = true}
        %dma_wait3A_267 = arith.constant 0 : i32
        %dma_wait3A_268 = tpu.memref_slice %arg8[%add3A_216, %dma_wait3A_267] : memref<50x50xi32, #tpu.memory_space<vmem>> -> memref<1x50xi32, #tpu.memory_space<vmem>>
        %dma_wait3A_269 = tpu.memref_squeeze %dma_wait3A_268 : memref<1x50xi32, #tpu.memory_space<vmem>> -> memref<50xi32, #tpu.memory_space<vmem>>
        %dma_wait3A_270 = arith.constant 0 : i32
        %dma_wait3A_271 = arith.constant 0 : i32
        %dma_wait3A_272 = tpu.memref_slice %arg14[%dma_wait3A_270, %dma_wait3A_271] : memref<10000x128xf32, #tpu.memory_space<vmem_shared>> -> memref<10000x128xf32, #tpu.memory_space<vmem_shared>>
        tpu.wait_indirect_dma semaphore(%run_scoped3A_260 : memref<!tpu.dma_semaphore, #tpu.memory_space<semaphore_mem>>) src(%arg11 : memref<50x128xf32, #tpu.memory_space<vmem>>) dst(%dma_wait3A_272 : memref<10000x128xf32, #tpu.memory_space<vmem_shared>>)
        tpu.yield
      }) : () -> ()
      %add3A_223 = arith.constant 5 : i32
      %add3A_224 = arith.addi %add3A_216, %add3A_223 : i32
      %lt3A_225 = arith.constant 50 : i32
      %lt3A_226 = arith.cmpi slt, %add3A_224, %lt3A_225 : i32
      %convert_element_type3A_227 = arith.extui %lt3A_226 : i1 to i32
      %cond3A_228 = arith.constant 0 : i32
      %cond3A_229 = arith.cmpi ne, %convert_element_type3A_227, %cond3A_228 : i32
      scf.if %cond3A_229 {
        %add3A_260 = arith.constant 5 : i32
        %add3A_261 = arith.addi %add3A_216, %add3A_260 : i32
        %dma_start3A_262 = arith.constant 0 : i32
        %dma_start3A_263 = tpu.memref_slice %arg7[%add3A_261, %dma_start3A_262] : memref<50x50xi32, #tpu.memory_space<vmem>> -> memref<1x50xi32, #tpu.memory_space<vmem>>
        %dma_start3A_264 = tpu.memref_squeeze %dma_start3A_263 : memref<1x50xi32, #tpu.memory_space<vmem>> -> memref<50xi32, #tpu.memory_space<vmem>>
        %dma_start3A_265 = arith.constant 0 : i32
        %dma_start3A_266 = arith.constant 0 : i32
        %dma_start3A_267 = tpu.memref_slice %arg2[%dma_start3A_265, %dma_start3A_266] : memref<10000x128xf32, #tpu.memory_space<hbm>> -> memref<10000x128xf32, #tpu.memory_space<hbm>>
        tpu.enqueue_indirect_dma source(%dma_start3A_267 : memref<10000x128xf32, #tpu.memory_space<hbm>>) target(%arg11 : memref<50x128xf32, #tpu.memory_space<vmem>>) offsets(%dma_start3A_264 : memref<50xi32, #tpu.memory_space<vmem>>) semaphore(%arg17 : memref<!tpu.dma_semaphore, #tpu.memory_space<semaphore_mem>>)
      } else {
      }
      %add3A_230 = arith.constant 3 : i32
      %add3A_231 = arith.addi %mul3A_186, %add3A_230 : i32
      %dma_wait3A_232 = arith.constant 0 : i32
      %dma_wait3A_233 = tpu.memref_slice %arg7[%add3A_231, %dma_wait3A_232] : memref<50x50xi32, #tpu.memory_space<vmem>> -> memref<1x50xi32, #tpu.memory_space<vmem>>
      %dma_wait3A_234 = tpu.memref_squeeze %dma_wait3A_233 : memref<1x50xi32, #tpu.memory_space<vmem>> -> memref<50xi32, #tpu.memory_space<vmem>>
      %dma_wait3A_235 = arith.constant 0 : i32
      %dma_wait3A_236 = arith.constant 0 : i32
      %dma_wait3A_237 = tpu.memref_slice %arg2[%dma_wait3A_235, %dma_wait3A_236] : memref<10000x128xf32, #tpu.memory_space<hbm>> -> memref<10000x128xf32, #tpu.memory_space<hbm>>
      tpu.wait_indirect_dma semaphore(%arg18 : memref<!tpu.dma_semaphore, #tpu.memory_space<semaphore_mem>>) src(%dma_wait3A_237 : memref<10000x128xf32, #tpu.memory_space<hbm>>) dst(%arg12 : memref<50x128xf32, #tpu.memory_space<vmem>>)
      "tpu.region"() ({
        %run_scoped3A_260 = tpu.sem_alloc : memref<!tpu.dma_semaphore, #tpu.memory_space<semaphore_mem>>
        %dma_start3A_261 = arith.constant 0 : i32
        %dma_start3A_262 = tpu.memref_slice %arg8[%add3A_231, %dma_start3A_261] : memref<50x50xi32, #tpu.memory_space<vmem>> -> memref<1x50xi32, #tpu.memory_space<vmem>>
        %dma_start3A_263 = tpu.memref_squeeze %dma_start3A_262 : memref<1x50xi32, #tpu.memory_space<vmem>> -> memref<50xi32, #tpu.memory_space<vmem>>
        %dma_start3A_264 = arith.constant 0 : i32
        %dma_start3A_265 = arith.constant 0 : i32
        %dma_start3A_266 = tpu.memref_slice %arg14[%dma_start3A_264, %dma_start3A_265] : memref<10000x128xf32, #tpu.memory_space<vmem_shared>> -> memref<10000x128xf32, #tpu.memory_space<vmem_shared>>
        tpu.enqueue_indirect_dma source(%arg12 : memref<50x128xf32, #tpu.memory_space<vmem>>) target(%dma_start3A_266 : memref<10000x128xf32, #tpu.memory_space<vmem_shared>>) offsets(%dma_start3A_263 : memref<50xi32, #tpu.memory_space<vmem>>) semaphore(%run_scoped3A_260 : memref<!tpu.dma_semaphore, #tpu.memory_space<semaphore_mem>>) {add = true}
        %dma_wait3A_267 = arith.constant 0 : i32
        %dma_wait3A_268 = tpu.memref_slice %arg8[%add3A_231, %dma_wait3A_267] : memref<50x50xi32, #tpu.memory_space<vmem>> -> memref<1x50xi32, #tpu.memory_space<vmem>>
        %dma_wait3A_269 = tpu.memref_squeeze %dma_wait3A_268 : memref<1x50xi32, #tpu.memory_space<vmem>> -> memref<50xi32, #tpu.memory_space<vmem>>
        %dma_wait3A_270 = arith.constant 0 : i32
        %dma_wait3A_271 = arith.constant 0 : i32
        %dma_wait3A_272 = tpu.memref_slice %arg14[%dma_wait3A_270, %dma_wait3A_271] : memref<10000x128xf32, #tpu.memory_space<vmem_shared>> -> memref<10000x128xf32, #tpu.memory_space<vmem_shared>>
        tpu.wait_indirect_dma semaphore(%run_scoped3A_260 : memref<!tpu.dma_semaphore, #tpu.memory_space<semaphore_mem>>) src(%arg12 : memref<50x128xf32, #tpu.memory_space<vmem>>) dst(%dma_wait3A_272 : memref<10000x128xf32, #tpu.memory_space<vmem_shared>>)
        tpu.yield
      }) : () -> ()
      %add3A_238 = arith.constant 5 : i32
      %add3A_239 = arith.addi %add3A_231, %add3A_238 : i32
      %lt3A_240 = arith.constant 50 : i32
      %lt3A_241 = arith.cmpi slt, %add3A_239, %lt3A_240 : i32
      %convert_element_type3A_242 = arith.extui %lt3A_241 : i1 to i32
      %cond3A_243 = arith.constant 0 : i32
      %cond3A_244 = arith.cmpi ne, %convert_element_type3A_242, %cond3A_243 : i32
      scf.if %cond3A_244 {
        %add3A_260 = arith.constant 5 : i32
        %add3A_261 = arith.addi %add3A_231, %add3A_260 : i32
        %dma_start3A_262 = arith.constant 0 : i32
        %dma_start3A_263 = tpu.memref_slice %arg7[%add3A_261, %dma_start3A_262] : memref<50x50xi32, #tpu.memory_space<vmem>> -> memref<1x50xi32, #tpu.memory_space<vmem>>
        %dma_start3A_264 = tpu.memref_squeeze %dma_start3A_263 : memref<1x50xi32, #tpu.memory_space<vmem>> -> memref<50xi32, #tpu.memory_space<vmem>>
        %dma_start3A_265 = arith.constant 0 : i32
        %dma_start3A_266 = arith.constant 0 : i32
        %dma_start3A_267 = tpu.memref_slice %arg2[%dma_start3A_265, %dma_start3A_266] : memref<10000x128xf32, #tpu.memory_space<hbm>> -> memref<10000x128xf32, #tpu.memory_space<hbm>>
        tpu.enqueue_indirect_dma source(%dma_start3A_267 : memref<10000x128xf32, #tpu.memory_space<hbm>>) target(%arg12 : memref<50x128xf32, #tpu.memory_space<vmem>>) offsets(%dma_start3A_264 : memref<50xi32, #tpu.memory_space<vmem>>) semaphore(%arg18 : memref<!tpu.dma_semaphore, #tpu.memory_space<semaphore_mem>>)
      } else {
      }
      %add3A_245 = arith.constant 4 : i32
      %add3A_246 = arith.addi %mul3A_186, %add3A_245 : i32
      %dma_wait3A_247 = arith.constant 0 : i32
      %dma_wait3A_248 = tpu.memref_slice %arg7[%add3A_246, %dma_wait3A_247] : memref<50x50xi32, #tpu.memory_space<vmem>> -> memref<1x50xi32, #tpu.memory_space<vmem>>
      %dma_wait3A_249 = tpu.memref_squeeze %dma_wait3A_248 : memref<1x50xi32, #tpu.memory_space<vmem>> -> memref<50xi32, #tpu.memory_space<vmem>>
      %dma_wait3A_250 = arith.constant 0 : i32
      %dma_wait3A_251 = arith.constant 0 : i32
      %dma_wait3A_252 = tpu.memref_slice %arg2[%dma_wait3A_250, %dma_wait3A_251] : memref<10000x128xf32, #tpu.memory_space<hbm>> -> memref<10000x128xf32, #tpu.memory_space<hbm>>
      tpu.wait_indirect_dma semaphore(%arg19 : memref<!tpu.dma_semaphore, #tpu.memory_space<semaphore_mem>>) src(%dma_wait3A_252 : memref<10000x128xf32, #tpu.memory_space<hbm>>) dst(%arg13 : memref<50x128xf32, #tpu.memory_space<vmem>>)
      "tpu.region"() ({
        %run_scoped3A_260 = tpu.sem_alloc : memref<!tpu.dma_semaphore, #tpu.memory_space<semaphore_mem>>
        %dma_start3A_261 = arith.constant 0 : i32
        %dma_start3A_262 = tpu.memref_slice %arg8[%add3A_246, %dma_start3A_261] : memref<50x50xi32, #tpu.memory_space<vmem>> -> memref<1x50xi32, #tpu.memory_space<vmem>>
        %dma_start3A_263 = tpu.memref_squeeze %dma_start3A_262 : memref<1x50xi32, #tpu.memory_space<vmem>> -> memref<50xi32, #tpu.memory_space<vmem>>
        %dma_start3A_264 = arith.constant 0 : i32
        %dma_start3A_265 = arith.constant 0 : i32
        %dma_start3A_266 = tpu.memref_slice %arg14[%dma_start3A_264, %dma_start3A_265] : memref<10000x128xf32, #tpu.memory_space<vmem_shared>> -> memref<10000x128xf32, #tpu.memory_space<vmem_shared>>
        tpu.enqueue_indirect_dma source(%arg13 : memref<50x128xf32, #tpu.memory_space<vmem>>) target(%dma_start3A_266 : memref<10000x128xf32, #tpu.memory_space<vmem_shared>>) offsets(%dma_start3A_263 : memref<50xi32, #tpu.memory_space<vmem>>) semaphore(%run_scoped3A_260 : memref<!tpu.dma_semaphore, #tpu.memory_space<semaphore_mem>>) {add = true}
        %dma_wait3A_267 = arith.constant 0 : i32
        %dma_wait3A_268 = tpu.memref_slice %arg8[%add3A_246, %dma_wait3A_267] : memref<50x50xi32, #tpu.memory_space<vmem>> -> memref<1x50xi32, #tpu.memory_space<vmem>>
        %dma_wait3A_269 = tpu.memref_squeeze %dma_wait3A_268 : memref<1x50xi32, #tpu.memory_space<vmem>> -> memref<50xi32, #tpu.memory_space<vmem>>
        %dma_wait3A_270 = arith.constant 0 : i32
        %dma_wait3A_271 = arith.constant 0 : i32
        %dma_wait3A_272 = tpu.memref_slice %arg14[%dma_wait3A_270, %dma_wait3A_271] : memref<10000x128xf32, #tpu.memory_space<vmem_shared>> -> memref<10000x128xf32, #tpu.memory_space<vmem_shared>>
        tpu.wait_indirect_dma semaphore(%run_scoped3A_260 : memref<!tpu.dma_semaphore, #tpu.memory_space<semaphore_mem>>) src(%arg13 : memref<50x128xf32, #tpu.memory_space<vmem>>) dst(%dma_wait3A_272 : memref<10000x128xf32, #tpu.memory_space<vmem_shared>>)
        tpu.yield
      }) : () -> ()
      %add3A_253 = arith.constant 5 : i32
      %add3A_254 = arith.addi %add3A_246, %add3A_253 : i32
      %lt3A_255 = arith.constant 50 : i32
      %lt3A_256 = arith.cmpi slt, %add3A_254, %lt3A_255 : i32
      %convert_element_type3A_257 = arith.extui %lt3A_256 : i1 to i32
      %cond3A_258 = arith.constant 0 : i32
      %cond3A_259 = arith.cmpi ne, %convert_element_type3A_257, %cond3A_258 : i32
      scf.if %cond3A_259 {
        %add3A_260 = arith.constant 5 : i32
        %add3A_261 = arith.addi %add3A_246, %add3A_260 : i32
        %dma_start3A_262 = arith.constant 0 : i32
        %dma_start3A_263 = tpu.memref_slice %arg7[%add3A_261, %dma_start3A_262] : memref<50x50xi32, #tpu.memory_space<vmem>> -> memref<1x50xi32, #tpu.memory_space<vmem>>
        %dma_start3A_264 = tpu.memref_squeeze %dma_start3A_263 : memref<1x50xi32, #tpu.memory_space<vmem>> -> memref<50xi32, #tpu.memory_space<vmem>>
        %dma_start3A_265 = arith.constant 0 : i32
        %dma_start3A_266 = arith.constant 0 : i32
        %dma_start3A_267 = tpu.memref_slice %arg2[%dma_start3A_265, %dma_start3A_266] : memref<10000x128xf32, #tpu.memory_space<hbm>> -> memref<10000x128xf32, #tpu.memory_space<hbm>>
        tpu.enqueue_indirect_dma source(%dma_start3A_267 : memref<10000x128xf32, #tpu.memory_space<hbm>>) target(%arg13 : memref<50x128xf32, #tpu.memory_space<vmem>>) offsets(%dma_start3A_264 : memref<50xi32, #tpu.memory_space<vmem>>) semaphore(%arg19 : memref<!tpu.dma_semaphore, #tpu.memory_space<semaphore_mem>>)
      } else {
      }
    }
    %scan3A_87 = arith.constant 10 : i32
    %run_scoped3A_88 = arith.constant 2 : i32
    "tpu.region"() ({
      %run_scoped3A_184 = tpu.sem_alloc : memref<!tpu.dma_semaphore, #tpu.memory_space<semaphore_mem>>
      %dma_start3A_185 = arith.constant 0 : i32
      %dma_start3A_186 = arith.constant 0 : i32
      %dma_start3A_187 = arith.constant 0 : i32
      %dma_start3A_188 = tpu.memref_slice %arg3[%add3A, %dma_start3A_185, %dma_start3A_186, %dma_start3A_187] : memref<32x4x50x50xi32, #tpu.memory_space<hbm>> -> memref<1x4x50x50xi32, #tpu.memory_space<hbm>>
      %dma_start3A_189 = tpu.memref_squeeze %dma_start3A_188 : memref<1x4x50x50xi32, #tpu.memory_space<hbm>> -> memref<4x50x50xi32, #tpu.memory_space<hbm>>
      %dma_start3A_190 = arith.constant 0 : i32
      %dma_start3A_191 = arith.constant 0 : i32
      %dma_start3A_192 = tpu.memref_slice %dma_start3A_189[%run_scoped3A_88, %dma_start3A_190, %dma_start3A_191] : memref<4x50x50xi32, #tpu.memory_space<hbm>> -> memref<1x50x50xi32, #tpu.memory_space<hbm>>
      %dma_start3A_193 = tpu.memref_squeeze %dma_start3A_192 : memref<1x50x50xi32, #tpu.memory_space<hbm>> -> memref<50x50xi32, #tpu.memory_space<hbm>>
      %dma_start3A_194 = arith.constant 0 : i32
      %dma_start3A_195 = arith.constant 0 : i32
      %dma_start3A_196 = arith.constant 0 : i32
      %dma_start3A_197 = tpu.memref_slice %arg3[%add3A, %dma_start3A_194, %dma_start3A_195, %dma_start3A_196] : memref<32x4x50x50xi32, #tpu.memory_space<hbm>> -> memref<1x4x50x50xi32, #tpu.memory_space<hbm>>
      %dma_start3A_198 = tpu.memref_squeeze %dma_start3A_197 : memref<1x4x50x50xi32, #tpu.memory_space<hbm>> -> memref<4x50x50xi32, #tpu.memory_space<hbm>>
      %dma_start3A_199 = arith.constant 0 : i32
      %dma_start3A_200 = arith.constant 0 : i32
      %dma_start3A_201 = tpu.memref_slice %dma_start3A_198[%run_scoped3A_88, %dma_start3A_199, %dma_start3A_200] : memref<4x50x50xi32, #tpu.memory_space<hbm>> -> memref<1x50x50xi32, #tpu.memory_space<hbm>>
      %dma_start3A_202 = tpu.memref_squeeze %dma_start3A_201 : memref<1x50x50xi32, #tpu.memory_space<hbm>> -> memref<50x50xi32, #tpu.memory_space<hbm>>
      tpu.enqueue_dma source(%dma_start3A_202 : memref<50x50xi32, #tpu.memory_space<hbm>>) target(%arg7 : memref<50x50xi32, #tpu.memory_space<vmem>>) target_semaphore(%run_scoped3A_184 : memref<!tpu.dma_semaphore, #tpu.memory_space<semaphore_mem>>)
      %dma_wait3A = arith.constant 0 : i32
      %dma_wait3A_203 = arith.constant 0 : i32
      %dma_wait3A_204 = arith.constant 0 : i32
      %dma_wait3A_205 = tpu.memref_slice %arg3[%add3A, %dma_wait3A, %dma_wait3A_203, %dma_wait3A_204] : memref<32x4x50x50xi32, #tpu.memory_space<hbm>> -> memref<1x4x50x50xi32, #tpu.memory_space<hbm>>
      %dma_wait3A_206 = tpu.memref_squeeze %dma_wait3A_205 : memref<1x4x50x50xi32, #tpu.memory_space<hbm>> -> memref<4x50x50xi32, #tpu.memory_space<hbm>>
      %dma_wait3A_207 = arith.constant 0 : i32
      %dma_wait3A_208 = arith.constant 0 : i32
      %dma_wait3A_209 = tpu.memref_slice %dma_wait3A_206[%run_scoped3A_88, %dma_wait3A_207, %dma_wait3A_208] : memref<4x50x50xi32, #tpu.memory_space<hbm>> -> memref<1x50x50xi32, #tpu.memory_space<hbm>>
      %dma_wait3A_210 = tpu.memref_squeeze %dma_wait3A_209 : memref<1x50x50xi32, #tpu.memory_space<hbm>> -> memref<50x50xi32, #tpu.memory_space<hbm>>
      %dma_wait3A_211 = arith.constant 0 : i32
      %dma_wait3A_212 = arith.constant 0 : i32
      %dma_wait3A_213 = arith.constant 0 : i32
      %dma_wait3A_214 = tpu.memref_slice %arg3[%add3A, %dma_wait3A_211, %dma_wait3A_212, %dma_wait3A_213] : memref<32x4x50x50xi32, #tpu.memory_space<hbm>> -> memref<1x4x50x50xi32, #tpu.memory_space<hbm>>
      %dma_wait3A_215 = tpu.memref_squeeze %dma_wait3A_214 : memref<1x4x50x50xi32, #tpu.memory_space<hbm>> -> memref<4x50x50xi32, #tpu.memory_space<hbm>>
      %dma_wait3A_216 = arith.constant 0 : i32
      %dma_wait3A_217 = arith.constant 0 : i32
      %dma_wait3A_218 = tpu.memref_slice %dma_wait3A_215[%run_scoped3A_88, %dma_wait3A_216, %dma_wait3A_217] : memref<4x50x50xi32, #tpu.memory_space<hbm>> -> memref<1x50x50xi32, #tpu.memory_space<hbm>>
      %dma_wait3A_219 = tpu.memref_squeeze %dma_wait3A_218 : memref<1x50x50xi32, #tpu.memory_space<hbm>> -> memref<50x50xi32, #tpu.memory_space<hbm>>
      tpu.wait_dma2 semaphore(%run_scoped3A_184 : memref<!tpu.dma_semaphore, #tpu.memory_space<semaphore_mem>>) src(%dma_wait3A_219 : memref<50x50xi32, #tpu.memory_space<hbm>>) dst(%arg7 : memref<50x50xi32, #tpu.memory_space<vmem>>)
      tpu.yield
    }) : () -> ()
    %run_scoped3A_89 = arith.constant 2 : i32
    "tpu.region"() ({
      %run_scoped3A_184 = tpu.sem_alloc : memref<!tpu.dma_semaphore, #tpu.memory_space<semaphore_mem>>
      %dma_start3A_185 = arith.constant 0 : i32
      %dma_start3A_186 = arith.constant 0 : i32
      %dma_start3A_187 = arith.constant 0 : i32
      %dma_start3A_188 = tpu.memref_slice %arg4[%add3A, %dma_start3A_185, %dma_start3A_186, %dma_start3A_187] : memref<32x4x50x50xi32, #tpu.memory_space<hbm>> -> memref<1x4x50x50xi32, #tpu.memory_space<hbm>>
      %dma_start3A_189 = tpu.memref_squeeze %dma_start3A_188 : memref<1x4x50x50xi32, #tpu.memory_space<hbm>> -> memref<4x50x50xi32, #tpu.memory_space<hbm>>
      %dma_start3A_190 = arith.constant 0 : i32
      %dma_start3A_191 = arith.constant 0 : i32
      %dma_start3A_192 = tpu.memref_slice %dma_start3A_189[%run_scoped3A_89, %dma_start3A_190, %dma_start3A_191] : memref<4x50x50xi32, #tpu.memory_space<hbm>> -> memref<1x50x50xi32, #tpu.memory_space<hbm>>
      %dma_start3A_193 = tpu.memref_squeeze %dma_start3A_192 : memref<1x50x50xi32, #tpu.memory_space<hbm>> -> memref<50x50xi32, #tpu.memory_space<hbm>>
      %dma_start3A_194 = arith.constant 0 : i32
      %dma_start3A_195 = arith.constant 0 : i32
      %dma_start3A_196 = arith.constant 0 : i32
      %dma_start3A_197 = tpu.memref_slice %arg4[%add3A, %dma_start3A_194, %dma_start3A_195, %dma_start3A_196] : memref<32x4x50x50xi32, #tpu.memory_space<hbm>> -> memref<1x4x50x50xi32, #tpu.memory_space<hbm>>
      %dma_start3A_198 = tpu.memref_squeeze %dma_start3A_197 : memref<1x4x50x50xi32, #tpu.memory_space<hbm>> -> memref<4x50x50xi32, #tpu.memory_space<hbm>>
      %dma_start3A_199 = arith.constant 0 : i32
      %dma_start3A_200 = arith.constant 0 : i32
      %dma_start3A_201 = tpu.memref_slice %dma_start3A_198[%run_scoped3A_89, %dma_start3A_199, %dma_start3A_200] : memref<4x50x50xi32, #tpu.memory_space<hbm>> -> memref<1x50x50xi32, #tpu.memory_space<hbm>>
      %dma_start3A_202 = tpu.memref_squeeze %dma_start3A_201 : memref<1x50x50xi32, #tpu.memory_space<hbm>> -> memref<50x50xi32, #tpu.memory_space<hbm>>
      tpu.enqueue_dma source(%dma_start3A_202 : memref<50x50xi32, #tpu.memory_space<hbm>>) target(%arg8 : memref<50x50xi32, #tpu.memory_space<vmem>>) target_semaphore(%run_scoped3A_184 : memref<!tpu.dma_semaphore, #tpu.memory_space<semaphore_mem>>)
      %dma_wait3A = arith.constant 0 : i32
      %dma_wait3A_203 = arith.constant 0 : i32
      %dma_wait3A_204 = arith.constant 0 : i32
      %dma_wait3A_205 = tpu.memref_slice %arg4[%add3A, %dma_wait3A, %dma_wait3A_203, %dma_wait3A_204] : memref<32x4x50x50xi32, #tpu.memory_space<hbm>> -> memref<1x4x50x50xi32, #tpu.memory_space<hbm>>
      %dma_wait3A_206 = tpu.memref_squeeze %dma_wait3A_205 : memref<1x4x50x50xi32, #tpu.memory_space<hbm>> -> memref<4x50x50xi32, #tpu.memory_space<hbm>>
      %dma_wait3A_207 = arith.constant 0 : i32
      %dma_wait3A_208 = arith.constant 0 : i32
      %dma_wait3A_209 = tpu.memref_slice %dma_wait3A_206[%run_scoped3A_89, %dma_wait3A_207, %dma_wait3A_208] : memref<4x50x50xi32, #tpu.memory_space<hbm>> -> memref<1x50x50xi32, #tpu.memory_space<hbm>>
      %dma_wait3A_210 = tpu.memref_squeeze %dma_wait3A_209 : memref<1x50x50xi32, #tpu.memory_space<hbm>> -> memref<50x50xi32, #tpu.memory_space<hbm>>
      %dma_wait3A_211 = arith.constant 0 : i32
      %dma_wait3A_212 = arith.constant 0 : i32
      %dma_wait3A_213 = arith.constant 0 : i32
      %dma_wait3A_214 = tpu.memref_slice %arg4[%add3A, %dma_wait3A_211, %dma_wait3A_212, %dma_wait3A_213] : memref<32x4x50x50xi32, #tpu.memory_space<hbm>> -> memref<1x4x50x50xi32, #tpu.memory_space<hbm>>
      %dma_wait3A_215 = tpu.memref_squeeze %dma_wait3A_214 : memref<1x4x50x50xi32, #tpu.memory_space<hbm>> -> memref<4x50x50xi32, #tpu.memory_space<hbm>>
      %dma_wait3A_216 = arith.constant 0 : i32
      %dma_wait3A_217 = arith.constant 0 : i32
      %dma_wait3A_218 = tpu.memref_slice %dma_wait3A_215[%run_scoped3A_89, %dma_wait3A_216, %dma_wait3A_217] : memref<4x50x50xi32, #tpu.memory_space<hbm>> -> memref<1x50x50xi32, #tpu.memory_space<hbm>>
      %dma_wait3A_219 = tpu.memref_squeeze %dma_wait3A_218 : memref<1x50x50xi32, #tpu.memory_space<hbm>> -> memref<50x50xi32, #tpu.memory_space<hbm>>
      tpu.wait_dma2 semaphore(%run_scoped3A_184 : memref<!tpu.dma_semaphore, #tpu.memory_space<semaphore_mem>>) src(%dma_wait3A_219 : memref<50x50xi32, #tpu.memory_space<hbm>>) dst(%arg8 : memref<50x50xi32, #tpu.memory_space<vmem>>)
      tpu.yield
    }) : () -> ()
    %dma_start3A_90 = arith.constant 0 : i32
    %dma_start3A_91 = arith.constant 0 : i32
    %dma_start3A_92 = tpu.memref_slice %arg7[%dma_start3A_90, %dma_start3A_91] : memref<50x50xi32, #tpu.memory_space<vmem>> -> memref<1x50xi32, #tpu.memory_space<vmem>>
    %dma_start3A_93 = tpu.memref_squeeze %dma_start3A_92 : memref<1x50xi32, #tpu.memory_space<vmem>> -> memref<50xi32, #tpu.memory_space<vmem>>
    %dma_start3A_94 = arith.constant 0 : i32
    %dma_start3A_95 = arith.constant 0 : i32
    %dma_start3A_96 = tpu.memref_slice %arg2[%dma_start3A_94, %dma_start3A_95] : memref<10000x128xf32, #tpu.memory_space<hbm>> -> memref<10000x128xf32, #tpu.memory_space<hbm>>
    tpu.enqueue_indirect_dma source(%dma_start3A_96 : memref<10000x128xf32, #tpu.memory_space<hbm>>) target(%arg9 : memref<50x128xf32, #tpu.memory_space<vmem>>) offsets(%dma_start3A_93 : memref<50xi32, #tpu.memory_space<vmem>>) semaphore(%arg15 : memref<!tpu.dma_semaphore, #tpu.memory_space<semaphore_mem>>)
    %dma_start3A_97 = arith.constant 1 : i32
    %dma_start3A_98 = arith.constant 0 : i32
    %dma_start3A_99 = tpu.memref_slice %arg7[%dma_start3A_97, %dma_start3A_98] : memref<50x50xi32, #tpu.memory_space<vmem>> -> memref<1x50xi32, #tpu.memory_space<vmem>>
    %dma_start3A_100 = tpu.memref_squeeze %dma_start3A_99 : memref<1x50xi32, #tpu.memory_space<vmem>> -> memref<50xi32, #tpu.memory_space<vmem>>
    %dma_start3A_101 = arith.constant 0 : i32
    %dma_start3A_102 = arith.constant 0 : i32
    %dma_start3A_103 = tpu.memref_slice %arg2[%dma_start3A_101, %dma_start3A_102] : memref<10000x128xf32, #tpu.memory_space<hbm>> -> memref<10000x128xf32, #tpu.memory_space<hbm>>
    tpu.enqueue_indirect_dma source(%dma_start3A_103 : memref<10000x128xf32, #tpu.memory_space<hbm>>) target(%arg10 : memref<50x128xf32, #tpu.memory_space<vmem>>) offsets(%dma_start3A_100 : memref<50xi32, #tpu.memory_space<vmem>>) semaphore(%arg16 : memref<!tpu.dma_semaphore, #tpu.memory_space<semaphore_mem>>)
    %dma_start3A_104 = arith.constant 2 : i32
    %dma_start3A_105 = arith.constant 0 : i32
    %dma_start3A_106 = tpu.memref_slice %arg7[%dma_start3A_104, %dma_start3A_105] : memref<50x50xi32, #tpu.memory_space<vmem>> -> memref<1x50xi32, #tpu.memory_space<vmem>>
    %dma_start3A_107 = tpu.memref_squeeze %dma_start3A_106 : memref<1x50xi32, #tpu.memory_space<vmem>> -> memref<50xi32, #tpu.memory_space<vmem>>
    %dma_start3A_108 = arith.constant 0 : i32
    %dma_start3A_109 = arith.constant 0 : i32
    %dma_start3A_110 = tpu.memref_slice %arg2[%dma_start3A_108, %dma_start3A_109] : memref<10000x128xf32, #tpu.memory_space<hbm>> -> memref<10000x128xf32, #tpu.memory_space<hbm>>
    tpu.enqueue_indirect_dma source(%dma_start3A_110 : memref<10000x128xf32, #tpu.memory_space<hbm>>) target(%arg11 : memref<50x128xf32, #tpu.memory_space<vmem>>) offsets(%dma_start3A_107 : memref<50xi32, #tpu.memory_space<vmem>>) semaphore(%arg17 : memref<!tpu.dma_semaphore, #tpu.memory_space<semaphore_mem>>)
    %dma_start3A_111 = arith.constant 3 : i32
    %dma_start3A_112 = arith.constant 0 : i32
    %dma_start3A_113 = tpu.memref_slice %arg7[%dma_start3A_111, %dma_start3A_112] : memref<50x50xi32, #tpu.memory_space<vmem>> -> memref<1x50xi32, #tpu.memory_space<vmem>>
    %dma_start3A_114 = tpu.memref_squeeze %dma_start3A_113 : memref<1x50xi32, #tpu.memory_space<vmem>> -> memref<50xi32, #tpu.memory_space<vmem>>
    %dma_start3A_115 = arith.constant 0 : i32
    %dma_start3A_116 = arith.constant 0 : i32
    %dma_start3A_117 = tpu.memref_slice %arg2[%dma_start3A_115, %dma_start3A_116] : memref<10000x128xf32, #tpu.memory_space<hbm>> -> memref<10000x128xf32, #tpu.memory_space<hbm>>
    tpu.enqueue_indirect_dma source(%dma_start3A_117 : memref<10000x128xf32, #tpu.memory_space<hbm>>) target(%arg12 : memref<50x128xf32, #tpu.memory_space<vmem>>) offsets(%dma_start3A_114 : memref<50xi32, #tpu.memory_space<vmem>>) semaphore(%arg18 : memref<!tpu.dma_semaphore, #tpu.memory_space<semaphore_mem>>)
    %dma_start3A_118 = arith.constant 4 : i32
    %dma_start3A_119 = arith.constant 0 : i32
    %dma_start3A_120 = tpu.memref_slice %arg7[%dma_start3A_118, %dma_start3A_119] : memref<50x50xi32, #tpu.memory_space<vmem>> -> memref<1x50xi32, #tpu.memory_space<vmem>>
    %dma_start3A_121 = tpu.memref_squeeze %dma_start3A_120 : memref<1x50xi32, #tpu.memory_space<vmem>> -> memref<50xi32, #tpu.memory_space<vmem>>
    %dma_start3A_122 = arith.constant 0 : i32
    %dma_start3A_123 = arith.constant 0 : i32
    %dma_start3A_124 = tpu.memref_slice %arg2[%dma_start3A_122, %dma_start3A_123] : memref<10000x128xf32, #tpu.memory_space<hbm>> -> memref<10000x128xf32, #tpu.memory_space<hbm>>
    tpu.enqueue_indirect_dma source(%dma_start3A_124 : memref<10000x128xf32, #tpu.memory_space<hbm>>) target(%arg13 : memref<50x128xf32, #tpu.memory_space<vmem>>) offsets(%dma_start3A_121 : memref<50xi32, #tpu.memory_space<vmem>>) semaphore(%arg19 : memref<!tpu.dma_semaphore, #tpu.memory_space<semaphore_mem>>)
    %scan3A_125 = arith.constant 0 : i32
    %scan3A_126 = arith.constant 0 : i32
    %scan3A_127 = arith.constant 10 : i32
    %scan3A_128 = arith.addi %scan3A_126, %scan3A_127 : i32
    %scan3A_129 = arith.constant 1 : i32
    scf.for %scan3A_184 = %scan3A_126 to %scan3A_128 step %scan3A_129  : i32 {
      %mul3A_185 = arith.constant 5 : i32
      %mul3A_186 = arith.muli %mul3A_185, %scan3A_184 : i32
      %add3A_187 = arith.constant 0 : i32
      %add3A_188 = arith.addi %mul3A_186, %add3A_187 : i32
      %dma_wait3A = arith.constant 0 : i32
      %dma_wait3A_189 = tpu.memref_slice %arg7[%add3A_188, %dma_wait3A] : memref<50x50xi32, #tpu.memory_space<vmem>> -> memref<1x50xi32, #tpu.memory_space<vmem>>
      %dma_wait3A_190 = tpu.memref_squeeze %dma_wait3A_189 : memref<1x50xi32, #tpu.memory_space<vmem>> -> memref<50xi32, #tpu.memory_space<vmem>>
      %dma_wait3A_191 = arith.constant 0 : i32
      %dma_wait3A_192 = arith.constant 0 : i32
      %dma_wait3A_193 = tpu.memref_slice %arg2[%dma_wait3A_191, %dma_wait3A_192] : memref<10000x128xf32, #tpu.memory_space<hbm>> -> memref<10000x128xf32, #tpu.memory_space<hbm>>
      tpu.wait_indirect_dma semaphore(%arg15 : memref<!tpu.dma_semaphore, #tpu.memory_space<semaphore_mem>>) src(%dma_wait3A_193 : memref<10000x128xf32, #tpu.memory_space<hbm>>) dst(%arg9 : memref<50x128xf32, #tpu.memory_space<vmem>>)
      "tpu.region"() ({
        %run_scoped3A_260 = tpu.sem_alloc : memref<!tpu.dma_semaphore, #tpu.memory_space<semaphore_mem>>
        %dma_start3A_261 = arith.constant 0 : i32
        %dma_start3A_262 = tpu.memref_slice %arg8[%add3A_188, %dma_start3A_261] : memref<50x50xi32, #tpu.memory_space<vmem>> -> memref<1x50xi32, #tpu.memory_space<vmem>>
        %dma_start3A_263 = tpu.memref_squeeze %dma_start3A_262 : memref<1x50xi32, #tpu.memory_space<vmem>> -> memref<50xi32, #tpu.memory_space<vmem>>
        %dma_start3A_264 = arith.constant 0 : i32
        %dma_start3A_265 = arith.constant 0 : i32
        %dma_start3A_266 = tpu.memref_slice %arg14[%dma_start3A_264, %dma_start3A_265] : memref<10000x128xf32, #tpu.memory_space<vmem_shared>> -> memref<10000x128xf32, #tpu.memory_space<vmem_shared>>
        tpu.enqueue_indirect_dma source(%arg9 : memref<50x128xf32, #tpu.memory_space<vmem>>) target(%dma_start3A_266 : memref<10000x128xf32, #tpu.memory_space<vmem_shared>>) offsets(%dma_start3A_263 : memref<50xi32, #tpu.memory_space<vmem>>) semaphore(%run_scoped3A_260 : memref<!tpu.dma_semaphore, #tpu.memory_space<semaphore_mem>>) {add = true}
        %dma_wait3A_267 = arith.constant 0 : i32
        %dma_wait3A_268 = tpu.memref_slice %arg8[%add3A_188, %dma_wait3A_267] : memref<50x50xi32, #tpu.memory_space<vmem>> -> memref<1x50xi32, #tpu.memory_space<vmem>>
        %dma_wait3A_269 = tpu.memref_squeeze %dma_wait3A_268 : memref<1x50xi32, #tpu.memory_space<vmem>> -> memref<50xi32, #tpu.memory_space<vmem>>
        %dma_wait3A_270 = arith.constant 0 : i32
        %dma_wait3A_271 = arith.constant 0 : i32
        %dma_wait3A_272 = tpu.memref_slice %arg14[%dma_wait3A_270, %dma_wait3A_271] : memref<10000x128xf32, #tpu.memory_space<vmem_shared>> -> memref<10000x128xf32, #tpu.memory_space<vmem_shared>>
        tpu.wait_indirect_dma semaphore(%run_scoped3A_260 : memref<!tpu.dma_semaphore, #tpu.memory_space<semaphore_mem>>) src(%arg9 : memref<50x128xf32, #tpu.memory_space<vmem>>) dst(%dma_wait3A_272 : memref<10000x128xf32, #tpu.memory_space<vmem_shared>>)
        tpu.yield
      }) : () -> ()
      %add3A_194 = arith.constant 5 : i32
      %add3A_195 = arith.addi %add3A_188, %add3A_194 : i32
      %lt3A = arith.constant 50 : i32
      %lt3A_196 = arith.cmpi slt, %add3A_195, %lt3A : i32
      %convert_element_type3A_197 = arith.extui %lt3A_196 : i1 to i32
      %cond3A_198 = arith.constant 0 : i32
      %cond3A_199 = arith.cmpi ne, %convert_element_type3A_197, %cond3A_198 : i32
      scf.if %cond3A_199 {
        %add3A_260 = arith.constant 5 : i32
        %add3A_261 = arith.addi %add3A_188, %add3A_260 : i32
        %dma_start3A_262 = arith.constant 0 : i32
        %dma_start3A_263 = tpu.memref_slice %arg7[%add3A_261, %dma_start3A_262] : memref<50x50xi32, #tpu.memory_space<vmem>> -> memref<1x50xi32, #tpu.memory_space<vmem>>
        %dma_start3A_264 = tpu.memref_squeeze %dma_start3A_263 : memref<1x50xi32, #tpu.memory_space<vmem>> -> memref<50xi32, #tpu.memory_space<vmem>>
        %dma_start3A_265 = arith.constant 0 : i32
        %dma_start3A_266 = arith.constant 0 : i32
        %dma_start3A_267 = tpu.memref_slice %arg2[%dma_start3A_265, %dma_start3A_266] : memref<10000x128xf32, #tpu.memory_space<hbm>> -> memref<10000x128xf32, #tpu.memory_space<hbm>>
        tpu.enqueue_indirect_dma source(%dma_start3A_267 : memref<10000x128xf32, #tpu.memory_space<hbm>>) target(%arg9 : memref<50x128xf32, #tpu.memory_space<vmem>>) offsets(%dma_start3A_264 : memref<50xi32, #tpu.memory_space<vmem>>) semaphore(%arg15 : memref<!tpu.dma_semaphore, #tpu.memory_space<semaphore_mem>>)
      } else {
      }
      %add3A_200 = arith.constant 1 : i32
      %add3A_201 = arith.addi %mul3A_186, %add3A_200 : i32
      %dma_wait3A_202 = arith.constant 0 : i32
      %dma_wait3A_203 = tpu.memref_slice %arg7[%add3A_201, %dma_wait3A_202] : memref<50x50xi32, #tpu.memory_space<vmem>> -> memref<1x50xi32, #tpu.memory_space<vmem>>
      %dma_wait3A_204 = tpu.memref_squeeze %dma_wait3A_203 : memref<1x50xi32, #tpu.memory_space<vmem>> -> memref<50xi32, #tpu.memory_space<vmem>>
      %dma_wait3A_205 = arith.constant 0 : i32
      %dma_wait3A_206 = arith.constant 0 : i32
      %dma_wait3A_207 = tpu.memref_slice %arg2[%dma_wait3A_205, %dma_wait3A_206] : memref<10000x128xf32, #tpu.memory_space<hbm>> -> memref<10000x128xf32, #tpu.memory_space<hbm>>
      tpu.wait_indirect_dma semaphore(%arg16 : memref<!tpu.dma_semaphore, #tpu.memory_space<semaphore_mem>>) src(%dma_wait3A_207 : memref<10000x128xf32, #tpu.memory_space<hbm>>) dst(%arg10 : memref<50x128xf32, #tpu.memory_space<vmem>>)
      "tpu.region"() ({
        %run_scoped3A_260 = tpu.sem_alloc : memref<!tpu.dma_semaphore, #tpu.memory_space<semaphore_mem>>
        %dma_start3A_261 = arith.constant 0 : i32
        %dma_start3A_262 = tpu.memref_slice %arg8[%add3A_201, %dma_start3A_261] : memref<50x50xi32, #tpu.memory_space<vmem>> -> memref<1x50xi32, #tpu.memory_space<vmem>>
        %dma_start3A_263 = tpu.memref_squeeze %dma_start3A_262 : memref<1x50xi32, #tpu.memory_space<vmem>> -> memref<50xi32, #tpu.memory_space<vmem>>
        %dma_start3A_264 = arith.constant 0 : i32
        %dma_start3A_265 = arith.constant 0 : i32
        %dma_start3A_266 = tpu.memref_slice %arg14[%dma_start3A_264, %dma_start3A_265] : memref<10000x128xf32, #tpu.memory_space<vmem_shared>> -> memref<10000x128xf32, #tpu.memory_space<vmem_shared>>
        tpu.enqueue_indirect_dma source(%arg10 : memref<50x128xf32, #tpu.memory_space<vmem>>) target(%dma_start3A_266 : memref<10000x128xf32, #tpu.memory_space<vmem_shared>>) offsets(%dma_start3A_263 : memref<50xi32, #tpu.memory_space<vmem>>) semaphore(%run_scoped3A_260 : memref<!tpu.dma_semaphore, #tpu.memory_space<semaphore_mem>>) {add = true}
        %dma_wait3A_267 = arith.constant 0 : i32
        %dma_wait3A_268 = tpu.memref_slice %arg8[%add3A_201, %dma_wait3A_267] : memref<50x50xi32, #tpu.memory_space<vmem>> -> memref<1x50xi32, #tpu.memory_space<vmem>>
        %dma_wait3A_269 = tpu.memref_squeeze %dma_wait3A_268 : memref<1x50xi32, #tpu.memory_space<vmem>> -> memref<50xi32, #tpu.memory_space<vmem>>
        %dma_wait3A_270 = arith.constant 0 : i32
        %dma_wait3A_271 = arith.constant 0 : i32
        %dma_wait3A_272 = tpu.memref_slice %arg14[%dma_wait3A_270, %dma_wait3A_271] : memref<10000x128xf32, #tpu.memory_space<vmem_shared>> -> memref<10000x128xf32, #tpu.memory_space<vmem_shared>>
        tpu.wait_indirect_dma semaphore(%run_scoped3A_260 : memref<!tpu.dma_semaphore, #tpu.memory_space<semaphore_mem>>) src(%arg10 : memref<50x128xf32, #tpu.memory_space<vmem>>) dst(%dma_wait3A_272 : memref<10000x128xf32, #tpu.memory_space<vmem_shared>>)
        tpu.yield
      }) : () -> ()
      %add3A_208 = arith.constant 5 : i32
      %add3A_209 = arith.addi %add3A_201, %add3A_208 : i32
      %lt3A_210 = arith.constant 50 : i32
      %lt3A_211 = arith.cmpi slt, %add3A_209, %lt3A_210 : i32
      %convert_element_type3A_212 = arith.extui %lt3A_211 : i1 to i32
      %cond3A_213 = arith.constant 0 : i32
      %cond3A_214 = arith.cmpi ne, %convert_element_type3A_212, %cond3A_213 : i32
      scf.if %cond3A_214 {
        %add3A_260 = arith.constant 5 : i32
        %add3A_261 = arith.addi %add3A_201, %add3A_260 : i32
        %dma_start3A_262 = arith.constant 0 : i32
        %dma_start3A_263 = tpu.memref_slice %arg7[%add3A_261, %dma_start3A_262] : memref<50x50xi32, #tpu.memory_space<vmem>> -> memref<1x50xi32, #tpu.memory_space<vmem>>
        %dma_start3A_264 = tpu.memref_squeeze %dma_start3A_263 : memref<1x50xi32, #tpu.memory_space<vmem>> -> memref<50xi32, #tpu.memory_space<vmem>>
        %dma_start3A_265 = arith.constant 0 : i32
        %dma_start3A_266 = arith.constant 0 : i32
        %dma_start3A_267 = tpu.memref_slice %arg2[%dma_start3A_265, %dma_start3A_266] : memref<10000x128xf32, #tpu.memory_space<hbm>> -> memref<10000x128xf32, #tpu.memory_space<hbm>>
        tpu.enqueue_indirect_dma source(%dma_start3A_267 : memref<10000x128xf32, #tpu.memory_space<hbm>>) target(%arg10 : memref<50x128xf32, #tpu.memory_space<vmem>>) offsets(%dma_start3A_264 : memref<50xi32, #tpu.memory_space<vmem>>) semaphore(%arg16 : memref<!tpu.dma_semaphore, #tpu.memory_space<semaphore_mem>>)
      } else {
      }
      %add3A_215 = arith.constant 2 : i32
      %add3A_216 = arith.addi %mul3A_186, %add3A_215 : i32
      %dma_wait3A_217 = arith.constant 0 : i32
      %dma_wait3A_218 = tpu.memref_slice %arg7[%add3A_216, %dma_wait3A_217] : memref<50x50xi32, #tpu.memory_space<vmem>> -> memref<1x50xi32, #tpu.memory_space<vmem>>
      %dma_wait3A_219 = tpu.memref_squeeze %dma_wait3A_218 : memref<1x50xi32, #tpu.memory_space<vmem>> -> memref<50xi32, #tpu.memory_space<vmem>>
      %dma_wait3A_220 = arith.constant 0 : i32
      %dma_wait3A_221 = arith.constant 0 : i32
      %dma_wait3A_222 = tpu.memref_slice %arg2[%dma_wait3A_220, %dma_wait3A_221] : memref<10000x128xf32, #tpu.memory_space<hbm>> -> memref<10000x128xf32, #tpu.memory_space<hbm>>
      tpu.wait_indirect_dma semaphore(%arg17 : memref<!tpu.dma_semaphore, #tpu.memory_space<semaphore_mem>>) src(%dma_wait3A_222 : memref<10000x128xf32, #tpu.memory_space<hbm>>) dst(%arg11 : memref<50x128xf32, #tpu.memory_space<vmem>>)
      "tpu.region"() ({
        %run_scoped3A_260 = tpu.sem_alloc : memref<!tpu.dma_semaphore, #tpu.memory_space<semaphore_mem>>
        %dma_start3A_261 = arith.constant 0 : i32
        %dma_start3A_262 = tpu.memref_slice %arg8[%add3A_216, %dma_start3A_261] : memref<50x50xi32, #tpu.memory_space<vmem>> -> memref<1x50xi32, #tpu.memory_space<vmem>>
        %dma_start3A_263 = tpu.memref_squeeze %dma_start3A_262 : memref<1x50xi32, #tpu.memory_space<vmem>> -> memref<50xi32, #tpu.memory_space<vmem>>
        %dma_start3A_264 = arith.constant 0 : i32
        %dma_start3A_265 = arith.constant 0 : i32
        %dma_start3A_266 = tpu.memref_slice %arg14[%dma_start3A_264, %dma_start3A_265] : memref<10000x128xf32, #tpu.memory_space<vmem_shared>> -> memref<10000x128xf32, #tpu.memory_space<vmem_shared>>
        tpu.enqueue_indirect_dma source(%arg11 : memref<50x128xf32, #tpu.memory_space<vmem>>) target(%dma_start3A_266 : memref<10000x128xf32, #tpu.memory_space<vmem_shared>>) offsets(%dma_start3A_263 : memref<50xi32, #tpu.memory_space<vmem>>) semaphore(%run_scoped3A_260 : memref<!tpu.dma_semaphore, #tpu.memory_space<semaphore_mem>>) {add = true}
        %dma_wait3A_267 = arith.constant 0 : i32
        %dma_wait3A_268 = tpu.memref_slice %arg8[%add3A_216, %dma_wait3A_267] : memref<50x50xi32, #tpu.memory_space<vmem>> -> memref<1x50xi32, #tpu.memory_space<vmem>>
        %dma_wait3A_269 = tpu.memref_squeeze %dma_wait3A_268 : memref<1x50xi32, #tpu.memory_space<vmem>> -> memref<50xi32, #tpu.memory_space<vmem>>
        %dma_wait3A_270 = arith.constant 0 : i32
        %dma_wait3A_271 = arith.constant 0 : i32
        %dma_wait3A_272 = tpu.memref_slice %arg14[%dma_wait3A_270, %dma_wait3A_271] : memref<10000x128xf32, #tpu.memory_space<vmem_shared>> -> memref<10000x128xf32, #tpu.memory_space<vmem_shared>>
        tpu.wait_indirect_dma semaphore(%run_scoped3A_260 : memref<!tpu.dma_semaphore, #tpu.memory_space<semaphore_mem>>) src(%arg11 : memref<50x128xf32, #tpu.memory_space<vmem>>) dst(%dma_wait3A_272 : memref<10000x128xf32, #tpu.memory_space<vmem_shared>>)
        tpu.yield
      }) : () -> ()
      %add3A_223 = arith.constant 5 : i32
      %add3A_224 = arith.addi %add3A_216, %add3A_223 : i32
      %lt3A_225 = arith.constant 50 : i32
      %lt3A_226 = arith.cmpi slt, %add3A_224, %lt3A_225 : i32
      %convert_element_type3A_227 = arith.extui %lt3A_226 : i1 to i32
      %cond3A_228 = arith.constant 0 : i32
      %cond3A_229 = arith.cmpi ne, %convert_element_type3A_227, %cond3A_228 : i32
      scf.if %cond3A_229 {
        %add3A_260 = arith.constant 5 : i32
        %add3A_261 = arith.addi %add3A_216, %add3A_260 : i32
        %dma_start3A_262 = arith.constant 0 : i32
        %dma_start3A_263 = tpu.memref_slice %arg7[%add3A_261, %dma_start3A_262] : memref<50x50xi32, #tpu.memory_space<vmem>> -> memref<1x50xi32, #tpu.memory_space<vmem>>
        %dma_start3A_264 = tpu.memref_squeeze %dma_start3A_263 : memref<1x50xi32, #tpu.memory_space<vmem>> -> memref<50xi32, #tpu.memory_space<vmem>>
        %dma_start3A_265 = arith.constant 0 : i32
        %dma_start3A_266 = arith.constant 0 : i32
        %dma_start3A_267 = tpu.memref_slice %arg2[%dma_start3A_265, %dma_start3A_266] : memref<10000x128xf32, #tpu.memory_space<hbm>> -> memref<10000x128xf32, #tpu.memory_space<hbm>>
        tpu.enqueue_indirect_dma source(%dma_start3A_267 : memref<10000x128xf32, #tpu.memory_space<hbm>>) target(%arg11 : memref<50x128xf32, #tpu.memory_space<vmem>>) offsets(%dma_start3A_264 : memref<50xi32, #tpu.memory_space<vmem>>) semaphore(%arg17 : memref<!tpu.dma_semaphore, #tpu.memory_space<semaphore_mem>>)
      } else {
      }
      %add3A_230 = arith.constant 3 : i32
      %add3A_231 = arith.addi %mul3A_186, %add3A_230 : i32
      %dma_wait3A_232 = arith.constant 0 : i32
      %dma_wait3A_233 = tpu.memref_slice %arg7[%add3A_231, %dma_wait3A_232] : memref<50x50xi32, #tpu.memory_space<vmem>> -> memref<1x50xi32, #tpu.memory_space<vmem>>
      %dma_wait3A_234 = tpu.memref_squeeze %dma_wait3A_233 : memref<1x50xi32, #tpu.memory_space<vmem>> -> memref<50xi32, #tpu.memory_space<vmem>>
      %dma_wait3A_235 = arith.constant 0 : i32
      %dma_wait3A_236 = arith.constant 0 : i32
      %dma_wait3A_237 = tpu.memref_slice %arg2[%dma_wait3A_235, %dma_wait3A_236] : memref<10000x128xf32, #tpu.memory_space<hbm>> -> memref<10000x128xf32, #tpu.memory_space<hbm>>
      tpu.wait_indirect_dma semaphore(%arg18 : memref<!tpu.dma_semaphore, #tpu.memory_space<semaphore_mem>>) src(%dma_wait3A_237 : memref<10000x128xf32, #tpu.memory_space<hbm>>) dst(%arg12 : memref<50x128xf32, #tpu.memory_space<vmem>>)
      "tpu.region"() ({
        %run_scoped3A_260 = tpu.sem_alloc : memref<!tpu.dma_semaphore, #tpu.memory_space<semaphore_mem>>
        %dma_start3A_261 = arith.constant 0 : i32
        %dma_start3A_262 = tpu.memref_slice %arg8[%add3A_231, %dma_start3A_261] : memref<50x50xi32, #tpu.memory_space<vmem>> -> memref<1x50xi32, #tpu.memory_space<vmem>>
        %dma_start3A_263 = tpu.memref_squeeze %dma_start3A_262 : memref<1x50xi32, #tpu.memory_space<vmem>> -> memref<50xi32, #tpu.memory_space<vmem>>
        %dma_start3A_264 = arith.constant 0 : i32
        %dma_start3A_265 = arith.constant 0 : i32
        %dma_start3A_266 = tpu.memref_slice %arg14[%dma_start3A_264, %dma_start3A_265] : memref<10000x128xf32, #tpu.memory_space<vmem_shared>> -> memref<10000x128xf32, #tpu.memory_space<vmem_shared>>
        tpu.enqueue_indirect_dma source(%arg12 : memref<50x128xf32, #tpu.memory_space<vmem>>) target(%dma_start3A_266 : memref<10000x128xf32, #tpu.memory_space<vmem_shared>>) offsets(%dma_start3A_263 : memref<50xi32, #tpu.memory_space<vmem>>) semaphore(%run_scoped3A_260 : memref<!tpu.dma_semaphore, #tpu.memory_space<semaphore_mem>>) {add = true}
        %dma_wait3A_267 = arith.constant 0 : i32
        %dma_wait3A_268 = tpu.memref_slice %arg8[%add3A_231, %dma_wait3A_267] : memref<50x50xi32, #tpu.memory_space<vmem>> -> memref<1x50xi32, #tpu.memory_space<vmem>>
        %dma_wait3A_269 = tpu.memref_squeeze %dma_wait3A_268 : memref<1x50xi32, #tpu.memory_space<vmem>> -> memref<50xi32, #tpu.memory_space<vmem>>
        %dma_wait3A_270 = arith.constant 0 : i32
        %dma_wait3A_271 = arith.constant 0 : i32
        %dma_wait3A_272 = tpu.memref_slice %arg14[%dma_wait3A_270, %dma_wait3A_271] : memref<10000x128xf32, #tpu.memory_space<vmem_shared>> -> memref<10000x128xf32, #tpu.memory_space<vmem_shared>>
        tpu.wait_indirect_dma semaphore(%run_scoped3A_260 : memref<!tpu.dma_semaphore, #tpu.memory_space<semaphore_mem>>) src(%arg12 : memref<50x128xf32, #tpu.memory_space<vmem>>) dst(%dma_wait3A_272 : memref<10000x128xf32, #tpu.memory_space<vmem_shared>>)
        tpu.yield
      }) : () -> ()
      %add3A_238 = arith.constant 5 : i32
      %add3A_239 = arith.addi %add3A_231, %add3A_238 : i32
      %lt3A_240 = arith.constant 50 : i32
      %lt3A_241 = arith.cmpi slt, %add3A_239, %lt3A_240 : i32
      %convert_element_type3A_242 = arith.extui %lt3A_241 : i1 to i32
      %cond3A_243 = arith.constant 0 : i32
      %cond3A_244 = arith.cmpi ne, %convert_element_type3A_242, %cond3A_243 : i32
      scf.if %cond3A_244 {
        %add3A_260 = arith.constant 5 : i32
        %add3A_261 = arith.addi %add3A_231, %add3A_260 : i32
        %dma_start3A_262 = arith.constant 0 : i32
        %dma_start3A_263 = tpu.memref_slice %arg7[%add3A_261, %dma_start3A_262] : memref<50x50xi32, #tpu.memory_space<vmem>> -> memref<1x50xi32, #tpu.memory_space<vmem>>
        %dma_start3A_264 = tpu.memref_squeeze %dma_start3A_263 : memref<1x50xi32, #tpu.memory_space<vmem>> -> memref<50xi32, #tpu.memory_space<vmem>>
        %dma_start3A_265 = arith.constant 0 : i32
        %dma_start3A_266 = arith.constant 0 : i32
        %dma_start3A_267 = tpu.memref_slice %arg2[%dma_start3A_265, %dma_start3A_266] : memref<10000x128xf32, #tpu.memory_space<hbm>> -> memref<10000x128xf32, #tpu.memory_space<hbm>>
        tpu.enqueue_indirect_dma source(%dma_start3A_267 : memref<10000x128xf32, #tpu.memory_space<hbm>>) target(%arg12 : memref<50x128xf32, #tpu.memory_space<vmem>>) offsets(%dma_start3A_264 : memref<50xi32, #tpu.memory_space<vmem>>) semaphore(%arg18 : memref<!tpu.dma_semaphore, #tpu.memory_space<semaphore_mem>>)
      } else {
      }
      %add3A_245 = arith.constant 4 : i32
      %add3A_246 = arith.addi %mul3A_186, %add3A_245 : i32
      %dma_wait3A_247 = arith.constant 0 : i32
      %dma_wait3A_248 = tpu.memref_slice %arg7[%add3A_246, %dma_wait3A_247] : memref<50x50xi32, #tpu.memory_space<vmem>> -> memref<1x50xi32, #tpu.memory_space<vmem>>
      %dma_wait3A_249 = tpu.memref_squeeze %dma_wait3A_248 : memref<1x50xi32, #tpu.memory_space<vmem>> -> memref<50xi32, #tpu.memory_space<vmem>>
      %dma_wait3A_250 = arith.constant 0 : i32
      %dma_wait3A_251 = arith.constant 0 : i32
      %dma_wait3A_252 = tpu.memref_slice %arg2[%dma_wait3A_250, %dma_wait3A_251] : memref<10000x128xf32, #tpu.memory_space<hbm>> -> memref<10000x128xf32, #tpu.memory_space<hbm>>
      tpu.wait_indirect_dma semaphore(%arg19 : memref<!tpu.dma_semaphore, #tpu.memory_space<semaphore_mem>>) src(%dma_wait3A_252 : memref<10000x128xf32, #tpu.memory_space<hbm>>) dst(%arg13 : memref<50x128xf32, #tpu.memory_space<vmem>>)
      "tpu.region"() ({
        %run_scoped3A_260 = tpu.sem_alloc : memref<!tpu.dma_semaphore, #tpu.memory_space<semaphore_mem>>
        %dma_start3A_261 = arith.constant 0 : i32
        %dma_start3A_262 = tpu.memref_slice %arg8[%add3A_246, %dma_start3A_261] : memref<50x50xi32, #tpu.memory_space<vmem>> -> memref<1x50xi32, #tpu.memory_space<vmem>>
        %dma_start3A_263 = tpu.memref_squeeze %dma_start3A_262 : memref<1x50xi32, #tpu.memory_space<vmem>> -> memref<50xi32, #tpu.memory_space<vmem>>
        %dma_start3A_264 = arith.constant 0 : i32
        %dma_start3A_265 = arith.constant 0 : i32
        %dma_start3A_266 = tpu.memref_slice %arg14[%dma_start3A_264, %dma_start3A_265] : memref<10000x128xf32, #tpu.memory_space<vmem_shared>> -> memref<10000x128xf32, #tpu.memory_space<vmem_shared>>
        tpu.enqueue_indirect_dma source(%arg13 : memref<50x128xf32, #tpu.memory_space<vmem>>) target(%dma_start3A_266 : memref<10000x128xf32, #tpu.memory_space<vmem_shared>>) offsets(%dma_start3A_263 : memref<50xi32, #tpu.memory_space<vmem>>) semaphore(%run_scoped3A_260 : memref<!tpu.dma_semaphore, #tpu.memory_space<semaphore_mem>>) {add = true}
        %dma_wait3A_267 = arith.constant 0 : i32
        %dma_wait3A_268 = tpu.memref_slice %arg8[%add3A_246, %dma_wait3A_267] : memref<50x50xi32, #tpu.memory_space<vmem>> -> memref<1x50xi32, #tpu.memory_space<vmem>>
        %dma_wait3A_269 = tpu.memref_squeeze %dma_wait3A_268 : memref<1x50xi32, #tpu.memory_space<vmem>> -> memref<50xi32, #tpu.memory_space<vmem>>
        %dma_wait3A_270 = arith.constant 0 : i32
        %dma_wait3A_271 = arith.constant 0 : i32
        %dma_wait3A_272 = tpu.memref_slice %arg14[%dma_wait3A_270, %dma_wait3A_271] : memref<10000x128xf32, #tpu.memory_space<vmem_shared>> -> memref<10000x128xf32, #tpu.memory_space<vmem_shared>>
        tpu.wait_indirect_dma semaphore(%run_scoped3A_260 : memref<!tpu.dma_semaphore, #tpu.memory_space<semaphore_mem>>) src(%arg13 : memref<50x128xf32, #tpu.memory_space<vmem>>) dst(%dma_wait3A_272 : memref<10000x128xf32, #tpu.memory_space<vmem_shared>>)
        tpu.yield
      }) : () -> ()
      %add3A_253 = arith.constant 5 : i32
      %add3A_254 = arith.addi %add3A_246, %add3A_253 : i32
      %lt3A_255 = arith.constant 50 : i32
      %lt3A_256 = arith.cmpi slt, %add3A_254, %lt3A_255 : i32
      %convert_element_type3A_257 = arith.extui %lt3A_256 : i1 to i32
      %cond3A_258 = arith.constant 0 : i32
      %cond3A_259 = arith.cmpi ne, %convert_element_type3A_257, %cond3A_258 : i32
      scf.if %cond3A_259 {
        %add3A_260 = arith.constant 5 : i32
        %add3A_261 = arith.addi %add3A_246, %add3A_260 : i32
        %dma_start3A_262 = arith.constant 0 : i32
        %dma_start3A_263 = tpu.memref_slice %arg7[%add3A_261, %dma_start3A_262] : memref<50x50xi32, #tpu.memory_space<vmem>> -> memref<1x50xi32, #tpu.memory_space<vmem>>
        %dma_start3A_264 = tpu.memref_squeeze %dma_start3A_263 : memref<1x50xi32, #tpu.memory_space<vmem>> -> memref<50xi32, #tpu.memory_space<vmem>>
        %dma_start3A_265 = arith.constant 0 : i32
        %dma_start3A_266 = arith.constant 0 : i32
        %dma_start3A_267 = tpu.memref_slice %arg2[%dma_start3A_265, %dma_start3A_266] : memref<10000x128xf32, #tpu.memory_space<hbm>> -> memref<10000x128xf32, #tpu.memory_space<hbm>>
        tpu.enqueue_indirect_dma source(%dma_start3A_267 : memref<10000x128xf32, #tpu.memory_space<hbm>>) target(%arg13 : memref<50x128xf32, #tpu.memory_space<vmem>>) offsets(%dma_start3A_264 : memref<50xi32, #tpu.memory_space<vmem>>) semaphore(%arg19 : memref<!tpu.dma_semaphore, #tpu.memory_space<semaphore_mem>>)
      } else {
      }
    }
    %scan3A_130 = arith.constant 10 : i32
    %run_scoped3A_131 = arith.constant 3 : i32
    "tpu.region"() ({
      %run_scoped3A_184 = tpu.sem_alloc : memref<!tpu.dma_semaphore, #tpu.memory_space<semaphore_mem>>
      %dma_start3A_185 = arith.constant 0 : i32
      %dma_start3A_186 = arith.constant 0 : i32
      %dma_start3A_187 = arith.constant 0 : i32
      %dma_start3A_188 = tpu.memref_slice %arg3[%add3A, %dma_start3A_185, %dma_start3A_186, %dma_start3A_187] : memref<32x4x50x50xi32, #tpu.memory_space<hbm>> -> memref<1x4x50x50xi32, #tpu.memory_space<hbm>>
      %dma_start3A_189 = tpu.memref_squeeze %dma_start3A_188 : memref<1x4x50x50xi32, #tpu.memory_space<hbm>> -> memref<4x50x50xi32, #tpu.memory_space<hbm>>
      %dma_start3A_190 = arith.constant 0 : i32
      %dma_start3A_191 = arith.constant 0 : i32
      %dma_start3A_192 = tpu.memref_slice %dma_start3A_189[%run_scoped3A_131, %dma_start3A_190, %dma_start3A_191] : memref<4x50x50xi32, #tpu.memory_space<hbm>> -> memref<1x50x50xi32, #tpu.memory_space<hbm>>
      %dma_start3A_193 = tpu.memref_squeeze %dma_start3A_192 : memref<1x50x50xi32, #tpu.memory_space<hbm>> -> memref<50x50xi32, #tpu.memory_space<hbm>>
      %dma_start3A_194 = arith.constant 0 : i32
      %dma_start3A_195 = arith.constant 0 : i32
      %dma_start3A_196 = arith.constant 0 : i32
      %dma_start3A_197 = tpu.memref_slice %arg3[%add3A, %dma_start3A_194, %dma_start3A_195, %dma_start3A_196] : memref<32x4x50x50xi32, #tpu.memory_space<hbm>> -> memref<1x4x50x50xi32, #tpu.memory_space<hbm>>
      %dma_start3A_198 = tpu.memref_squeeze %dma_start3A_197 : memref<1x4x50x50xi32, #tpu.memory_space<hbm>> -> memref<4x50x50xi32, #tpu.memory_space<hbm>>
      %dma_start3A_199 = arith.constant 0 : i32
      %dma_start3A_200 = arith.constant 0 : i32
      %dma_start3A_201 = tpu.memref_slice %dma_start3A_198[%run_scoped3A_131, %dma_start3A_199, %dma_start3A_200] : memref<4x50x50xi32, #tpu.memory_space<hbm>> -> memref<1x50x50xi32, #tpu.memory_space<hbm>>
      %dma_start3A_202 = tpu.memref_squeeze %dma_start3A_201 : memref<1x50x50xi32, #tpu.memory_space<hbm>> -> memref<50x50xi32, #tpu.memory_space<hbm>>
      tpu.enqueue_dma source(%dma_start3A_202 : memref<50x50xi32, #tpu.memory_space<hbm>>) target(%arg7 : memref<50x50xi32, #tpu.memory_space<vmem>>) target_semaphore(%run_scoped3A_184 : memref<!tpu.dma_semaphore, #tpu.memory_space<semaphore_mem>>)
      %dma_wait3A = arith.constant 0 : i32
      %dma_wait3A_203 = arith.constant 0 : i32
      %dma_wait3A_204 = arith.constant 0 : i32
      %dma_wait3A_205 = tpu.memref_slice %arg3[%add3A, %dma_wait3A, %dma_wait3A_203, %dma_wait3A_204] : memref<32x4x50x50xi32, #tpu.memory_space<hbm>> -> memref<1x4x50x50xi32, #tpu.memory_space<hbm>>
      %dma_wait3A_206 = tpu.memref_squeeze %dma_wait3A_205 : memref<1x4x50x50xi32, #tpu.memory_space<hbm>> -> memref<4x50x50xi32, #tpu.memory_space<hbm>>
      %dma_wait3A_207 = arith.constant 0 : i32
      %dma_wait3A_208 = arith.constant 0 : i32
      %dma_wait3A_209 = tpu.memref_slice %dma_wait3A_206[%run_scoped3A_131, %dma_wait3A_207, %dma_wait3A_208] : memref<4x50x50xi32, #tpu.memory_space<hbm>> -> memref<1x50x50xi32, #tpu.memory_space<hbm>>
      %dma_wait3A_210 = tpu.memref_squeeze %dma_wait3A_209 : memref<1x50x50xi32, #tpu.memory_space<hbm>> -> memref<50x50xi32, #tpu.memory_space<hbm>>
      %dma_wait3A_211 = arith.constant 0 : i32
      %dma_wait3A_212 = arith.constant 0 : i32
      %dma_wait3A_213 = arith.constant 0 : i32
      %dma_wait3A_214 = tpu.memref_slice %arg3[%add3A, %dma_wait3A_211, %dma_wait3A_212, %dma_wait3A_213] : memref<32x4x50x50xi32, #tpu.memory_space<hbm>> -> memref<1x4x50x50xi32, #tpu.memory_space<hbm>>
      %dma_wait3A_215 = tpu.memref_squeeze %dma_wait3A_214 : memref<1x4x50x50xi32, #tpu.memory_space<hbm>> -> memref<4x50x50xi32, #tpu.memory_space<hbm>>
      %dma_wait3A_216 = arith.constant 0 : i32
      %dma_wait3A_217 = arith.constant 0 : i32
      %dma_wait3A_218 = tpu.memref_slice %dma_wait3A_215[%run_scoped3A_131, %dma_wait3A_216, %dma_wait3A_217] : memref<4x50x50xi32, #tpu.memory_space<hbm>> -> memref<1x50x50xi32, #tpu.memory_space<hbm>>
      %dma_wait3A_219 = tpu.memref_squeeze %dma_wait3A_218 : memref<1x50x50xi32, #tpu.memory_space<hbm>> -> memref<50x50xi32, #tpu.memory_space<hbm>>
      tpu.wait_dma2 semaphore(%run_scoped3A_184 : memref<!tpu.dma_semaphore, #tpu.memory_space<semaphore_mem>>) src(%dma_wait3A_219 : memref<50x50xi32, #tpu.memory_space<hbm>>) dst(%arg7 : memref<50x50xi32, #tpu.memory_space<vmem>>)
      tpu.yield
    }) : () -> ()
    %run_scoped3A_132 = arith.constant 3 : i32
    "tpu.region"() ({
      %run_scoped3A_184 = tpu.sem_alloc : memref<!tpu.dma_semaphore, #tpu.memory_space<semaphore_mem>>
      %dma_start3A_185 = arith.constant 0 : i32
      %dma_start3A_186 = arith.constant 0 : i32
      %dma_start3A_187 = arith.constant 0 : i32
      %dma_start3A_188 = tpu.memref_slice %arg4[%add3A, %dma_start3A_185, %dma_start3A_186, %dma_start3A_187] : memref<32x4x50x50xi32, #tpu.memory_space<hbm>> -> memref<1x4x50x50xi32, #tpu.memory_space<hbm>>
      %dma_start3A_189 = tpu.memref_squeeze %dma_start3A_188 : memref<1x4x50x50xi32, #tpu.memory_space<hbm>> -> memref<4x50x50xi32, #tpu.memory_space<hbm>>
      %dma_start3A_190 = arith.constant 0 : i32
      %dma_start3A_191 = arith.constant 0 : i32
      %dma_start3A_192 = tpu.memref_slice %dma_start3A_189[%run_scoped3A_132, %dma_start3A_190, %dma_start3A_191] : memref<4x50x50xi32, #tpu.memory_space<hbm>> -> memref<1x50x50xi32, #tpu.memory_space<hbm>>
      %dma_start3A_193 = tpu.memref_squeeze %dma_start3A_192 : memref<1x50x50xi32, #tpu.memory_space<hbm>> -> memref<50x50xi32, #tpu.memory_space<hbm>>
      %dma_start3A_194 = arith.constant 0 : i32
      %dma_start3A_195 = arith.constant 0 : i32
      %dma_start3A_196 = arith.constant 0 : i32
      %dma_start3A_197 = tpu.memref_slice %arg4[%add3A, %dma_start3A_194, %dma_start3A_195, %dma_start3A_196] : memref<32x4x50x50xi32, #tpu.memory_space<hbm>> -> memref<1x4x50x50xi32, #tpu.memory_space<hbm>>
      %dma_start3A_198 = tpu.memref_squeeze %dma_start3A_197 : memref<1x4x50x50xi32, #tpu.memory_space<hbm>> -> memref<4x50x50xi32, #tpu.memory_space<hbm>>
      %dma_start3A_199 = arith.constant 0 : i32
      %dma_start3A_200 = arith.constant 0 : i32
      %dma_start3A_201 = tpu.memref_slice %dma_start3A_198[%run_scoped3A_132, %dma_start3A_199, %dma_start3A_200] : memref<4x50x50xi32, #tpu.memory_space<hbm>> -> memref<1x50x50xi32, #tpu.memory_space<hbm>>
      %dma_start3A_202 = tpu.memref_squeeze %dma_start3A_201 : memref<1x50x50xi32, #tpu.memory_space<hbm>> -> memref<50x50xi32, #tpu.memory_space<hbm>>
      tpu.enqueue_dma source(%dma_start3A_202 : memref<50x50xi32, #tpu.memory_space<hbm>>) target(%arg8 : memref<50x50xi32, #tpu.memory_space<vmem>>) target_semaphore(%run_scoped3A_184 : memref<!tpu.dma_semaphore, #tpu.memory_space<semaphore_mem>>)
      %dma_wait3A = arith.constant 0 : i32
      %dma_wait3A_203 = arith.constant 0 : i32
      %dma_wait3A_204 = arith.constant 0 : i32
      %dma_wait3A_205 = tpu.memref_slice %arg4[%add3A, %dma_wait3A, %dma_wait3A_203, %dma_wait3A_204] : memref<32x4x50x50xi32, #tpu.memory_space<hbm>> -> memref<1x4x50x50xi32, #tpu.memory_space<hbm>>
      %dma_wait3A_206 = tpu.memref_squeeze %dma_wait3A_205 : memref<1x4x50x50xi32, #tpu.memory_space<hbm>> -> memref<4x50x50xi32, #tpu.memory_space<hbm>>
      %dma_wait3A_207 = arith.constant 0 : i32
      %dma_wait3A_208 = arith.constant 0 : i32
      %dma_wait3A_209 = tpu.memref_slice %dma_wait3A_206[%run_scoped3A_132, %dma_wait3A_207, %dma_wait3A_208] : memref<4x50x50xi32, #tpu.memory_space<hbm>> -> memref<1x50x50xi32, #tpu.memory_space<hbm>>
      %dma_wait3A_210 = tpu.memref_squeeze %dma_wait3A_209 : memref<1x50x50xi32, #tpu.memory_space<hbm>> -> memref<50x50xi32, #tpu.memory_space<hbm>>
      %dma_wait3A_211 = arith.constant 0 : i32
      %dma_wait3A_212 = arith.constant 0 : i32
      %dma_wait3A_213 = arith.constant 0 : i32
      %dma_wait3A_214 = tpu.memref_slice %arg4[%add3A, %dma_wait3A_211, %dma_wait3A_212, %dma_wait3A_213] : memref<32x4x50x50xi32, #tpu.memory_space<hbm>> -> memref<1x4x50x50xi32, #tpu.memory_space<hbm>>
      %dma_wait3A_215 = tpu.memref_squeeze %dma_wait3A_214 : memref<1x4x50x50xi32, #tpu.memory_space<hbm>> -> memref<4x50x50xi32, #tpu.memory_space<hbm>>
      %dma_wait3A_216 = arith.constant 0 : i32
      %dma_wait3A_217 = arith.constant 0 : i32
      %dma_wait3A_218 = tpu.memref_slice %dma_wait3A_215[%run_scoped3A_132, %dma_wait3A_216, %dma_wait3A_217] : memref<4x50x50xi32, #tpu.memory_space<hbm>> -> memref<1x50x50xi32, #tpu.memory_space<hbm>>
      %dma_wait3A_219 = tpu.memref_squeeze %dma_wait3A_218 : memref<1x50x50xi32, #tpu.memory_space<hbm>> -> memref<50x50xi32, #tpu.memory_space<hbm>>
      tpu.wait_dma2 semaphore(%run_scoped3A_184 : memref<!tpu.dma_semaphore, #tpu.memory_space<semaphore_mem>>) src(%dma_wait3A_219 : memref<50x50xi32, #tpu.memory_space<hbm>>) dst(%arg8 : memref<50x50xi32, #tpu.memory_space<vmem>>)
      tpu.yield
    }) : () -> ()
    %dma_start3A_133 = arith.constant 0 : i32
    %dma_start3A_134 = arith.constant 0 : i32
    %dma_start3A_135 = tpu.memref_slice %arg7[%dma_start3A_133, %dma_start3A_134] : memref<50x50xi32, #tpu.memory_space<vmem>> -> memref<1x50xi32, #tpu.memory_space<vmem>>
    %dma_start3A_136 = tpu.memref_squeeze %dma_start3A_135 : memref<1x50xi32, #tpu.memory_space<vmem>> -> memref<50xi32, #tpu.memory_space<vmem>>
    %dma_start3A_137 = arith.constant 0 : i32
    %dma_start3A_138 = arith.constant 0 : i32
    %dma_start3A_139 = tpu.memref_slice %arg2[%dma_start3A_137, %dma_start3A_138] : memref<10000x128xf32, #tpu.memory_space<hbm>> -> memref<10000x128xf32, #tpu.memory_space<hbm>>
    tpu.enqueue_indirect_dma source(%dma_start3A_139 : memref<10000x128xf32, #tpu.memory_space<hbm>>) target(%arg9 : memref<50x128xf32, #tpu.memory_space<vmem>>) offsets(%dma_start3A_136 : memref<50xi32, #tpu.memory_space<vmem>>) semaphore(%arg15 : memref<!tpu.dma_semaphore, #tpu.memory_space<semaphore_mem>>)
    %dma_start3A_140 = arith.constant 1 : i32
    %dma_start3A_141 = arith.constant 0 : i32
    %dma_start3A_142 = tpu.memref_slice %arg7[%dma_start3A_140, %dma_start3A_141] : memref<50x50xi32, #tpu.memory_space<vmem>> -> memref<1x50xi32, #tpu.memory_space<vmem>>
    %dma_start3A_143 = tpu.memref_squeeze %dma_start3A_142 : memref<1x50xi32, #tpu.memory_space<vmem>> -> memref<50xi32, #tpu.memory_space<vmem>>
    %dma_start3A_144 = arith.constant 0 : i32
    %dma_start3A_145 = arith.constant 0 : i32
    %dma_start3A_146 = tpu.memref_slice %arg2[%dma_start3A_144, %dma_start3A_145] : memref<10000x128xf32, #tpu.memory_space<hbm>> -> memref<10000x128xf32, #tpu.memory_space<hbm>>
    tpu.enqueue_indirect_dma source(%dma_start3A_146 : memref<10000x128xf32, #tpu.memory_space<hbm>>) target(%arg10 : memref<50x128xf32, #tpu.memory_space<vmem>>) offsets(%dma_start3A_143 : memref<50xi32, #tpu.memory_space<vmem>>) semaphore(%arg16 : memref<!tpu.dma_semaphore, #tpu.memory_space<semaphore_mem>>)
    %dma_start3A_147 = arith.constant 2 : i32
    %dma_start3A_148 = arith.constant 0 : i32
    %dma_start3A_149 = tpu.memref_slice %arg7[%dma_start3A_147, %dma_start3A_148] : memref<50x50xi32, #tpu.memory_space<vmem>> -> memref<1x50xi32, #tpu.memory_space<vmem>>
    %dma_start3A_150 = tpu.memref_squeeze %dma_start3A_149 : memref<1x50xi32, #tpu.memory_space<vmem>> -> memref<50xi32, #tpu.memory_space<vmem>>
    %dma_start3A_151 = arith.constant 0 : i32
    %dma_start3A_152 = arith.constant 0 : i32
    %dma_start3A_153 = tpu.memref_slice %arg2[%dma_start3A_151, %dma_start3A_152] : memref<10000x128xf32, #tpu.memory_space<hbm>> -> memref<10000x128xf32, #tpu.memory_space<hbm>>
    tpu.enqueue_indirect_dma source(%dma_start3A_153 : memref<10000x128xf32, #tpu.memory_space<hbm>>) target(%arg11 : memref<50x128xf32, #tpu.memory_space<vmem>>) offsets(%dma_start3A_150 : memref<50xi32, #tpu.memory_space<vmem>>) semaphore(%arg17 : memref<!tpu.dma_semaphore, #tpu.memory_space<semaphore_mem>>)
    %dma_start3A_154 = arith.constant 3 : i32
    %dma_start3A_155 = arith.constant 0 : i32
    %dma_start3A_156 = tpu.memref_slice %arg7[%dma_start3A_154, %dma_start3A_155] : memref<50x50xi32, #tpu.memory_space<vmem>> -> memref<1x50xi32, #tpu.memory_space<vmem>>
    %dma_start3A_157 = tpu.memref_squeeze %dma_start3A_156 : memref<1x50xi32, #tpu.memory_space<vmem>> -> memref<50xi32, #tpu.memory_space<vmem>>
    %dma_start3A_158 = arith.constant 0 : i32
    %dma_start3A_159 = arith.constant 0 : i32
    %dma_start3A_160 = tpu.memref_slice %arg2[%dma_start3A_158, %dma_start3A_159] : memref<10000x128xf32, #tpu.memory_space<hbm>> -> memref<10000x128xf32, #tpu.memory_space<hbm>>
    tpu.enqueue_indirect_dma source(%dma_start3A_160 : memref<10000x128xf32, #tpu.memory_space<hbm>>) target(%arg12 : memref<50x128xf32, #tpu.memory_space<vmem>>) offsets(%dma_start3A_157 : memref<50xi32, #tpu.memory_space<vmem>>) semaphore(%arg18 : memref<!tpu.dma_semaphore, #tpu.memory_space<semaphore_mem>>)
    %dma_start3A_161 = arith.constant 4 : i32
    %dma_start3A_162 = arith.constant 0 : i32
    %dma_start3A_163 = tpu.memref_slice %arg7[%dma_start3A_161, %dma_start3A_162] : memref<50x50xi32, #tpu.memory_space<vmem>> -> memref<1x50xi32, #tpu.memory_space<vmem>>
    %dma_start3A_164 = tpu.memref_squeeze %dma_start3A_163 : memref<1x50xi32, #tpu.memory_space<vmem>> -> memref<50xi32, #tpu.memory_space<vmem>>
    %dma_start3A_165 = arith.constant 0 : i32
    %dma_start3A_166 = arith.constant 0 : i32
    %dma_start3A_167 = tpu.memref_slice %arg2[%dma_start3A_165, %dma_start3A_166] : memref<10000x128xf32, #tpu.memory_space<hbm>> -> memref<10000x128xf32, #tpu.memory_space<hbm>>
    tpu.enqueue_indirect_dma source(%dma_start3A_167 : memref<10000x128xf32, #tpu.memory_space<hbm>>) target(%arg13 : memref<50x128xf32, #tpu.memory_space<vmem>>) offsets(%dma_start3A_164 : memref<50xi32, #tpu.memory_space<vmem>>) semaphore(%arg19 : memref<!tpu.dma_semaphore, #tpu.memory_space<semaphore_mem>>)
    %scan3A_168 = arith.constant 0 : i32
    %scan3A_169 = arith.constant 0 : i32
    %scan3A_170 = arith.constant 10 : i32
    %scan3A_171 = arith.addi %scan3A_169, %scan3A_170 : i32
    %scan3A_172 = arith.constant 1 : i32
    scf.for %scan3A_184 = %scan3A_169 to %scan3A_171 step %scan3A_172  : i32 {
      %mul3A_185 = arith.constant 5 : i32
      %mul3A_186 = arith.muli %mul3A_185, %scan3A_184 : i32
      %add3A_187 = arith.constant 0 : i32
      %add3A_188 = arith.addi %mul3A_186, %add3A_187 : i32
      %dma_wait3A = arith.constant 0 : i32
      %dma_wait3A_189 = tpu.memref_slice %arg7[%add3A_188, %dma_wait3A] : memref<50x50xi32, #tpu.memory_space<vmem>> -> memref<1x50xi32, #tpu.memory_space<vmem>>
      %dma_wait3A_190 = tpu.memref_squeeze %dma_wait3A_189 : memref<1x50xi32, #tpu.memory_space<vmem>> -> memref<50xi32, #tpu.memory_space<vmem>>
      %dma_wait3A_191 = arith.constant 0 : i32
      %dma_wait3A_192 = arith.constant 0 : i32
      %dma_wait3A_193 = tpu.memref_slice %arg2[%dma_wait3A_191, %dma_wait3A_192] : memref<10000x128xf32, #tpu.memory_space<hbm>> -> memref<10000x128xf32, #tpu.memory_space<hbm>>
      tpu.wait_indirect_dma semaphore(%arg15 : memref<!tpu.dma_semaphore, #tpu.memory_space<semaphore_mem>>) src(%dma_wait3A_193 : memref<10000x128xf32, #tpu.memory_space<hbm>>) dst(%arg9 : memref<50x128xf32, #tpu.memory_space<vmem>>)
      "tpu.region"() ({
        %run_scoped3A_260 = tpu.sem_alloc : memref<!tpu.dma_semaphore, #tpu.memory_space<semaphore_mem>>
        %dma_start3A_261 = arith.constant 0 : i32
        %dma_start3A_262 = tpu.memref_slice %arg8[%add3A_188, %dma_start3A_261] : memref<50x50xi32, #tpu.memory_space<vmem>> -> memref<1x50xi32, #tpu.memory_space<vmem>>
        %dma_start3A_263 = tpu.memref_squeeze %dma_start3A_262 : memref<1x50xi32, #tpu.memory_space<vmem>> -> memref<50xi32, #tpu.memory_space<vmem>>
        %dma_start3A_264 = arith.constant 0 : i32
        %dma_start3A_265 = arith.constant 0 : i32
        %dma_start3A_266 = tpu.memref_slice %arg14[%dma_start3A_264, %dma_start3A_265] : memref<10000x128xf32, #tpu.memory_space<vmem_shared>> -> memref<10000x128xf32, #tpu.memory_space<vmem_shared>>
        tpu.enqueue_indirect_dma source(%arg9 : memref<50x128xf32, #tpu.memory_space<vmem>>) target(%dma_start3A_266 : memref<10000x128xf32, #tpu.memory_space<vmem_shared>>) offsets(%dma_start3A_263 : memref<50xi32, #tpu.memory_space<vmem>>) semaphore(%run_scoped3A_260 : memref<!tpu.dma_semaphore, #tpu.memory_space<semaphore_mem>>) {add = true}
        %dma_wait3A_267 = arith.constant 0 : i32
        %dma_wait3A_268 = tpu.memref_slice %arg8[%add3A_188, %dma_wait3A_267] : memref<50x50xi32, #tpu.memory_space<vmem>> -> memref<1x50xi32, #tpu.memory_space<vmem>>
        %dma_wait3A_269 = tpu.memref_squeeze %dma_wait3A_268 : memref<1x50xi32, #tpu.memory_space<vmem>> -> memref<50xi32, #tpu.memory_space<vmem>>
        %dma_wait3A_270 = arith.constant 0 : i32
        %dma_wait3A_271 = arith.constant 0 : i32
        %dma_wait3A_272 = tpu.memref_slice %arg14[%dma_wait3A_270, %dma_wait3A_271] : memref<10000x128xf32, #tpu.memory_space<vmem_shared>> -> memref<10000x128xf32, #tpu.memory_space<vmem_shared>>
        tpu.wait_indirect_dma semaphore(%run_scoped3A_260 : memref<!tpu.dma_semaphore, #tpu.memory_space<semaphore_mem>>) src(%arg9 : memref<50x128xf32, #tpu.memory_space<vmem>>) dst(%dma_wait3A_272 : memref<10000x128xf32, #tpu.memory_space<vmem_shared>>)
        tpu.yield
      }) : () -> ()
      %add3A_194 = arith.constant 5 : i32
      %add3A_195 = arith.addi %add3A_188, %add3A_194 : i32
      %lt3A = arith.constant 50 : i32
      %lt3A_196 = arith.cmpi slt, %add3A_195, %lt3A : i32
      %convert_element_type3A_197 = arith.extui %lt3A_196 : i1 to i32
      %cond3A_198 = arith.constant 0 : i32
      %cond3A_199 = arith.cmpi ne, %convert_element_type3A_197, %cond3A_198 : i32
      scf.if %cond3A_199 {
        %add3A_260 = arith.constant 5 : i32
        %add3A_261 = arith.addi %add3A_188, %add3A_260 : i32
        %dma_start3A_262 = arith.constant 0 : i32
        %dma_start3A_263 = tpu.memref_slice %arg7[%add3A_261, %dma_start3A_262] : memref<50x50xi32, #tpu.memory_space<vmem>> -> memref<1x50xi32, #tpu.memory_space<vmem>>
        %dma_start3A_264 = tpu.memref_squeeze %dma_start3A_263 : memref<1x50xi32, #tpu.memory_space<vmem>> -> memref<50xi32, #tpu.memory_space<vmem>>
        %dma_start3A_265 = arith.constant 0 : i32
        %dma_start3A_266 = arith.constant 0 : i32
        %dma_start3A_267 = tpu.memref_slice %arg2[%dma_start3A_265, %dma_start3A_266] : memref<10000x128xf32, #tpu.memory_space<hbm>> -> memref<10000x128xf32, #tpu.memory_space<hbm>>
        tpu.enqueue_indirect_dma source(%dma_start3A_267 : memref<10000x128xf32, #tpu.memory_space<hbm>>) target(%arg9 : memref<50x128xf32, #tpu.memory_space<vmem>>) offsets(%dma_start3A_264 : memref<50xi32, #tpu.memory_space<vmem>>) semaphore(%arg15 : memref<!tpu.dma_semaphore, #tpu.memory_space<semaphore_mem>>)
      } else {
      }
      %add3A_200 = arith.constant 1 : i32
      %add3A_201 = arith.addi %mul3A_186, %add3A_200 : i32
      %dma_wait3A_202 = arith.constant 0 : i32
      %dma_wait3A_203 = tpu.memref_slice %arg7[%add3A_201, %dma_wait3A_202] : memref<50x50xi32, #tpu.memory_space<vmem>> -> memref<1x50xi32, #tpu.memory_space<vmem>>
      %dma_wait3A_204 = tpu.memref_squeeze %dma_wait3A_203 : memref<1x50xi32, #tpu.memory_space<vmem>> -> memref<50xi32, #tpu.memory_space<vmem>>
      %dma_wait3A_205 = arith.constant 0 : i32
      %dma_wait3A_206 = arith.constant 0 : i32
      %dma_wait3A_207 = tpu.memref_slice %arg2[%dma_wait3A_205, %dma_wait3A_206] : memref<10000x128xf32, #tpu.memory_space<hbm>> -> memref<10000x128xf32, #tpu.memory_space<hbm>>
      tpu.wait_indirect_dma semaphore(%arg16 : memref<!tpu.dma_semaphore, #tpu.memory_space<semaphore_mem>>) src(%dma_wait3A_207 : memref<10000x128xf32, #tpu.memory_space<hbm>>) dst(%arg10 : memref<50x128xf32, #tpu.memory_space<vmem>>)
      "tpu.region"() ({
        %run_scoped3A_260 = tpu.sem_alloc : memref<!tpu.dma_semaphore, #tpu.memory_space<semaphore_mem>>
        %dma_start3A_261 = arith.constant 0 : i32
        %dma_start3A_262 = tpu.memref_slice %arg8[%add3A_201, %dma_start3A_261] : memref<50x50xi32, #tpu.memory_space<vmem>> -> memref<1x50xi32, #tpu.memory_space<vmem>>
        %dma_start3A_263 = tpu.memref_squeeze %dma_start3A_262 : memref<1x50xi32, #tpu.memory_space<vmem>> -> memref<50xi32, #tpu.memory_space<vmem>>
        %dma_start3A_264 = arith.constant 0 : i32
        %dma_start3A_265 = arith.constant 0 : i32
        %dma_start3A_266 = tpu.memref_slice %arg14[%dma_start3A_264, %dma_start3A_265] : memref<10000x128xf32, #tpu.memory_space<vmem_shared>> -> memref<10000x128xf32, #tpu.memory_space<vmem_shared>>
        tpu.enqueue_indirect_dma source(%arg10 : memref<50x128xf32, #tpu.memory_space<vmem>>) target(%dma_start3A_266 : memref<10000x128xf32, #tpu.memory_space<vmem_shared>>) offsets(%dma_start3A_263 : memref<50xi32, #tpu.memory_space<vmem>>) semaphore(%run_scoped3A_260 : memref<!tpu.dma_semaphore, #tpu.memory_space<semaphore_mem>>) {add = true}
        %dma_wait3A_267 = arith.constant 0 : i32
        %dma_wait3A_268 = tpu.memref_slice %arg8[%add3A_201, %dma_wait3A_267] : memref<50x50xi32, #tpu.memory_space<vmem>> -> memref<1x50xi32, #tpu.memory_space<vmem>>
        %dma_wait3A_269 = tpu.memref_squeeze %dma_wait3A_268 : memref<1x50xi32, #tpu.memory_space<vmem>> -> memref<50xi32, #tpu.memory_space<vmem>>
        %dma_wait3A_270 = arith.constant 0 : i32
        %dma_wait3A_271 = arith.constant 0 : i32
        %dma_wait3A_272 = tpu.memref_slice %arg14[%dma_wait3A_270, %dma_wait3A_271] : memref<10000x128xf32, #tpu.memory_space<vmem_shared>> -> memref<10000x128xf32, #tpu.memory_space<vmem_shared>>
        tpu.wait_indirect_dma semaphore(%run_scoped3A_260 : memref<!tpu.dma_semaphore, #tpu.memory_space<semaphore_mem>>) src(%arg10 : memref<50x128xf32, #tpu.memory_space<vmem>>) dst(%dma_wait3A_272 : memref<10000x128xf32, #tpu.memory_space<vmem_shared>>)
        tpu.yield
      }) : () -> ()
      %add3A_208 = arith.constant 5 : i32
      %add3A_209 = arith.addi %add3A_201, %add3A_208 : i32
      %lt3A_210 = arith.constant 50 : i32
      %lt3A_211 = arith.cmpi slt, %add3A_209, %lt3A_210 : i32
      %convert_element_type3A_212 = arith.extui %lt3A_211 : i1 to i32
      %cond3A_213 = arith.constant 0 : i32
      %cond3A_214 = arith.cmpi ne, %convert_element_type3A_212, %cond3A_213 : i32
      scf.if %cond3A_214 {
        %add3A_260 = arith.constant 5 : i32
        %add3A_261 = arith.addi %add3A_201, %add3A_260 : i32
        %dma_start3A_262 = arith.constant 0 : i32
        %dma_start3A_263 = tpu.memref_slice %arg7[%add3A_261, %dma_start3A_262] : memref<50x50xi32, #tpu.memory_space<vmem>> -> memref<1x50xi32, #tpu.memory_space<vmem>>
        %dma_start3A_264 = tpu.memref_squeeze %dma_start3A_263 : memref<1x50xi32, #tpu.memory_space<vmem>> -> memref<50xi32, #tpu.memory_space<vmem>>
        %dma_start3A_265 = arith.constant 0 : i32
        %dma_start3A_266 = arith.constant 0 : i32
        %dma_start3A_267 = tpu.memref_slice %arg2[%dma_start3A_265, %dma_start3A_266] : memref<10000x128xf32, #tpu.memory_space<hbm>> -> memref<10000x128xf32, #tpu.memory_space<hbm>>
        tpu.enqueue_indirect_dma source(%dma_start3A_267 : memref<10000x128xf32, #tpu.memory_space<hbm>>) target(%arg10 : memref<50x128xf32, #tpu.memory_space<vmem>>) offsets(%dma_start3A_264 : memref<50xi32, #tpu.memory_space<vmem>>) semaphore(%arg16 : memref<!tpu.dma_semaphore, #tpu.memory_space<semaphore_mem>>)
      } else {
      }
      %add3A_215 = arith.constant 2 : i32
      %add3A_216 = arith.addi %mul3A_186, %add3A_215 : i32
      %dma_wait3A_217 = arith.constant 0 : i32
      %dma_wait3A_218 = tpu.memref_slice %arg7[%add3A_216, %dma_wait3A_217] : memref<50x50xi32, #tpu.memory_space<vmem>> -> memref<1x50xi32, #tpu.memory_space<vmem>>
      %dma_wait3A_219 = tpu.memref_squeeze %dma_wait3A_218 : memref<1x50xi32, #tpu.memory_space<vmem>> -> memref<50xi32, #tpu.memory_space<vmem>>
      %dma_wait3A_220 = arith.constant 0 : i32
      %dma_wait3A_221 = arith.constant 0 : i32
      %dma_wait3A_222 = tpu.memref_slice %arg2[%dma_wait3A_220, %dma_wait3A_221] : memref<10000x128xf32, #tpu.memory_space<hbm>> -> memref<10000x128xf32, #tpu.memory_space<hbm>>
      tpu.wait_indirect_dma semaphore(%arg17 : memref<!tpu.dma_semaphore, #tpu.memory_space<semaphore_mem>>) src(%dma_wait3A_222 : memref<10000x128xf32, #tpu.memory_space<hbm>>) dst(%arg11 : memref<50x128xf32, #tpu.memory_space<vmem>>)
      "tpu.region"() ({
        %run_scoped3A_260 = tpu.sem_alloc : memref<!tpu.dma_semaphore, #tpu.memory_space<semaphore_mem>>
        %dma_start3A_261 = arith.constant 0 : i32
        %dma_start3A_262 = tpu.memref_slice %arg8[%add3A_216, %dma_start3A_261] : memref<50x50xi32, #tpu.memory_space<vmem>> -> memref<1x50xi32, #tpu.memory_space<vmem>>
        %dma_start3A_263 = tpu.memref_squeeze %dma_start3A_262 : memref<1x50xi32, #tpu.memory_space<vmem>> -> memref<50xi32, #tpu.memory_space<vmem>>
        %dma_start3A_264 = arith.constant 0 : i32
        %dma_start3A_265 = arith.constant 0 : i32
        %dma_start3A_266 = tpu.memref_slice %arg14[%dma_start3A_264, %dma_start3A_265] : memref<10000x128xf32, #tpu.memory_space<vmem_shared>> -> memref<10000x128xf32, #tpu.memory_space<vmem_shared>>
        tpu.enqueue_indirect_dma source(%arg11 : memref<50x128xf32, #tpu.memory_space<vmem>>) target(%dma_start3A_266 : memref<10000x128xf32, #tpu.memory_space<vmem_shared>>) offsets(%dma_start3A_263 : memref<50xi32, #tpu.memory_space<vmem>>) semaphore(%run_scoped3A_260 : memref<!tpu.dma_semaphore, #tpu.memory_space<semaphore_mem>>) {add = true}
        %dma_wait3A_267 = arith.constant 0 : i32
        %dma_wait3A_268 = tpu.memref_slice %arg8[%add3A_216, %dma_wait3A_267] : memref<50x50xi32, #tpu.memory_space<vmem>> -> memref<1x50xi32, #tpu.memory_space<vmem>>
        %dma_wait3A_269 = tpu.memref_squeeze %dma_wait3A_268 : memref<1x50xi32, #tpu.memory_space<vmem>> -> memref<50xi32, #tpu.memory_space<vmem>>
        %dma_wait3A_270 = arith.constant 0 : i32
        %dma_wait3A_271 = arith.constant 0 : i32
        %dma_wait3A_272 = tpu.memref_slice %arg14[%dma_wait3A_270, %dma_wait3A_271] : memref<10000x128xf32, #tpu.memory_space<vmem_shared>> -> memref<10000x128xf32, #tpu.memory_space<vmem_shared>>
        tpu.wait_indirect_dma semaphore(%run_scoped3A_260 : memref<!tpu.dma_semaphore, #tpu.memory_space<semaphore_mem>>) src(%arg11 : memref<50x128xf32, #tpu.memory_space<vmem>>) dst(%dma_wait3A_272 : memref<10000x128xf32, #tpu.memory_space<vmem_shared>>)
        tpu.yield
      }) : () -> ()
      %add3A_223 = arith.constant 5 : i32
      %add3A_224 = arith.addi %add3A_216, %add3A_223 : i32
      %lt3A_225 = arith.constant 50 : i32
      %lt3A_226 = arith.cmpi slt, %add3A_224, %lt3A_225 : i32
      %convert_element_type3A_227 = arith.extui %lt3A_226 : i1 to i32
      %cond3A_228 = arith.constant 0 : i32
      %cond3A_229 = arith.cmpi ne, %convert_element_type3A_227, %cond3A_228 : i32
      scf.if %cond3A_229 {
        %add3A_260 = arith.constant 5 : i32
        %add3A_261 = arith.addi %add3A_216, %add3A_260 : i32
        %dma_start3A_262 = arith.constant 0 : i32
        %dma_start3A_263 = tpu.memref_slice %arg7[%add3A_261, %dma_start3A_262] : memref<50x50xi32, #tpu.memory_space<vmem>> -> memref<1x50xi32, #tpu.memory_space<vmem>>
        %dma_start3A_264 = tpu.memref_squeeze %dma_start3A_263 : memref<1x50xi32, #tpu.memory_space<vmem>> -> memref<50xi32, #tpu.memory_space<vmem>>
        %dma_start3A_265 = arith.constant 0 : i32
        %dma_start3A_266 = arith.constant 0 : i32
        %dma_start3A_267 = tpu.memref_slice %arg2[%dma_start3A_265, %dma_start3A_266] : memref<10000x128xf32, #tpu.memory_space<hbm>> -> memref<10000x128xf32, #tpu.memory_space<hbm>>
        tpu.enqueue_indirect_dma source(%dma_start3A_267 : memref<10000x128xf32, #tpu.memory_space<hbm>>) target(%arg11 : memref<50x128xf32, #tpu.memory_space<vmem>>) offsets(%dma_start3A_264 : memref<50xi32, #tpu.memory_space<vmem>>) semaphore(%arg17 : memref<!tpu.dma_semaphore, #tpu.memory_space<semaphore_mem>>)
      } else {
      }
      %add3A_230 = arith.constant 3 : i32
      %add3A_231 = arith.addi %mul3A_186, %add3A_230 : i32
      %dma_wait3A_232 = arith.constant 0 : i32
      %dma_wait3A_233 = tpu.memref_slice %arg7[%add3A_231, %dma_wait3A_232] : memref<50x50xi32, #tpu.memory_space<vmem>> -> memref<1x50xi32, #tpu.memory_space<vmem>>
      %dma_wait3A_234 = tpu.memref_squeeze %dma_wait3A_233 : memref<1x50xi32, #tpu.memory_space<vmem>> -> memref<50xi32, #tpu.memory_space<vmem>>
      %dma_wait3A_235 = arith.constant 0 : i32
      %dma_wait3A_236 = arith.constant 0 : i32
      %dma_wait3A_237 = tpu.memref_slice %arg2[%dma_wait3A_235, %dma_wait3A_236] : memref<10000x128xf32, #tpu.memory_space<hbm>> -> memref<10000x128xf32, #tpu.memory_space<hbm>>
      tpu.wait_indirect_dma semaphore(%arg18 : memref<!tpu.dma_semaphore, #tpu.memory_space<semaphore_mem>>) src(%dma_wait3A_237 : memref<10000x128xf32, #tpu.memory_space<hbm>>) dst(%arg12 : memref<50x128xf32, #tpu.memory_space<vmem>>)
      "tpu.region"() ({
        %run_scoped3A_260 = tpu.sem_alloc : memref<!tpu.dma_semaphore, #tpu.memory_space<semaphore_mem>>
        %dma_start3A_261 = arith.constant 0 : i32
        %dma_start3A_262 = tpu.memref_slice %arg8[%add3A_231, %dma_start3A_261] : memref<50x50xi32, #tpu.memory_space<vmem>> -> memref<1x50xi32, #tpu.memory_space<vmem>>
        %dma_start3A_263 = tpu.memref_squeeze %dma_start3A_262 : memref<1x50xi32, #tpu.memory_space<vmem>> -> memref<50xi32, #tpu.memory_space<vmem>>
        %dma_start3A_264 = arith.constant 0 : i32
        %dma_start3A_265 = arith.constant 0 : i32
        %dma_start3A_266 = tpu.memref_slice %arg14[%dma_start3A_264, %dma_start3A_265] : memref<10000x128xf32, #tpu.memory_space<vmem_shared>> -> memref<10000x128xf32, #tpu.memory_space<vmem_shared>>
        tpu.enqueue_indirect_dma source(%arg12 : memref<50x128xf32, #tpu.memory_space<vmem>>) target(%dma_start3A_266 : memref<10000x128xf32, #tpu.memory_space<vmem_shared>>) offsets(%dma_start3A_263 : memref<50xi32, #tpu.memory_space<vmem>>) semaphore(%run_scoped3A_260 : memref<!tpu.dma_semaphore, #tpu.memory_space<semaphore_mem>>) {add = true}
        %dma_wait3A_267 = arith.constant 0 : i32
        %dma_wait3A_268 = tpu.memref_slice %arg8[%add3A_231, %dma_wait3A_267] : memref<50x50xi32, #tpu.memory_space<vmem>> -> memref<1x50xi32, #tpu.memory_space<vmem>>
        %dma_wait3A_269 = tpu.memref_squeeze %dma_wait3A_268 : memref<1x50xi32, #tpu.memory_space<vmem>> -> memref<50xi32, #tpu.memory_space<vmem>>
        %dma_wait3A_270 = arith.constant 0 : i32
        %dma_wait3A_271 = arith.constant 0 : i32
        %dma_wait3A_272 = tpu.memref_slice %arg14[%dma_wait3A_270, %dma_wait3A_271] : memref<10000x128xf32, #tpu.memory_space<vmem_shared>> -> memref<10000x128xf32, #tpu.memory_space<vmem_shared>>
        tpu.wait_indirect_dma semaphore(%run_scoped3A_260 : memref<!tpu.dma_semaphore, #tpu.memory_space<semaphore_mem>>) src(%arg12 : memref<50x128xf32, #tpu.memory_space<vmem>>) dst(%dma_wait3A_272 : memref<10000x128xf32, #tpu.memory_space<vmem_shared>>)
        tpu.yield
      }) : () -> ()
      %add3A_238 = arith.constant 5 : i32
      %add3A_239 = arith.addi %add3A_231, %add3A_238 : i32
      %lt3A_240 = arith.constant 50 : i32
      %lt3A_241 = arith.cmpi slt, %add3A_239, %lt3A_240 : i32
      %convert_element_type3A_242 = arith.extui %lt3A_241 : i1 to i32
      %cond3A_243 = arith.constant 0 : i32
      %cond3A_244 = arith.cmpi ne, %convert_element_type3A_242, %cond3A_243 : i32
      scf.if %cond3A_244 {
        %add3A_260 = arith.constant 5 : i32
        %add3A_261 = arith.addi %add3A_231, %add3A_260 : i32
        %dma_start3A_262 = arith.constant 0 : i32
        %dma_start3A_263 = tpu.memref_slice %arg7[%add3A_261, %dma_start3A_262] : memref<50x50xi32, #tpu.memory_space<vmem>> -> memref<1x50xi32, #tpu.memory_space<vmem>>
        %dma_start3A_264 = tpu.memref_squeeze %dma_start3A_263 : memref<1x50xi32, #tpu.memory_space<vmem>> -> memref<50xi32, #tpu.memory_space<vmem>>
        %dma_start3A_265 = arith.constant 0 : i32
        %dma_start3A_266 = arith.constant 0 : i32
        %dma_start3A_267 = tpu.memref_slice %arg2[%dma_start3A_265, %dma_start3A_266] : memref<10000x128xf32, #tpu.memory_space<hbm>> -> memref<10000x128xf32, #tpu.memory_space<hbm>>
        tpu.enqueue_indirect_dma source(%dma_start3A_267 : memref<10000x128xf32, #tpu.memory_space<hbm>>) target(%arg12 : memref<50x128xf32, #tpu.memory_space<vmem>>) offsets(%dma_start3A_264 : memref<50xi32, #tpu.memory_space<vmem>>) semaphore(%arg18 : memref<!tpu.dma_semaphore, #tpu.memory_space<semaphore_mem>>)
      } else {
      }
      %add3A_245 = arith.constant 4 : i32
      %add3A_246 = arith.addi %mul3A_186, %add3A_245 : i32
      %dma_wait3A_247 = arith.constant 0 : i32
      %dma_wait3A_248 = tpu.memref_slice %arg7[%add3A_246, %dma_wait3A_247] : memref<50x50xi32, #tpu.memory_space<vmem>> -> memref<1x50xi32, #tpu.memory_space<vmem>>
      %dma_wait3A_249 = tpu.memref_squeeze %dma_wait3A_248 : memref<1x50xi32, #tpu.memory_space<vmem>> -> memref<50xi32, #tpu.memory_space<vmem>>
      %dma_wait3A_250 = arith.constant 0 : i32
      %dma_wait3A_251 = arith.constant 0 : i32
      %dma_wait3A_252 = tpu.memref_slice %arg2[%dma_wait3A_250, %dma_wait3A_251] : memref<10000x128xf32, #tpu.memory_space<hbm>> -> memref<10000x128xf32, #tpu.memory_space<hbm>>
      tpu.wait_indirect_dma semaphore(%arg19 : memref<!tpu.dma_semaphore, #tpu.memory_space<semaphore_mem>>) src(%dma_wait3A_252 : memref<10000x128xf32, #tpu.memory_space<hbm>>) dst(%arg13 : memref<50x128xf32, #tpu.memory_space<vmem>>)
      "tpu.region"() ({
        %run_scoped3A_260 = tpu.sem_alloc : memref<!tpu.dma_semaphore, #tpu.memory_space<semaphore_mem>>
        %dma_start3A_261 = arith.constant 0 : i32
        %dma_start3A_262 = tpu.memref_slice %arg8[%add3A_246, %dma_start3A_261] : memref<50x50xi32, #tpu.memory_space<vmem>> -> memref<1x50xi32, #tpu.memory_space<vmem>>
        %dma_start3A_263 = tpu.memref_squeeze %dma_start3A_262 : memref<1x50xi32, #tpu.memory_space<vmem>> -> memref<50xi32, #tpu.memory_space<vmem>>
        %dma_start3A_264 = arith.constant 0 : i32
        %dma_start3A_265 = arith.constant 0 : i32
        %dma_start3A_266 = tpu.memref_slice %arg14[%dma_start3A_264, %dma_start3A_265] : memref<10000x128xf32, #tpu.memory_space<vmem_shared>> -> memref<10000x128xf32, #tpu.memory_space<vmem_shared>>
        tpu.enqueue_indirect_dma source(%arg13 : memref<50x128xf32, #tpu.memory_space<vmem>>) target(%dma_start3A_266 : memref<10000x128xf32, #tpu.memory_space<vmem_shared>>) offsets(%dma_start3A_263 : memref<50xi32, #tpu.memory_space<vmem>>) semaphore(%run_scoped3A_260 : memref<!tpu.dma_semaphore, #tpu.memory_space<semaphore_mem>>) {add = true}
        %dma_wait3A_267 = arith.constant 0 : i32
        %dma_wait3A_268 = tpu.memref_slice %arg8[%add3A_246, %dma_wait3A_267] : memref<50x50xi32, #tpu.memory_space<vmem>> -> memref<1x50xi32, #tpu.memory_space<vmem>>
        %dma_wait3A_269 = tpu.memref_squeeze %dma_wait3A_268 : memref<1x50xi32, #tpu.memory_space<vmem>> -> memref<50xi32, #tpu.memory_space<vmem>>
        %dma_wait3A_270 = arith.constant 0 : i32
        %dma_wait3A_271 = arith.constant 0 : i32
        %dma_wait3A_272 = tpu.memref_slice %arg14[%dma_wait3A_270, %dma_wait3A_271] : memref<10000x128xf32, #tpu.memory_space<vmem_shared>> -> memref<10000x128xf32, #tpu.memory_space<vmem_shared>>
        tpu.wait_indirect_dma semaphore(%run_scoped3A_260 : memref<!tpu.dma_semaphore, #tpu.memory_space<semaphore_mem>>) src(%arg13 : memref<50x128xf32, #tpu.memory_space<vmem>>) dst(%dma_wait3A_272 : memref<10000x128xf32, #tpu.memory_space<vmem_shared>>)
        tpu.yield
      }) : () -> ()
      %add3A_253 = arith.constant 5 : i32
      %add3A_254 = arith.addi %add3A_246, %add3A_253 : i32
      %lt3A_255 = arith.constant 50 : i32
      %lt3A_256 = arith.cmpi slt, %add3A_254, %lt3A_255 : i32
      %convert_element_type3A_257 = arith.extui %lt3A_256 : i1 to i32
      %cond3A_258 = arith.constant 0 : i32
      %cond3A_259 = arith.cmpi ne, %convert_element_type3A_257, %cond3A_258 : i32
      scf.if %cond3A_259 {
        %add3A_260 = arith.constant 5 : i32
        %add3A_261 = arith.addi %add3A_246, %add3A_260 : i32
        %dma_start3A_262 = arith.constant 0 : i32
        %dma_start3A_263 = tpu.memref_slice %arg7[%add3A_261, %dma_start3A_262] : memref<50x50xi32, #tpu.memory_space<vmem>> -> memref<1x50xi32, #tpu.memory_space<vmem>>
        %dma_start3A_264 = tpu.memref_squeeze %dma_start3A_263 : memref<1x50xi32, #tpu.memory_space<vmem>> -> memref<50xi32, #tpu.memory_space<vmem>>
        %dma_start3A_265 = arith.constant 0 : i32
        %dma_start3A_266 = arith.constant 0 : i32
        %dma_start3A_267 = tpu.memref_slice %arg2[%dma_start3A_265, %dma_start3A_266] : memref<10000x128xf32, #tpu.memory_space<hbm>> -> memref<10000x128xf32, #tpu.memory_space<hbm>>
        tpu.enqueue_indirect_dma source(%dma_start3A_267 : memref<10000x128xf32, #tpu.memory_space<hbm>>) target(%arg13 : memref<50x128xf32, #tpu.memory_space<vmem>>) offsets(%dma_start3A_264 : memref<50xi32, #tpu.memory_space<vmem>>) semaphore(%arg19 : memref<!tpu.dma_semaphore, #tpu.memory_space<semaphore_mem>>)
      } else {
      }
    }
    %scan3A_173 = arith.constant 10 : i32
    %barrier3A_174 = arith.constant 0 : index
    tpu.barrier barrier_id(%barrier3A_174)
    %mul3A_175 = arith.constant 624 : i32
    %mul3A_176 = arith.muli %arg1, %mul3A_175 : i32
    %mul3A_177 = arith.constant 624 : i32
    %mul3A_178 = arith.muli %arg1, %mul3A_177 : i32
    "tpu.region"() ({
      %run_scoped3A_184 = tpu.sem_alloc : memref<!tpu.dma_semaphore, #tpu.memory_space<semaphore_mem>>
      %dma_start3A_185 = arith.constant 0 : i32
      %dma_start3A_186 = arith.constant 0 : i32
      %dma_start3A_187 = tpu.memref_slice %arg6[%arg0, %dma_start3A_185, %dma_start3A_186] : memref<2x10000x128xf32, #tpu.memory_space<hbm>> -> memref<1x10000x128xf32, #tpu.memory_space<hbm>>
      %dma_start3A_188 = tpu.memref_squeeze %dma_start3A_187 : memref<1x10000x128xf32, #tpu.memory_space<hbm>> -> memref<10000x128xf32, #tpu.memory_space<hbm>>
      %dma_start3A_189 = arith.constant 0 : i32
      %dma_start3A_190 = tpu.memref_slice %dma_start3A_188[%mul3A_178, %dma_start3A_189] : memref<10000x128xf32, #tpu.memory_space<hbm>> -> memref<624x128xf32, #tpu.memory_space<hbm>>
      %dma_start3A_191 = arith.constant 0 : i32
      %dma_start3A_192 = tpu.memref_slice %arg14[%mul3A_176, %dma_start3A_191] : memref<10000x128xf32, #tpu.memory_space<vmem_shared>> -> memref<624x128xf32, #tpu.memory_space<vmem_shared>>
      tpu.enqueue_dma source(%dma_start3A_192 : memref<624x128xf32, #tpu.memory_space<vmem_shared>>) target(%dma_start3A_190 : memref<624x128xf32, #tpu.memory_space<hbm>>) target_semaphore(%run_scoped3A_184 : memref<!tpu.dma_semaphore, #tpu.memory_space<semaphore_mem>>)
      %dma_wait3A = arith.constant 0 : i32
      %dma_wait3A_193 = arith.constant 0 : i32
      %dma_wait3A_194 = tpu.memref_slice %arg6[%arg0, %dma_wait3A, %dma_wait3A_193] : memref<2x10000x128xf32, #tpu.memory_space<hbm>> -> memref<1x10000x128xf32, #tpu.memory_space<hbm>>
      %dma_wait3A_195 = tpu.memref_squeeze %dma_wait3A_194 : memref<1x10000x128xf32, #tpu.memory_space<hbm>> -> memref<10000x128xf32, #tpu.memory_space<hbm>>
      %dma_wait3A_196 = arith.constant 0 : i32
      %dma_wait3A_197 = tpu.memref_slice %dma_wait3A_195[%mul3A_178, %dma_wait3A_196] : memref<10000x128xf32, #tpu.memory_space<hbm>> -> memref<624x128xf32, #tpu.memory_space<hbm>>
      %dma_wait3A_198 = arith.constant 0 : i32
      %dma_wait3A_199 = tpu.memref_slice %arg14[%mul3A_176, %dma_wait3A_198] : memref<10000x128xf32, #tpu.memory_space<vmem_shared>> -> memref<624x128xf32, #tpu.memory_space<vmem_shared>>
      tpu.wait_dma2 semaphore(%run_scoped3A_184 : memref<!tpu.dma_semaphore, #tpu.memory_space<semaphore_mem>>) src(%dma_wait3A_199 : memref<624x128xf32, #tpu.memory_space<vmem_shared>>) dst(%dma_wait3A_197 : memref<624x128xf32, #tpu.memory_space<hbm>>)
      tpu.yield
    }) : () -> ()
    %eq3A_179 = arith.constant 15 : i32
    %eq3A_180 = arith.cmpi eq, %arg1, %eq3A_179 : i32
    %convert_element_type3A_181 = arith.extui %eq3A_180 : i1 to i32
    %cond3A_182 = arith.constant 0 : i32
    %cond3A_183 = arith.cmpi ne, %convert_element_type3A_181, %cond3A_182 : i32
    scf.if %cond3A_183 {
      "tpu.region"() ({
        %run_scoped3A_184 = tpu.sem_alloc : memref<!tpu.dma_semaphore, #tpu.memory_space<semaphore_mem>>
        %dma_start3A_185 = arith.constant 0 : i32
        %dma_start3A_186 = arith.constant 0 : i32
        %dma_start3A_187 = tpu.memref_slice %arg6[%arg0, %dma_start3A_185, %dma_start3A_186] : memref<2x10000x128xf32, #tpu.memory_space<hbm>> -> memref<1x10000x128xf32, #tpu.memory_space<hbm>>
        %dma_start3A_188 = tpu.memref_squeeze %dma_start3A_187 : memref<1x10000x128xf32, #tpu.memory_space<hbm>> -> memref<10000x128xf32, #tpu.memory_space<hbm>>
        %dma_start3A_189 = arith.constant 9984 : i32
        %dma_start3A_190 = arith.constant 0 : i32
        %dma_start3A_191 = tpu.memref_slice %dma_start3A_188[%dma_start3A_189, %dma_start3A_190] : memref<10000x128xf32, #tpu.memory_space<hbm>> -> memref<16x128xf32, #tpu.memory_space<hbm>>
        %dma_start3A_192 = arith.constant 9984 : i32
        %dma_start3A_193 = arith.constant 0 : i32
        %dma_start3A_194 = tpu.memref_slice %arg14[%dma_start3A_192, %dma_start3A_193] : memref<10000x128xf32, #tpu.memory_space<vmem_shared>> -> memref<16x128xf32, #tpu.memory_space<vmem_shared>>
        tpu.enqueue_dma source(%dma_start3A_194 : memref<16x128xf32, #tpu.memory_space<vmem_shared>>) target(%dma_start3A_191 : memref<16x128xf32, #tpu.memory_space<hbm>>) target_semaphore(%run_scoped3A_184 : memref<!tpu.dma_semaphore, #tpu.memory_space<semaphore_mem>>)
        %dma_wait3A = arith.constant 0 : i32
        %dma_wait3A_195 = arith.constant 0 : i32
        %dma_wait3A_196 = tpu.memref_slice %arg6[%arg0, %dma_wait3A, %dma_wait3A_195] : memref<2x10000x128xf32, #tpu.memory_space<hbm>> -> memref<1x10000x128xf32, #tpu.memory_space<hbm>>
        %dma_wait3A_197 = tpu.memref_squeeze %dma_wait3A_196 : memref<1x10000x128xf32, #tpu.memory_space<hbm>> -> memref<10000x128xf32, #tpu.memory_space<hbm>>
        %dma_wait3A_198 = arith.constant 9984 : i32
        %dma_wait3A_199 = arith.constant 0 : i32
        %dma_wait3A_200 = tpu.memref_slice %dma_wait3A_197[%dma_wait3A_198, %dma_wait3A_199] : memref<10000x128xf32, #tpu.memory_space<hbm>> -> memref<16x128xf32, #tpu.memory_space<hbm>>
        %dma_wait3A_201 = arith.constant 9984 : i32
        %dma_wait3A_202 = arith.constant 0 : i32
        %dma_wait3A_203 = tpu.memref_slice %arg14[%dma_wait3A_201, %dma_wait3A_202] : memref<10000x128xf32, #tpu.memory_space<vmem_shared>> -> memref<16x128xf32, #tpu.memory_space<vmem_shared>>
        tpu.wait_dma2 semaphore(%run_scoped3A_184 : memref<!tpu.dma_semaphore, #tpu.memory_space<semaphore_mem>>) src(%dma_wait3A_203 : memref<16x128xf32, #tpu.memory_space<vmem_shared>>) dst(%dma_wait3A_200 : memref<16x128xf32, #tpu.memory_space<hbm>>)
        tpu.yield
      }) : () -> ()
    } else {
    }
    return
  }
}

module attributes {stable_mosaic.version = 14 : i64} {
  func.func @_mlp1_body(%arg0: i32, %arg1: memref<2000x128xf32, #tpu.memory_space<vmem>>, %arg2: memref<128x128xf32, #tpu.memory_space<vmem>>, %arg3: memref<1x128xf32, #tpu.memory_space<vmem>>, %arg4: memref<128x128xf32, #tpu.memory_space<vmem>>, %arg5: memref<1x128xf32, #tpu.memory_space<vmem>>, %arg6: memref<2000x128xf32, #tpu.memory_space<vmem>>) attributes {dimension_semantics = [#tpu.dimension_semantics<arbitrary>], iteration_bounds = array<i64: 5>, scalar_prefetch = 0 : i64, scratch_operands = 0 : i64, tpu.core_type = #tpu.core_type<tc>, window_params = [{transform_indices = @transform_0, window_bounds = array<i64: 2000, 128>}, {pipeline_mode = #tpu.pipeline_mode<synchronous>, transform_indices = @transform_1, window_bounds = array<i64: 128, 128>}, {pipeline_mode = #tpu.pipeline_mode<synchronous>, transform_indices = @transform_2, window_bounds = array<i64: 1, 128>}, {pipeline_mode = #tpu.pipeline_mode<synchronous>, transform_indices = @transform_3, window_bounds = array<i64: 128, 128>}, {pipeline_mode = #tpu.pipeline_mode<synchronous>, transform_indices = @transform_4, window_bounds = array<i64: 1, 128>}, {transform_indices = @transform_5, window_bounds = array<i64: 2000, 128>}]} {
    %get3A = arith.constant 0 : index
    %get3A_0 = arith.constant 0 : index
    %get3A_1 = vector.load %arg1[%get3A, %get3A_0] : memref<2000x128xf32, #tpu.memory_space<vmem>>, vector<2000x128xf32>
    %get3A_2 = arith.constant 0 : index
    %get3A_3 = arith.constant 0 : index
    %get3A_4 = vector.load %arg2[%get3A_2, %get3A_3] : memref<128x128xf32, #tpu.memory_space<vmem>>, vector<128x128xf32>
    %dot_general3A = arith.constant dense<0.000000e+00> : vector<2000x128xf32>
    %dot_general3A_5 = tpu.matmul %get3A_1, %get3A_4, %dot_general3A {dimension_numbers = #tpu.dot_dimension_numbers<[1], [0], [0], [1], [0, 0, 1, 1], [], []>, transpose_lhs_hint = false} : vector<2000x128xf32>, vector<128x128xf32>, vector<2000x128xf32> -> vector<2000x128xf32>
    %get3A_6 = arith.constant 0 : index
    %get3A_7 = arith.constant 0 : index
    %get3A_8 = vector.load %arg3[%get3A_6, %get3A_7] : memref<1x128xf32, #tpu.memory_space<vmem>>, vector<1x128xf32>
    %add3A = vector.broadcast %get3A_8 : vector<1x128xf32> to vector<2000x128xf32>
    %add3A_9 = arith.addf %dot_general3A_5, %add3A : vector<2000x128xf32>
    %max3A = arith.constant 0.000000e+00 : f32
    %max3A_10 = vector.broadcast %max3A : f32 to vector<2000x128xf32>
    %max3A_11 = arith.maximumf %add3A_9, %max3A_10 : vector<2000x128xf32>
    %get3A_12 = arith.constant 0 : index
    %get3A_13 = arith.constant 0 : index
    %get3A_14 = vector.load %arg4[%get3A_12, %get3A_13] : memref<128x128xf32, #tpu.memory_space<vmem>>, vector<128x128xf32>
    %dot_general3A_15 = arith.constant dense<0.000000e+00> : vector<2000x128xf32>
    %dot_general3A_16 = tpu.matmul %max3A_11, %get3A_14, %dot_general3A_15 {dimension_numbers = #tpu.dot_dimension_numbers<[1], [0], [0], [1], [0, 0, 1, 1], [], []>, transpose_lhs_hint = false} : vector<2000x128xf32>, vector<128x128xf32>, vector<2000x128xf32> -> vector<2000x128xf32>
    %get3A_17 = arith.constant 0 : index
    %get3A_18 = arith.constant 0 : index
    %get3A_19 = vector.load %arg5[%get3A_17, %get3A_18] : memref<1x128xf32, #tpu.memory_space<vmem>>, vector<1x128xf32>
    %add3A_20 = vector.broadcast %get3A_19 : vector<1x128xf32> to vector<2000x128xf32>
    %add3A_21 = arith.addf %dot_general3A_16, %add3A_20 : vector<2000x128xf32>
    %max3A_22 = arith.constant 0.000000e+00 : f32
    %max3A_23 = vector.broadcast %max3A_22 : f32 to vector<2000x128xf32>
    %max3A_24 = arith.maximumf %add3A_21, %max3A_23 : vector<2000x128xf32>
    %swap3A = arith.constant 0 : index
    %swap3A_25 = arith.constant 0 : index
    %swap3A_26 = vector.load %arg6[%swap3A, %swap3A_25] : memref<2000x128xf32, #tpu.memory_space<vmem>>, vector<2000x128xf32>
    tpu.vector_store %arg6[%swap3A, %swap3A_25], %max3A_24 {strides = array<i32>} : memref<2000x128xf32, #tpu.memory_space<vmem>>, vector<2000x128xf32>,
    return
  }
  func.func @transform_0(%arg0: i32) -> (i32, i32) {
    %c0_i32 = arith.constant 0 : i32
    %c0_i32_0 = arith.constant 0 : i32
    return %arg0, %c0_i32 : i32, i32
  }
  func.func @transform_1(%arg0: i32) -> (i32, i32) {
    %c0_i32 = arith.constant 0 : i32
    %c0_i32_0 = arith.constant 0 : i32
    %c0_i32_1 = arith.constant 0 : i32
    return %c0_i32, %c0_i32_0 : i32, i32
  }
  func.func @transform_2(%arg0: i32) -> (i32, i32) {
    %c0_i32 = arith.constant 0 : i32
    %c0_i32_0 = arith.constant 0 : i32
    %c0_i32_1 = arith.constant 0 : i32
    return %c0_i32, %c0_i32_0 : i32, i32
  }
  func.func @transform_3(%arg0: i32) -> (i32, i32) {
    %c0_i32 = arith.constant 0 : i32
    %c0_i32_0 = arith.constant 0 : i32
    %c0_i32_1 = arith.constant 0 : i32
    return %c0_i32, %c0_i32_0 : i32, i32
  }
  func.func @transform_4(%arg0: i32) -> (i32, i32) {
    %c0_i32 = arith.constant 0 : i32
    %c0_i32_0 = arith.constant 0 : i32
    %c0_i32_1 = arith.constant 0 : i32
    return %c0_i32, %c0_i32_0 : i32, i32
  }
  func.func @transform_5(%arg0: i32) -> (i32, i32) {
    %c0_i32 = arith.constant 0 : i32
    %c0_i32_0 = arith.constant 0 : i32
    return %arg0, %c0_i32 : i32, i32
  }
}

module attributes {stable_mosaic.version = 14 : i64} {
  func.func @_mlp2_body(%arg0: i32, %arg1: memref<2000x128xf32, #tpu.memory_space<vmem>>, %arg2: memref<2000x128xf32, #tpu.memory_space<vmem>>, %arg3: memref<128x128xf32, #tpu.memory_space<vmem>>, %arg4: memref<1x128xf32, #tpu.memory_space<vmem>>, %arg5: memref<128x128xf32, #tpu.memory_space<vmem>>, %arg6: memref<1x128xf32, #tpu.memory_space<vmem>>, %arg7: memref<2000x128xf32, #tpu.memory_space<vmem>>) attributes {dimension_semantics = [#tpu.dimension_semantics<arbitrary>], iteration_bounds = array<i64: 5>, scalar_prefetch = 0 : i64, scratch_operands = 0 : i64, tpu.core_type = #tpu.core_type<tc>, window_params = [{transform_indices = @transform_0, window_bounds = array<i64: 2000, 128>}, {transform_indices = @transform_1, window_bounds = array<i64: 2000, 128>}, {pipeline_mode = #tpu.pipeline_mode<synchronous>, transform_indices = @transform_2, window_bounds = array<i64: 128, 128>}, {pipeline_mode = #tpu.pipeline_mode<synchronous>, transform_indices = @transform_3, window_bounds = array<i64: 1, 128>}, {pipeline_mode = #tpu.pipeline_mode<synchronous>, transform_indices = @transform_4, window_bounds = array<i64: 128, 128>}, {pipeline_mode = #tpu.pipeline_mode<synchronous>, transform_indices = @transform_5, window_bounds = array<i64: 1, 128>}, {transform_indices = @transform_6, window_bounds = array<i64: 2000, 128>}]} {
    %get3A = arith.constant 0 : index
    %get3A_0 = arith.constant 0 : index
    %get3A_1 = vector.load %arg1[%get3A, %get3A_0] : memref<2000x128xf32, #tpu.memory_space<vmem>>, vector<2000x128xf32>
    %get3A_2 = arith.constant 0 : index
    %get3A_3 = arith.constant 0 : index
    %get3A_4 = vector.load %arg2[%get3A_2, %get3A_3] : memref<2000x128xf32, #tpu.memory_space<vmem>>, vector<2000x128xf32>
    %add3A = arith.addf %get3A_1, %get3A_4 : vector<2000x128xf32>
    %get3A_5 = arith.constant 0 : index
    %get3A_6 = arith.constant 0 : index
    %get3A_7 = vector.load %arg3[%get3A_5, %get3A_6] : memref<128x128xf32, #tpu.memory_space<vmem>>, vector<128x128xf32>
    %dot_general3A = arith.constant dense<0.000000e+00> : vector<2000x128xf32>
    %dot_general3A_8 = tpu.matmul %add3A, %get3A_7, %dot_general3A {dimension_numbers = #tpu.dot_dimension_numbers<[1], [0], [0], [1], [0, 0, 1, 1], [], []>, transpose_lhs_hint = false} : vector<2000x128xf32>, vector<128x128xf32>, vector<2000x128xf32> -> vector<2000x128xf32>
    %get3A_9 = arith.constant 0 : index
    %get3A_10 = arith.constant 0 : index
    %get3A_11 = vector.load %arg4[%get3A_9, %get3A_10] : memref<1x128xf32, #tpu.memory_space<vmem>>, vector<1x128xf32>
    %add3A_12 = vector.broadcast %get3A_11 : vector<1x128xf32> to vector<2000x128xf32>
    %add3A_13 = arith.addf %dot_general3A_8, %add3A_12 : vector<2000x128xf32>
    %max3A = arith.constant 0.000000e+00 : f32
    %max3A_14 = vector.broadcast %max3A : f32 to vector<2000x128xf32>
    %max3A_15 = arith.maximumf %add3A_13, %max3A_14 : vector<2000x128xf32>
    %get3A_16 = arith.constant 0 : index
    %get3A_17 = arith.constant 0 : index
    %get3A_18 = vector.load %arg5[%get3A_16, %get3A_17] : memref<128x128xf32, #tpu.memory_space<vmem>>, vector<128x128xf32>
    %dot_general3A_19 = arith.constant dense<0.000000e+00> : vector<2000x128xf32>
    %dot_general3A_20 = tpu.matmul %max3A_15, %get3A_18, %dot_general3A_19 {dimension_numbers = #tpu.dot_dimension_numbers<[1], [0], [0], [1], [0, 0, 1, 1], [], []>, transpose_lhs_hint = false} : vector<2000x128xf32>, vector<128x128xf32>, vector<2000x128xf32> -> vector<2000x128xf32>
    %get3A_21 = arith.constant 0 : index
    %get3A_22 = arith.constant 0 : index
    %get3A_23 = vector.load %arg6[%get3A_21, %get3A_22] : memref<1x128xf32, #tpu.memory_space<vmem>>, vector<1x128xf32>
    %add3A_24 = vector.broadcast %get3A_23 : vector<1x128xf32> to vector<2000x128xf32>
    %add3A_25 = arith.addf %dot_general3A_20, %add3A_24 : vector<2000x128xf32>
    %max3A_26 = arith.constant 0.000000e+00 : f32
    %max3A_27 = vector.broadcast %max3A_26 : f32 to vector<2000x128xf32>
    %max3A_28 = arith.maximumf %add3A_25, %max3A_27 : vector<2000x128xf32>
    %swap3A = arith.constant 0 : index
    %swap3A_29 = arith.constant 0 : index
    %swap3A_30 = vector.load %arg7[%swap3A, %swap3A_29] : memref<2000x128xf32, #tpu.memory_space<vmem>>, vector<2000x128xf32>
    tpu.vector_store %arg7[%swap3A, %swap3A_29], %max3A_28 {strides = array<i32>} : memref<2000x128xf32, #tpu.memory_space<vmem>>, vector<2000x128xf32>,
    return
  }
  func.func @transform_0(%arg0: i32) -> (i32, i32) {
    %c0_i32 = arith.constant 0 : i32
    %c0_i32_0 = arith.constant 0 : i32
    return %arg0, %c0_i32 : i32, i32
  }
  func.func @transform_1(%arg0: i32) -> (i32, i32) {
    %c0_i32 = arith.constant 0 : i32
    %c0_i32_0 = arith.constant 0 : i32
    return %arg0, %c0_i32 : i32, i32
  }
  func.func @transform_2(%arg0: i32) -> (i32, i32) {
    %c0_i32 = arith.constant 0 : i32
    %c0_i32_0 = arith.constant 0 : i32
    %c0_i32_1 = arith.constant 0 : i32
    return %c0_i32, %c0_i32_0 : i32, i32
  }
  func.func @transform_3(%arg0: i32) -> (i32, i32) {
    %c0_i32 = arith.constant 0 : i32
    %c0_i32_0 = arith.constant 0 : i32
    %c0_i32_1 = arith.constant 0 : i32
    return %c0_i32, %c0_i32_0 : i32, i32
  }
  func.func @transform_4(%arg0: i32) -> (i32, i32) {
    %c0_i32 = arith.constant 0 : i32
    %c0_i32_0 = arith.constant 0 : i32
    %c0_i32_1 = arith.constant 0 : i32
    return %c0_i32, %c0_i32_0 : i32, i32
  }
  func.func @transform_5(%arg0: i32) -> (i32, i32) {
    %c0_i32 = arith.constant 0 : i32
    %c0_i32_0 = arith.constant 0 : i32
    %c0_i32_1 = arith.constant 0 : i32
    return %c0_i32, %c0_i32_0 : i32, i32
  }
  func.func @transform_6(%arg0: i32) -> (i32, i32) {
    %c0_i32 = arith.constant 0 : i32
    %c0_i32_0 = arith.constant 0 : i32
    return %arg0, %c0_i32 : i32, i32
  }
}

</mosaic_0001>

<sc_bundles>
// kernel: kernel.5.cloned.1.call-start
scs
__scs_entry_jumppad:
0x0: {  	(pc) =	sbr.rel $0x88, $3  }
0x1: {  	(tag) =	ssettag $0x0;
	lr =	simm.s32 $0x1  }
0x2: {  	[smem:$0x3F97] =	sst lr;
	_ =	strace $0xD0000000  }
0x3: {  	_ = 	snop  }
0x4: {  	_ = 	snop  }
0x5: {  	_ = 	snop  }
0x6: {  	_ = 	snop  }
0x7: {  	_ = 	snop  }
__scs_overlays_trampoline_lowered:
0x8: {  	[smem:$0x3FA6] =	sst s0  }
0x9: {  	[smem:$0x3FA7] =	sst s1  }
0xa: {  	[smem:$0x3FA8] =	sst s2  }
0xb: {  	[smem:$0x3FA9] =	sst s3  }
0xc: {  	[smem:$0x3FAA] =	sst s4  }
0xd: {  	[smem:$0x3FAB] =	sst s5  }
0xe: {  	[smem:$0x3FAC] =	sst s6  }
0xf: {  	[smem:$0x3FAD] =	sst s7  }
0x10: {  	[smem:$0x3FAE] =	sst s8  }
0x11: {  	[smem:$0x3FAF] =	sst s9;
	s0 =	simm.s32 @!p0 $0x0  }
0x12: {  	s1 =	sld [smem:$0x3F95];
	s0 =	simm.s32 @p0 $0x1  }
0x13: {  	[smem:$0x3FB0] =	sst s0;
	s0 =	simm.s32 @!p1 $0x0  }
0x14: {  	s2 =	sld [smem:$0x3F94];
	s0 =	simm.s32 @p1 $0x1  }
0x15: {  	[smem:$0x3FB1] =	sst s0;
	s0 =	simm.s32 @!p2 $0x0  }
0x16: {  	s3 =	sld [smem:$0x3FDB];
	s0 =	simm.s32 @p2 $0x1  }
0x17: {  	s4 =	simm.s32 $0x1BF5;
	[smem:$0x3FB3] =	sst s0  }
0x18: {  	s0 =	sld [smem:$0x3F96];
	_ =	swait.ge [sflag:s4], $0x0  }
0x19: {  	s7 =	sld [smem:$0x3F97]  }
0x1a: {  	s8 =	sadd.s32 $0xFFFFE003, lr  }
0x1b: {  	s9 =	sadd.s32 $0xFFFFFEF7, lr;
	s5 =	simm.s32 $0xFFFFFFFF;
	p2 =	slt.u32 s8, $0xFFFFF086  }
0x1c: {  	p1 =	slt.u32 s9, $0xF7A;
	s5 =	simm.s32 @!p2 $0x0  }
0x1d: {  	s5 =	simm.s32 @p1 $0x1;
	p0 =	seq.s32 s7, s2  }
0x1e: {  	s7 =	smul.u32 @!p0 $0xF7A, s2;
	p2 =	seq.s32 @!p0 s5, $0x0  }
0x1f: {  	s9 =	smul.u32 $0xF7A, s1;
	s8 =	simm.s32 @!p0 $0x1BF5;
	p2 =	por !p2, p0  }
0x20: {  	[sflag:s8] =	ssyncset.s32 @!p0 $0xFFFFF086;
	s6 =	sadd.s32 @!p0 s3, s7;
	s7 =	simm.s32 @!p0 $0x108  }
0x21: {  	s3 =	sadd.s32 s3, s9;
	s6 =	sadd.s32 @!p0 $0x88, s6;
	s7 =	simm.s32 @p2 $0x1082  }
0x22: {  	[simem:s7], [sflag:s8] =	dma.local @!p0 [hbm:s6], $0xF7A  }
0x23: {  	s9 =	sor.u32 $0xD0000000, s2;
	s6 =	simm.s32 $0x108;
	_ =	swait.ge @!p0 [sflag:s8], $0x0  }
0x24: {  	s3 =	sadd.s32 $0x88, s3;
	s6 =	simm.s32 @!p1 $0x1082;
	[sflag:s4] =	ssyncset.s32 $0xFFFFF086  }
0x25: {  	[simem:s6], [sflag:s4] =	dma.local [hbm:s3], $0xF7A  }
0x26: {  	[smem:$0x3F97] =	sst s1;
	(tag) =	ssettag s2;
	_ =	strace s9  }
0x27: {  	s1 =	sld [smem:$0x3FA7]  }
0x28: {  	s2 =	sld [smem:$0x3FA8]  }
0x29: {  	s4 =	sld [smem:$0x3FAA]  }
0x2a: {  	p0 =	seq.s32 s5, $0x0;
	s5 =	sld [smem:$0x3FAB]  }
0x2b: {  	s6 =	sld [smem:$0x3FAC]  }
0x2c: {  	s7 =	sld [smem:$0x3FAD]  }
0x2d: {  	s3 =	simm.s32 $0x108;
	s8 =	sld [smem:$0x3FAE]  }
0x2e: {  	s3 =	simm.s32 @!p0 $0x1082;
	s9 =	sld [smem:$0x3FAF]  }
0x2f: {  	lr =	sadd.s32 s0, s3;
	s0 =	sld [smem:$0x3FA6]  }
0x30: {  	s3 =	sld [smem:$0x3FA9]  }
0x31: {  	[smem:$0x3FB2] =	sst s10  }
0x32: {  	s10 =	sld [smem:$0x3FB0];
	_ =	sdelay $0x3  }
0x33: {  	p0 =	seq.s32 s10, $0x1;
	s10 =	sld [smem:$0x3FB2];
	_ =	sdelay $0x3  }
0x34: {  	[smem:$0x3FB2] =	sst s10  }
0x35: {  	s10 =	sld [smem:$0x3FB1];
	_ =	sdelay $0x3  }
0x36: {  	p1 =	seq.s32 s10, $0x1;
	s10 =	sld [smem:$0x3FB2];
	_ =	sdelay $0x3  }
0x37: {  	[smem:$0x3FB2] =	sst s10  }
0x38: {  	s10 =	sld [smem:$0x3FB3]  }
0x39: {  	_ = 	snop;
	(pc) =	sbr.ind lr, $3  }
0x3a: {  	_ = 	snop  }
0x3b: {  	_ = 	snop  }
0x3c: {  	p2 =	seq.s32 s10, $0x1;
	s10 =	sld [smem:$0x3FB2]  }
0x3d: {  	_ =	shalt  }
0x3e: {  	_ =	shalt  }
0x3f: {  	_ =	shalt  }
0x40: {  	_ =	shalt  }
0x41: {  	_ =	shalt  }
0x42: {  	_ =	shalt  }
0x43: {  	_ =	shalt  }
0x44: {  	_ =	shalt  }
0x45: {  	_ =	shalt  }
0x46: {  	_ =	shalt  }
0x47: {  	_ =	shalt  }
0x48: {  	_ =	shalt  }
0x49: {  	_ =	shalt  }
0x4a: {  	_ =	shalt  }
0x4b: {  	_ =	shalt  }
0x4c: {  	_ =	shalt  }
0x4d: {  	_ =	shalt  }
0x4e: {  	_ =	shalt  }
0x4f: {  	_ =	shalt  }
0x50: {  	_ =	shalt  }
0x51: {  	_ =	shalt  }
0x52: {  	_ =	shalt  }
0x53: {  	_ =	shalt  }
0x54: {  	_ =	shalt  }
0x55: {  	_ =	shalt  }
0x56: {  	_ =	shalt  }
0x57: {  	_ =	shalt  }
0x58: {  	_ =	shalt  }
0x59: {  	_ =	shalt  }
0x5a: {  	_ =	shalt  }
0x5b: {  	_ =	shalt  }
0x5c: {  	_ =	shalt  }
0x5d: {  	_ =	shalt  }
0x5e: {  	_ =	shalt  }
0x5f: {  	_ =	shalt  }
0x60: {  	_ =	shalt  }
0x61: {  	_ =	shalt  }
0x62: {  	_ =	shalt  }
0x63: {  	_ =	shalt  }
0x64: {  	_ =	shalt  }
0x65: {  	_ =	shalt  }
0x66: {  	_ =	shalt  }
0x67: {  	_ =	shalt  }
0x68: {  	_ =	shalt  }
0x69: {  	_ =	shalt  }
0x6a: {  	_ =	shalt  }
0x6b: {  	_ =	shalt  }
0x6c: {  	_ =	shalt  }
0x6d: {  	_ =	shalt  }
0x6e: {  	_ =	shalt  }
0x6f: {  	_ =	shalt  }
0x70: {  	_ =	shalt  }
0x71: {  	_ =	shalt  }
0x72: {  	_ =	shalt  }
0x73: {  	_ =	shalt  }
0x74: {  	_ =	shalt  }
0x75: {  	_ =	shalt  }
0x76: {  	_ =	shalt  }
0x77: {  	_ =	shalt  }
0x78: {  	_ =	shalt  }
0x79: {  	_ =	shalt  }
0x7a: {  	_ =	shalt  }
0x7b: {  	_ =	shalt  }
0x7c: {  	_ =	shalt  }
0x7d: {  	_ =	shalt  }
0x7e: {  	_ =	shalt  }
0x7f: {  	_ =	shalt  }
0x80: {  	_ =	shalt  }
0x81: {  	_ =	shalt  }
0x82: {  	_ =	shalt  }
0x83: {  	_ =	shalt  }
0x84: {  	_ =	shalt  }
0x85: {  	_ =	shalt  }
0x86: {  	_ =	shalt  }
0x87: {  	_ =	shalt  }
.Lfunc_end0:
.L_simem_size_0:
called_computation_lowered:
.L_overlay_start_0:
0x88: {  	s2 =	sld [smem:$0x3FD9]  }
0x89: {  	s3 =	sld [smem:$0x3FFE];
	_ =	sdelay $0x1  }
0x8a: {  	s1 =	srdreg.scid  }
0x8b: {  	s0 =	sand.u32 $0x1, s1  }
0x8c: {  	s17 =	sshll.u32 s0, $0xA;
	s2 =	sadd.s32 s3, s2  }
0x8d: {  	s2 =	sadd.s32 s2, s17  }
0x8e: {  	[smem:$0x3FBE] =	sst s2  }
0x8f: {  	_ = 	snop  }
0x90: {  	s2 =	sld [smem:$0x3FD0];
	(tm) =	ssettm $0x1  }
0x91: {  	s18 =	sld [smem:$0x3FFB];
	_ =	sdelay $0x3  }
0x92: {  	_ =	strace s18  }
0x93: {  	s3 =	sld [smem:$0x3FFC];
	_ =	sdelay $0x3  }
0x94: {  	_ =	strace s3  }
0x95: {  	s3 =	sld [smem:$0x3FFD];
	_ =	sdelay $0x3  }
0x96: {  	_ =	strace s3  }
0x97: {  	_ =	strace $0x8FFFFFFF  }
0x98: {  	s19 =	sld [smem:$0x3FDB];
	_ =	sdelay $0x1  }
0x99: {  	s4 =	simm.s32 $_scs_section_size  }
0x9a: {  	s5 =	simm.s32 $_size__tile_overlayer_lowered;
	s6 =	simm.s32 $_tile_overlayer_lowered  }
0x9b: {  	s22 =	simm.s32 $0x1BFF;
	s21 =	sshll.u32 s6, $0x1;
	s3 =	sadd.s32 s4, s19  }
0x9c: {  	s7 =	simm.s32 $0x0;
	s20 =	sshll.u32 s5, $0x1;
	s5 =	sadd.s32 s21, s3  }
0x9d: {  	[timem:s7], [sflag:s22] =	dma.local [hbm:s5], s20  }
0x9e: {  	_ =	swait.ge [sflag:s22], s20  }
0x9f: {  	s4 =	ssub.s32 $0x0, s20;
	[sflag:s22] =	ssyncset.done $0x0  }
0xa0: {  	[sflag:s22] =	ssyncadd.s32 s4;
	_ =	sdelay $0x1  }
0xa1: {  	s23 =	simm.s32 $0x1B8B  }
0xa2: {  	_ =	swait.ge [sflag:s23], $0x1  }
0xa3: {  	[sflag:s23] =	ssyncset.done $0x0  }
0xa4: {  	s25 =	simm.s32 $0x1B8E;
	s24 =	sld [smem:$0x3FFE];
	[sflag:s23] =	ssyncadd.s32 $0xFFFFFFFF  }
0xa5: {  	s26 =	simm.s32 $execute0_lowered;
	[smem:$0x3FD2] =	sst s25  }
0xa6: {  	s5 =	sshll.u32 s26, $0x1;
	_ =	strace $0x80000046;
	[dreg:$0x1] =	wrdreg $0xFFFFFFFF  }
0xa7: {  	s28 =	simm.s32 $_size_execute0_lowered;
	s3 =	sadd.s32 s3, s5;
	[dreg:$0x0] =	wrdreg $0x0  }
0xa8: {  	s5 =	sshll.u32 s28, $0x1;
	[dreg:$0x2] =	wrdreg s3  }
0xa9: {  	[dreg:$0x3] =	wrdreg s5  }
0xaa: {  	[dreg:$0x4] =	wrdreg $0xC0  }
0xab: {  	_ =	task [dreg:s7], $0x5FFFF  }
0xac: {  	[dreg:$0x1] =	wrdreg $0xFFFFFFFF  }
0xad: {  	[dreg:$0x0] =	wrdreg $0x60  }
0xae: {  	[dreg:$0x2] =	wrdreg s2  }
0xaf: {  	[dreg:$0x3] =	wrdreg s24  }
0xb0: {  	[dreg:$0x4] =	wrdreg $0xC4000  }
0xb1: {  	[dreg:$0x5] =	wrdreg $0x9  }
0xb2: {  	_ =	task.clear_ibuf [dreg:s7], $0x6FFFF;
	_ =	strace $0x90000046  }
0xb3: {  	s29 =	simm.s32 $0x9;
	_ =	strace $0x80000048  }
0xb4: {  	_ =	swait.ge [sflag:s29], $0x1  }
0xb5: {  	[sflag:s29] =	ssyncadd.s32 $0xFFFFFFFF  }
0xb6: {  	_ =	strace $0x90000048  }
0xb7: {  	_ =	sfence  }
0xb8: {  	s30 =	sld [smem:$0x0];
	_ =	sdelay $0x2  }
0xb9: {  	s31 =	sshll.u32 s1, $0xD;
	s1 =	sshrl.u32 s1, $0x2  }
0xba: {  	s3 =	sand.u32 $0x4000, s31;
	s1 =	sadd.s32 s1, s30  }
0xbb: {  	s0 =	sor.u32 s3, s0;
	s1 =	sshll.u32 s1, $0x11  }
0xbc: {  	s0 =	sor.u32 s1, s0  }
0xbd: {  	s0 =	sadd.s32 $0x8F2B, s0  }
0xbe: {  	[sflag:s0] =	ssyncadd.remote.s32 $0x1  }
0xbf: {  	_ =	sfence.sel $0xFFFF  }
0xc0: {  	[dreg:$0x0] =	wrdreg $0xFFFFFFFF;
	(pc) =	sbr.abs _section_cstart, $3  }
0xc1: {  	[dreg:$0x1] =	wrdreg $0xFFFFFFFF  }
0xc2: {  	_ =	task.clear_ibuf [dreg:s7], $0x2FFFF;
	_ =	strace $0x9FFFFFFF  }
0xc3: {  	(tm) =	ssettm $0x7FFFFFFF  }
tec
execute0_lowered:
.L_overlay_start_1:
0x0: {  	(tag) =	ssettag $0x1  }
0x1: {  	s1 =	rddreg [dreg:$0x0]  }
0x2: {  	s0 =	srdreg.scid;
	s2 =	rddreg [dreg:$0x1]  }
0x3: {  	s10 =	stileid.u32;
	s3 =	rddreg [dreg:$0x2]  }
0x4: {  	s5 =	simm.s32 $0x0;
	s12 =	simm.s32 $0x6;
	s18 =	simm.s32 $0x5400  }
0x5: {  	s19 =	simm.s32 $0x100;
	s20 =	simm.s32 $0x7000;
	s21 =	simm.s32 $0x180  }
0x6: {  	s22 =	simm.s32 $0x8C00;
	s23 =	simm.s32 $0x200;
	s24 =	simm.s32 $0xA800  }
0x7: {  	s28 =	simm.s32 $0x2;
	s29 =	simm.s32 $0x3;
	s30 =	simm.s32 $0x4  }
0x8: {  	s31 =	simm.s32 $0x5;
	s0 =	sand.u32 $0x1, s0;
	s4 =	sshll.u32 s10, $0x1  }
0x9: {  	[smem:$0x7FF] =	sst s5;
	s6 =	smul.u32 $0x4E000, s10;
	s7 =	sadd.s32 $0x39800, s2  }
0xa: {  	s15 =	sshll.u32 s10, $0x6;
	s9 =	sadd.s32 $0x138000, s3;
	s25 =	smul.u32 $0x2700, s10  }
0xb: {  	p0 =	sne.s32 s10, $0xF;
	s10 =	simm.s32 $0x3380;
	s4 =	sor.u32 s0, s4  }
0xc: {  	s13 =	smul.u32 $0x27100, s0;
	_ =	strace $0x80000047;
	s0 =	ssub.s32 $0x2, s0  }
0xd: {  	s4 =	smul.u32 $0xE00, s4;
	s14 =	sshrl.u32 s0, $0x1;
	s6 =	sshrl.u32 s6, $0x2  }
0xe: {  	[dreg:$0x4] =	wrdreg s7;
	s0 =	ssub.s32 s0, s14;
	s16 =	sadd.s32 s6, s3  }
0xf: {  	s6 =	sor.u32 $0x1C06, s15;
	s15 =	simm.s32 $0x32;
	s4 =	sadd.s32 s4, s2  }
0x10: {  	s2 =	sadd.s32 s13, s2;
	s0 =	smax.u32 s0, $0x1;
	s11 =	sshrl.u32 s16, $0x3  }
0x11: {  	s13 =	sshrl.u32 @!p0 s9, $0x3;
	s16 =	simm.s32 $0x3800;
	s9 =	simm.s32 $0x3480  }
0x12: {  	s7 =	sadd.s32 $0x1D800, s4;
	s8 =	sadd.s32 $0x1800, s4;
	s17 =	sadd.s32 $0x3C000, s2  }
0x13: {  	[dreg:$0x6] =	wrdreg s0;
	s2 =	simm.s32 $0x3280;
	s0 =	simm.s32 $0x3300  }
0x14: {  	s4 =	simm.s32 $0x0;
	[dreg:$0x5] =	wrdreg s17;
	s26 =	sadd.s32 s25, s17  }
0x15: {  	s25 =	simm.s32 $0x3400;
	[dreg:$0x7] =	wrdreg s26;
	s26 =	simm.s32 $0x1  }
.LBB2_1:
0x16: {  	s5 =	rddreg [dreg:$0x4]  }
0x17: {  	[spmem:s11], [sflag:s6] =	dma.local [hbm:s5], $0x2700  }
0x18: {  	_ =	swait.ge [sflag:s12], $0x2700  }
0x19: {  	[sflag:s12] =	ssyncset.done $0x0  }
0x1a: {  	[sflag:s12] =	ssyncadd.s32 $0xFFFFD900  }
0x1b: {  	[spmem:s13], [sflag:s6] =	dma.local @!p0 [hbm:s5], $0x100  }
0x1c: {  	s5 =	simm.s32 @!p0 $0x6  }
0x1d: {  	_ =	swait.ge @!p0 [sflag:s5], $0x100  }
0x1e: {  	[sflag:s5] =	ssyncset.done @!p0 $0x0  }
0x1f: {  	[sflag:s5] =	ssyncadd.s32 @!p0 $0xFFFFFF00  }
0x20: {  	s17 =	simm.s32 $0x0;
	[bflag:$0x0] =	sbarrier.arrive $0xFFFF  }
0x21: {  	[tilespmem:s17], [sflag:$0x6] =	stream.linear.gather [hbm4b:s7+s17], $0x1900, $0x38;
	[tilespmem:$0x1FC80] =	vst v63  }
0x22: {  	_ =	swait.ge [sflag:s12], $0x1900  }
0x23: {  	[sflag:s12] =	ssyncset.done $0x0  }
0x24: {  	s14 =	simm.s32 $0x1C00;
	[sflag:s12] =	ssyncadd.s32 $0xFFFFE700  }
0x25: {  	[tilespmem:s14], [sflag:$0x6] =	stream.linear.gather [hbm4b:s8+s17], $0x1900, $0x38;
	[tilespmem:$0x1FC80] =	vst v63  }
0x26: {  	_ =	swait.ge [sflag:s12], $0x1900  }
0x27: {  	[sflag:s12] =	ssyncset.done $0x0  }
0x28: {  	[sflag:s12] =	ssyncadd.s32 $0xFFFFE700  }
0x29: {  	[tilespmem:s16], [sflag:$0x1] =	stream.indirect.gather [hbm4b:s1+s15], $0x80, s17, s15, $0xb8;
	[tilespmem:$0x1FC80] =	vst v63  }
0x2a: {  	s14 =	simm.s32 $0x80  }
0x2b: {  	[tilespmem:s18], [sflag:$0x2] =	stream.indirect.gather [hbm4b:s1+s15], $0x80, s14, s15, $0xb8;
	[tilespmem:$0x1FC80] =	vst v63  }
0x2c: {  	_ = 	snop  }
0x2d: {  	[tilespmem:s20], [sflag:$0x3] =	stream.indirect.gather [hbm4b:s1+s15], $0x80, s19, s15, $0xb8;
	[tilespmem:$0x1FC80] =	vst v63  }
0x2e: {  	_ = 	snop  }
0x2f: {  	[tilespmem:s22], [sflag:$0x4] =	stream.indirect.gather [hbm4b:s1+s15], $0x80, s21, s15, $0xb8;
	[tilespmem:$0x1FC80] =	vst v63  }
0x30: {  	_ = 	snop  }
0x31: {  	[tilespmem:s24], [sflag:$0x5] =	stream.indirect.gather [hbm4b:s1+s15], $0x80, s23, s15, $0xb8;
	[tilespmem:$0x1FC80] =	vst v63  }
0x32: {  	_ =	swait.ge [sflag:s26], $0x1900  }
0x33: {  	[sflag:s26] =	ssyncset.done $0x0  }
0x34: {  	s17 =	simm.s32 $0x1C00;
	[sflag:s26] =	ssyncadd.s32 $0xFFFFE700  }
0x35: {  	[spmem:s3] =	stream.indirect.scatter.add.f32 [tilespmem:s16], [sflag:$0x6], $0x80, s17, s15, $0xb8;
	[tilespmem:$0x1FC80] =	vst v63  }
0x36: {  	_ =	swait.ge [sflag:s12], $0x1900  }
0x37: {  	[sflag:s12] =	ssyncset.done $0x0  }
0x38: {  	s14 =	simm.s32 $0x280;
	[sflag:s12] =	ssyncadd.s32 $0xFFFFE700  }
0x39: {  	[tilespmem:s16], [sflag:$0x1] =	stream.indirect.gather [hbm4b:s1+s15], $0x80, s14, s15, $0xb8;
	[tilespmem:$0x1FC80] =	vst v63  }
0x3a: {  	_ =	swait.ge [sflag:s28], $0x1900  }
0x3b: {  	[sflag:s28] =	ssyncset.done $0x0  }
0x3c: {  	s17 =	simm.s32 $0x1C80;
	[sflag:s28] =	ssyncadd.s32 $0xFFFFE700  }
0x3d: {  	[spmem:s3] =	stream.indirect.scatter.add.f32 [tilespmem:s18], [sflag:$0x6], $0x80, s17, s15, $0xb8;
	[tilespmem:$0x1FC80] =	vst v63  }
0x3e: {  	_ =	swait.ge [sflag:s12], $0x1900  }
0x3f: {  	[sflag:s12] =	ssyncset.done $0x0  }
0x40: {  	s14 =	simm.s32 $0x300;
	[sflag:s12] =	ssyncadd.s32 $0xFFFFE700  }
0x41: {  	[tilespmem:s18], [sflag:$0x2] =	stream.indirect.gather [hbm4b:s1+s15], $0x80, s14, s15, $0xb8;
	[tilespmem:$0x1FC80] =	vst v63  }
0x42: {  	_ =	swait.ge [sflag:s29], $0x1900  }
0x43: {  	[sflag:s29] =	ssyncset.done $0x0  }
0x44: {  	s17 =	simm.s32 $0x1D00;
	[sflag:s29] =	ssyncadd.s32 $0xFFFFE700  }
0x45: {  	[spmem:s3] =	stream.indirect.scatter.add.f32 [tilespmem:s20], [sflag:$0x6], $0x80, s17, s15, $0xb8;
	[tilespmem:$0x1FC80] =	vst v63  }
0x46: {  	_ =	swait.ge [sflag:s12], $0x1900  }
0x47: {  	[sflag:s12] =	ssyncset.done $0x0  }
0x48: {  	s14 =	simm.s32 $0x380;
	[sflag:s12] =	ssyncadd.s32 $0xFFFFE700  }
0x49: {  	[tilespmem:s20], [sflag:$0x3] =	stream.indirect.gather [hbm4b:s1+s15], $0x80, s14, s15, $0xb8;
	[tilespmem:$0x1FC80] =	vst v63  }
0x4a: {  	_ =	swait.ge [sflag:s30], $0x1900  }
0x4b: {  	[sflag:s30] =	ssyncset.done $0x0  }
0x4c: {  	s17 =	simm.s32 $0x1D80;
	[sflag:s30] =	ssyncadd.s32 $0xFFFFE700  }
0x4d: {  	[spmem:s3] =	stream.indirect.scatter.add.f32 [tilespmem:s22], [sflag:$0x6], $0x80, s17, s15, $0xb8;
	[tilespmem:$0x1FC80] =	vst v63  }
0x4e: {  	_ =	swait.ge [sflag:s12], $0x1900  }
0x4f: {  	[sflag:s12] =	ssyncset.done $0x0  }
0x50: {  	s14 =	simm.s32 $0x400;
	[sflag:s12] =	ssyncadd.s32 $0xFFFFE700  }
0x51: {  	[tilespmem:s22], [sflag:$0x4] =	stream.indirect.gather [hbm4b:s1+s15], $0x80, s14, s15, $0xb8;
	[tilespmem:$0x1FC80] =	vst v63  }
0x52: {  	_ =	swait.ge [sflag:s31], $0x1900  }
0x53: {  	[sflag:s31] =	ssyncset.done $0x0  }
0x54: {  	s17 =	simm.s32 $0x1E00;
	[sflag:s31] =	ssyncadd.s32 $0xFFFFE700  }
0x55: {  	[spmem:s3] =	stream.indirect.scatter.add.f32 [tilespmem:s24], [sflag:$0x6], $0x80, s17, s15, $0xb8;
	[tilespmem:$0x1FC80] =	vst v63  }
0x56: {  	_ =	swait.ge [sflag:s12], $0x1900  }
0x57: {  	[sflag:s12] =	ssyncset.done $0x0  }
0x58: {  	s5 =	simm.s32 $0xA00;
	s14 =	simm.s32 $0x480;
	[sflag:s12] =	ssyncadd.s32 $0xFFFFE700  }
.LBB2_2:
0x59: {  	[tilespmem:s24], [sflag:$0x5] =	stream.indirect.gather [hbm4b:s1+s15], $0x80, s14, s15, $0xb8;
	[tilespmem:$0x1FC80] =	vst v63  }
0x5a: {  	s14 =	smov.u32 s5  }
0x5b: {  	p1 =	sne.s32 s5, $0x5000;
	s5 =	sadd.s32 $0xA00, s5;
	_ =	swait.ge [sflag:s26], $0x1900  }
0x5c: {  	s14 =	sshra.s32 s14, $0x2;
	[sflag:s26] =	ssyncset.done $0x0  }
0x5d: {  	s17 =	sadd.s32 $0x1C00, s14;
	[sflag:s26] =	ssyncadd.s32 $0xFFFFE700  }
0x5e: {  	[spmem:s3] =	stream.indirect.scatter.add.f32 [tilespmem:s16], [sflag:$0x6], $0x80, s17, s15, $0xb8;
	[tilespmem:$0x1FC80] =	vst v63  }
0x5f: {  	_ =	swait.ge [sflag:s12], $0x1900  }
0x60: {  	[sflag:s12] =	ssyncset.done $0x0  }
0x61: {  	s17 =	sadd.s32 $0x280, s14;
	[sflag:s12] =	ssyncadd.s32 $0xFFFFE700  }
0x62: {  	[tilespmem:s16], [sflag:$0x1] =	stream.indirect.gather [hbm4b:s1+s15], $0x80, s17, s15, $0xb8;
	[tilespmem:$0x1FC80] =	vst v63  }
0x63: {  	_ =	swait.ge [sflag:s28], $0x1900  }
0x64: {  	[sflag:s28] =	ssyncset.done $0x0  }
0x65: {  	s17 =	sadd.s32 $0x1C80, s14;
	[sflag:s28] =	ssyncadd.s32 $0xFFFFE700  }
0x66: {  	[spmem:s3] =	stream.indirect.scatter.add.f32 [tilespmem:s18], [sflag:$0x6], $0x80, s17, s15, $0xb8;
	[tilespmem:$0x1FC80] =	vst v63  }
0x67: {  	_ =	swait.ge [sflag:s12], $0x1900  }
0x68: {  	[sflag:s12] =	ssyncset.done $0x0  }
0x69: {  	s17 =	sadd.s32 $0x300, s14;
	[sflag:s12] =	ssyncadd.s32 $0xFFFFE700  }
0x6a: {  	[tilespmem:s18], [sflag:$0x2] =	stream.indirect.gather [hbm4b:s1+s15], $0x80, s17, s15, $0xb8;
	[tilespmem:$0x1FC80] =	vst v63  }
0x6b: {  	_ =	swait.ge [sflag:s29], $0x1900  }
0x6c: {  	[sflag:s29] =	ssyncset.done $0x0  }
0x6d: {  	s17 =	sadd.s32 $0x1D00, s14;
	[sflag:s29] =	ssyncadd.s32 $0xFFFFE700  }
0x6e: {  	[spmem:s3] =	stream.indirect.scatter.add.f32 [tilespmem:s20], [sflag:$0x6], $0x80, s17, s15, $0xb8;
	[tilespmem:$0x1FC80] =	vst v63  }
0x6f: {  	_ =	swait.ge [sflag:s12], $0x1900  }
0x70: {  	[sflag:s12] =	ssyncset.done $0x0  }
0x71: {  	s17 =	sadd.s32 $0x380, s14;
	[sflag:s12] =	ssyncadd.s32 $0xFFFFE700  }
0x72: {  	[tilespmem:s20], [sflag:$0x3] =	stream.indirect.gather [hbm4b:s1+s15], $0x80, s17, s15, $0xb8;
	[tilespmem:$0x1FC80] =	vst v63  }
0x73: {  	_ =	swait.ge [sflag:s30], $0x1900  }
0x74: {  	[sflag:s30] =	ssyncset.done $0x0  }
0x75: {  	s17 =	sadd.s32 $0x1D80, s14;
	[sflag:s30] =	ssyncadd.s32 $0xFFFFE700  }
0x76: {  	[spmem:s3] =	stream.indirect.scatter.add.f32 [tilespmem:s22], [sflag:$0x6], $0x80, s17, s15, $0xb8;
	[tilespmem:$0x1FC80] =	vst v63  }
0x77: {  	_ =	swait.ge [sflag:s12], $0x1900  }
0x78: {  	[sflag:s12] =	ssyncset.done $0x0  }
0x79: {  	s17 =	sadd.s32 $0x400, s14;
	[sflag:s12] =	ssyncadd.s32 $0xFFFFE700  }
0x7a: {  	[tilespmem:s22], [sflag:$0x4] =	stream.indirect.gather [hbm4b:s1+s15], $0x80, s17, s15, $0xb8;
	[tilespmem:$0x1FC80] =	vst v63  }
0x7b: {  	_ =	swait.ge [sflag:s31], $0x1900  }
0x7c: {  	[sflag:s31] =	ssyncset.done $0x0  }
.Ltmp0:
0x7d: {  	s17 =	sadd.s32 $0x1E00, s14;
	[sflag:s31] =	ssyncadd.s32 $0xFFFFE700;
	(pc) =	sbr.rel @p1 .LBB2_2-.Ltmp0, $4  }
0x7e: {  	[spmem:s3] =	stream.indirect.scatter.add.f32 [tilespmem:s24], [sflag:$0x6], $0x80, s17, s15, $0xb8;
	[tilespmem:$0x1FC80] =	vst v63  }
0x7f: {  	_ =	swait.ge [sflag:s12], $0x1900  }
0x80: {  	[sflag:s12] =	ssyncset.done $0x0  }
0x81: {  	s14 =	sadd.s32 $0x480, s14;
	[sflag:s12] =	ssyncadd.s32 $0xFFFFE700  }
0x82: {  	[tilespmem:s24], [sflag:$0x5] =	stream.indirect.gather [hbm4b:s1+s15], $0x80, s14, s15, $0xb8;
	[tilespmem:$0x1FC80] =	vst v63  }
0x83: {  	_ =	swait.ge [sflag:s26], $0x1900  }
0x84: {  	[sflag:s26] =	ssyncset.done $0x0  }
0x85: {  	[sflag:s26] =	ssyncadd.s32 $0xFFFFE700  }
0x86: {  	[spmem:s3] =	stream.indirect.scatter.add.f32 [tilespmem:s16], [sflag:$0x6], $0x80, s2, s15, $0xb8;
	[tilespmem:$0x1FC80] =	vst v63  }
0x87: {  	_ =	swait.ge [sflag:s12], $0x1900  }
0x88: {  	[sflag:s12] =	ssyncset.done $0x0  }
0x89: {  	[sflag:s12] =	ssyncadd.s32 $0xFFFFE700  }
0x8a: {  	_ =	swait.ge [sflag:s28], $0x1900  }
0x8b: {  	[sflag:s28] =	ssyncset.done $0x0  }
0x8c: {  	[sflag:s28] =	ssyncadd.s32 $0xFFFFE700  }
0x8d: {  	[spmem:s3] =	stream.indirect.scatter.add.f32 [tilespmem:s18], [sflag:$0x6], $0x80, s0, s15, $0xb8;
	[tilespmem:$0x1FC80] =	vst v63  }
0x8e: {  	_ =	swait.ge [sflag:s12], $0x1900  }
0x8f: {  	[sflag:s12] =	ssyncset.done $0x0  }
0x90: {  	[sflag:s12] =	ssyncadd.s32 $0xFFFFE700  }
0x91: {  	_ =	swait.ge [sflag:s29], $0x1900  }
0x92: {  	[sflag:s29] =	ssyncset.done $0x0  }
0x93: {  	[sflag:s29] =	ssyncadd.s32 $0xFFFFE700  }
0x94: {  	[spmem:s3] =	stream.indirect.scatter.add.f32 [tilespmem:s20], [sflag:$0x6], $0x80, s10, s15, $0xb8;
	[tilespmem:$0x1FC80] =	vst v63  }
0x95: {  	_ =	swait.ge [sflag:s12], $0x1900  }
0x96: {  	[sflag:s12] =	ssyncset.done $0x0  }
0x97: {  	[sflag:s12] =	ssyncadd.s32 $0xFFFFE700  }
0x98: {  	_ =	swait.ge [sflag:s30], $0x1900  }
0x99: {  	[sflag:s30] =	ssyncset.done $0x0  }
0x9a: {  	[sflag:s30] =	ssyncadd.s32 $0xFFFFE700  }
0x9b: {  	[spmem:s3] =	stream.indirect.scatter.add.f32 [tilespmem:s22], [sflag:$0x6], $0x80, s25, s15, $0xb8;
	[tilespmem:$0x1FC80] =	vst v63  }
0x9c: {  	_ =	swait.ge [sflag:s12], $0x1900  }
0x9d: {  	[sflag:s12] =	ssyncset.done $0x0  }
0x9e: {  	[sflag:s12] =	ssyncadd.s32 $0xFFFFE700  }
0x9f: {  	_ =	swait.ge [sflag:s31], $0x1900  }
0xa0: {  	[sflag:s31] =	ssyncset.done $0x0  }
0xa1: {  	[sflag:s31] =	ssyncadd.s32 $0xFFFFE700  }
0xa2: {  	[spmem:s3] =	stream.indirect.scatter.add.f32 [tilespmem:s24], [sflag:$0x6], $0x80, s9, s15, $0xb8;
	[tilespmem:$0x1FC80] =	vst v63  }
0xa3: {  	_ =	swait.ge [sflag:s12], $0x1900  }
0xa4: {  	[sflag:s12] =	ssyncset.done $0x0  }
0xa5: {  	s5 =	sadd.s32 $0x380, s7;
	s14 =	simm.s32 $0x0;
	[sflag:s12] =	ssyncadd.s32 $0xFFFFE700  }
0xa6: {  	[tilespmem:s14], [sflag:$0x6] =	stream.linear.gather [hbm4b:s5+s14], $0x1900, $0x38;
	[tilespmem:$0x1FC80] =	vst v63  }
0xa7: {  	_ =	swait.ge [sflag:s12], $0x1900  }
0xa8: {  	[sflag:s12] =	ssyncset.done $0x0  }
0xa9: {  	s17 =	simm.s32 $0x1C00;
	s5 =	sadd.s32 $0x380, s8;
	[sflag:s12] =	ssyncadd.s32 $0xFFFFE700  }
0xaa: {  	[tilespmem:s17], [sflag:$0x6] =	stream.linear.gather [hbm4b:s5+s14], $0x1900, $0x38;
	[tilespmem:$0x1FC80] =	vst v63  }
0xab: {  	_ =	swait.ge [sflag:s12], $0x1900  }
0xac: {  	[sflag:s12] =	ssyncset.done $0x0  }
0xad: {  	[sflag:s12] =	ssyncadd.s32 $0xFFFFE700  }
0xae: {  	[tilespmem:s16], [sflag:$0x1] =	stream.indirect.gather [hbm4b:s1+s15], $0x80, s14, s15, $0xb8;
	[tilespmem:$0x1FC80] =	vst v63  }
0xaf: {  	s14 =	simm.s32 $0x80  }
0xb0: {  	[tilespmem:s18], [sflag:$0x2] =	stream.indirect.gather [hbm4b:s1+s15], $0x80, s14, s15, $0xb8;
	[tilespmem:$0x1FC80] =	vst v63  }
0xb1: {  	_ = 	snop  }
0xb2: {  	[tilespmem:s20], [sflag:$0x3] =	stream.indirect.gather [hbm4b:s1+s15], $0x80, s19, s15, $0xb8;
	[tilespmem:$0x1FC80] =	vst v63  }
0xb3: {  	_ = 	snop  }
0xb4: {  	[tilespmem:s22], [sflag:$0x4] =	stream.indirect.gather [hbm4b:s1+s15], $0x80, s21, s15, $0xb8;
	[tilespmem:$0x1FC80] =	vst v63  }
0xb5: {  	_ = 	snop  }
0xb6: {  	[tilespmem:s24], [sflag:$0x5] =	stream.indirect.gather [hbm4b:s1+s15], $0x80, s23, s15, $0xb8;
	[tilespmem:$0x1FC80] =	vst v63  }
0xb7: {  	_ =	swait.ge [sflag:s26], $0x1900  }
0xb8: {  	[sflag:s26] =	ssyncset.done $0x0  }
0xb9: {  	s17 =	simm.s32 $0x1C00;
	[sflag:s26] =	ssyncadd.s32 $0xFFFFE700  }
0xba: {  	[spmem:s3] =	stream.indirect.scatter.add.f32 [tilespmem:s16], [sflag:$0x6], $0x80, s17, s15, $0xb8;
	[tilespmem:$0x1FC80] =	vst v63  }
0xbb: {  	_ =	swait.ge [sflag:s12], $0x1900  }
0xbc: {  	[sflag:s12] =	ssyncset.done $0x0  }
0xbd: {  	s14 =	simm.s32 $0x280;
	[sflag:s12] =	ssyncadd.s32 $0xFFFFE700  }
0xbe: {  	[tilespmem:s16], [sflag:$0x1] =	stream.indirect.gather [hbm4b:s1+s15], $0x80, s14, s15, $0xb8;
	[tilespmem:$0x1FC80] =	vst v63  }
0xbf: {  	_ =	swait.ge [sflag:s28], $0x1900  }
0xc0: {  	[sflag:s28] =	ssyncset.done $0x0  }
0xc1: {  	s17 =	simm.s32 $0x1C80;
	[sflag:s28] =	ssyncadd.s32 $0xFFFFE700  }
0xc2: {  	[spmem:s3] =	stream.indirect.scatter.add.f32 [tilespmem:s18], [sflag:$0x6], $0x80, s17, s15, $0xb8;
	[tilespmem:$0x1FC80] =	vst v63  }
0xc3: {  	_ =	swait.ge [sflag:s12], $0x1900  }
0xc4: {  	[sflag:s12] =	ssyncset.done $0x0  }
0xc5: {  	s14 =	simm.s32 $0x300;
	[sflag:s12] =	ssyncadd.s32 $0xFFFFE700  }
0xc6: {  	[tilespmem:s18], [sflag:$0x2] =	stream.indirect.gather [hbm4b:s1+s15], $0x80, s14, s15, $0xb8;
	[tilespmem:$0x1FC80] =	vst v63  }
0xc7: {  	_ =	swait.ge [sflag:s29], $0x1900  }
0xc8: {  	[sflag:s29] =	ssyncset.done $0x0  }
0xc9: {  	s17 =	simm.s32 $0x1D00;
	[sflag:s29] =	ssyncadd.s32 $0xFFFFE700  }
0xca: {  	[spmem:s3] =	stream.indirect.scatter.add.f32 [tilespmem:s20], [sflag:$0x6], $0x80, s17, s15, $0xb8;
	[tilespmem:$0x1FC80] =	vst v63  }
0xcb: {  	_ =	swait.ge [sflag:s12], $0x1900  }
0xcc: {  	[sflag:s12] =	ssyncset.done $0x0  }
0xcd: {  	s14 =	simm.s32 $0x380;
	[sflag:s12] =	ssyncadd.s32 $0xFFFFE700  }
0xce: {  	[tilespmem:s20], [sflag:$0x3] =	stream.indirect.gather [hbm4b:s1+s15], $0x80, s14, s15, $0xb8;
	[tilespmem:$0x1FC80] =	vst v63  }
0xcf: {  	_ =	swait.ge [sflag:s30], $0x1900  }
0xd0: {  	[sflag:s30] =	ssyncset.done $0x0  }
0xd1: {  	s17 =	simm.s32 $0x1D80;
	[sflag:s30] =	ssyncadd.s32 $0xFFFFE700  }
0xd2: {  	[spmem:s3] =	stream.indirect.scatter.add.f32 [tilespmem:s22], [sflag:$0x6], $0x80, s17, s15, $0xb8;
	[tilespmem:$0x1FC80] =	vst v63  }
0xd3: {  	_ =	swait.ge [sflag:s12], $0x1900  }
0xd4: {  	[sflag:s12] =	ssyncset.done $0x0  }
0xd5: {  	s14 =	simm.s32 $0x400;
	[sflag:s12] =	ssyncadd.s32 $0xFFFFE700  }
0xd6: {  	[tilespmem:s22], [sflag:$0x4] =	stream.indirect.gather [hbm4b:s1+s15], $0x80, s14, s15, $0xb8;
	[tilespmem:$0x1FC80] =	vst v63  }
0xd7: {  	_ =	swait.ge [sflag:s31], $0x1900  }
0xd8: {  	[sflag:s31] =	ssyncset.done $0x0  }
0xd9: {  	s17 =	simm.s32 $0x1E00;
	[sflag:s31] =	ssyncadd.s32 $0xFFFFE700  }
0xda: {  	[spmem:s3] =	stream.indirect.scatter.add.f32 [tilespmem:s24], [sflag:$0x6], $0x80, s17, s15, $0xb8;
	[tilespmem:$0x1FC80] =	vst v63  }
0xdb: {  	_ =	swait.ge [sflag:s12], $0x1900  }
0xdc: {  	[sflag:s12] =	ssyncset.done $0x0  }
0xdd: {  	s5 =	simm.s32 $0xA00;
	s14 =	simm.s32 $0x480;
	[sflag:s12] =	ssyncadd.s32 $0xFFFFE700  }
.LBB2_4:
0xde: {  	[tilespmem:s24], [sflag:$0x5] =	stream.indirect.gather [hbm4b:s1+s15], $0x80, s14, s15, $0xb8;
	[tilespmem:$0x1FC80] =	vst v63  }
0xdf: {  	s14 =	smov.u32 s5  }
0xe0: {  	p1 =	sne.s32 s5, $0x5000;
	s5 =	sadd.s32 $0xA00, s5;
	_ =	swait.ge [sflag:s26], $0x1900  }
0xe1: {  	s14 =	sshra.s32 s14, $0x2;
	[sflag:s26] =	ssyncset.done $0x0  }
0xe2: {  	s17 =	sadd.s32 $0x1C00, s14;
	[sflag:s26] =	ssyncadd.s32 $0xFFFFE700  }
0xe3: {  	[spmem:s3] =	stream.indirect.scatter.add.f32 [tilespmem:s16], [sflag:$0x6], $0x80, s17, s15, $0xb8;
	[tilespmem:$0x1FC80] =	vst v63  }
0xe4: {  	_ =	swait.ge [sflag:s12], $0x1900  }
0xe5: {  	[sflag:s12] =	ssyncset.done $0x0  }
0xe6: {  	s17 =	sadd.s32 $0x280, s14;
	[sflag:s12] =	ssyncadd.s32 $0xFFFFE700  }
0xe7: {  	[tilespmem:s16], [sflag:$0x1] =	stream.indirect.gather [hbm4b:s1+s15], $0x80, s17, s15, $0xb8;
	[tilespmem:$0x1FC80] =	vst v63  }
0xe8: {  	_ =	swait.ge [sflag:s28], $0x1900  }
0xe9: {  	[sflag:s28] =	ssyncset.done $0x0  }
0xea: {  	s17 =	sadd.s32 $0x1C80, s14;
	[sflag:s28] =	ssyncadd.s32 $0xFFFFE700  }
0xeb: {  	[spmem:s3] =	stream.indirect.scatter.add.f32 [tilespmem:s18], [sflag:$0x6], $0x80, s17, s15, $0xb8;
	[tilespmem:$0x1FC80] =	vst v63  }
0xec: {  	_ =	swait.ge [sflag:s12], $0x1900  }
0xed: {  	[sflag:s12] =	ssyncset.done $0x0  }
0xee: {  	s17 =	sadd.s32 $0x300, s14;
	[sflag:s12] =	ssyncadd.s32 $0xFFFFE700  }
0xef: {  	[tilespmem:s18], [sflag:$0x2] =	stream.indirect.gather [hbm4b:s1+s15], $0x80, s17, s15, $0xb8;
	[tilespmem:$0x1FC80] =	vst v63  }
0xf0: {  	_ =	swait.ge [sflag:s29], $0x1900  }
0xf1: {  	[sflag:s29] =	ssyncset.done $0x0  }
0xf2: {  	s17 =	sadd.s32 $0x1D00, s14;
	[sflag:s29] =	ssyncadd.s32 $0xFFFFE700  }
0xf3: {  	[spmem:s3] =	stream.indirect.scatter.add.f32 [tilespmem:s20], [sflag:$0x6], $0x80, s17, s15, $0xb8;
	[tilespmem:$0x1FC80] =	vst v63  }
0xf4: {  	_ =	swait.ge [sflag:s12], $0x1900  }
0xf5: {  	[sflag:s12] =	ssyncset.done $0x0  }
0xf6: {  	s17 =	sadd.s32 $0x380, s14;
	[sflag:s12] =	ssyncadd.s32 $0xFFFFE700  }
0xf7: {  	[tilespmem:s20], [sflag:$0x3] =	stream.indirect.gather [hbm4b:s1+s15], $0x80, s17, s15, $0xb8;
	[tilespmem:$0x1FC80] =	vst v63  }
0xf8: {  	_ =	swait.ge [sflag:s30], $0x1900  }
0xf9: {  	[sflag:s30] =	ssyncset.done $0x0  }
0xfa: {  	s17 =	sadd.s32 $0x1D80, s14;
	[sflag:s30] =	ssyncadd.s32 $0xFFFFE700  }
0xfb: {  	[spmem:s3] =	stream.indirect.scatter.add.f32 [tilespmem:s22], [sflag:$0x6], $0x80, s17, s15, $0xb8;
	[tilespmem:$0x1FC80] =	vst v63  }
0xfc: {  	_ =	swait.ge [sflag:s12], $0x1900  }
0xfd: {  	[sflag:s12] =	ssyncset.done $0x0  }
0xfe: {  	s17 =	sadd.s32 $0x400, s14;
	[sflag:s12] =	ssyncadd.s32 $0xFFFFE700  }
0xff: {  	[tilespmem:s22], [sflag:$0x4] =	stream.indirect.gather [hbm4b:s1+s15], $0x80, s17, s15, $0xb8;
	[tilespmem:$0x1FC80] =	vst v63  }
0x100: {  	_ =	swait.ge [sflag:s31], $0x1900  }
0x101: {  	[sflag:s31] =	ssyncset.done $0x0  }
.Ltmp1:
0x102: {  	s17 =	sadd.s32 $0x1E00, s14;
	[sflag:s31] =	ssyncadd.s32 $0xFFFFE700;
	(pc) =	sbr.rel @p1 .LBB2_4-.Ltmp1, $4  }
0x103: {  	[spmem:s3] =	stream.indirect.scatter.add.f32 [tilespmem:s24], [sflag:$0x6], $0x80, s17, s15, $0xb8;
	[tilespmem:$0x1FC80] =	vst v63  }
0x104: {  	_ =	swait.ge [sflag:s12], $0x1900  }
0x105: {  	[sflag:s12] =	ssyncset.done $0x0  }
0x106: {  	s14 =	sadd.s32 $0x480, s14;
	[sflag:s12] =	ssyncadd.s32 $0xFFFFE700  }
0x107: {  	[tilespmem:s24], [sflag:$0x5] =	stream.indirect.gather [hbm4b:s1+s15], $0x80, s14, s15, $0xb8;
	[tilespmem:$0x1FC80] =	vst v63  }
0x108: {  	_ =	swait.ge [sflag:s26], $0x1900  }
0x109: {  	[sflag:s26] =	ssyncset.done $0x0  }
0x10a: {  	[sflag:s26] =	ssyncadd.s32 $0xFFFFE700  }
0x10b: {  	[spmem:s3] =	stream.indirect.scatter.add.f32 [tilespmem:s16], [sflag:$0x6], $0x80, s2, s15, $0xb8;
	[tilespmem:$0x1FC80] =	vst v63  }
0x10c: {  	_ =	swait.ge [sflag:s12], $0x1900  }
0x10d: {  	[sflag:s12] =	ssyncset.done $0x0  }
0x10e: {  	[sflag:s12] =	ssyncadd.s32 $0xFFFFE700  }
0x10f: {  	_ =	swait.ge [sflag:s28], $0x1900  }
0x110: {  	[sflag:s28] =	ssyncset.done $0x0  }
0x111: {  	[sflag:s28] =	ssyncadd.s32 $0xFFFFE700  }
0x112: {  	[spmem:s3] =	stream.indirect.scatter.add.f32 [tilespmem:s18], [sflag:$0x6], $0x80, s0, s15, $0xb8;
	[tilespmem:$0x1FC80] =	vst v63  }
0x113: {  	_ =	swait.ge [sflag:s12], $0x1900  }
0x114: {  	[sflag:s12] =	ssyncset.done $0x0  }
0x115: {  	[sflag:s12] =	ssyncadd.s32 $0xFFFFE700  }
0x116: {  	_ =	swait.ge [sflag:s29], $0x1900  }
0x117: {  	[sflag:s29] =	ssyncset.done $0x0  }
0x118: {  	[sflag:s29] =	ssyncadd.s32 $0xFFFFE700  }
0x119: {  	[spmem:s3] =	stream.indirect.scatter.add.f32 [tilespmem:s20], [sflag:$0x6], $0x80, s10, s15, $0xb8;
	[tilespmem:$0x1FC80] =	vst v63  }
0x11a: {  	_ =	swait.ge [sflag:s12], $0x1900  }
0x11b: {  	[sflag:s12] =	ssyncset.done $0x0  }
0x11c: {  	[sflag:s12] =	ssyncadd.s32 $0xFFFFE700  }
0x11d: {  	_ =	swait.ge [sflag:s30], $0x1900  }
0x11e: {  	[sflag:s30] =	ssyncset.done $0x0  }
0x11f: {  	[sflag:s30] =	ssyncadd.s32 $0xFFFFE700  }
0x120: {  	[spmem:s3] =	stream.indirect.scatter.add.f32 [tilespmem:s22], [sflag:$0x6], $0x80, s25, s15, $0xb8;
	[tilespmem:$0x1FC80] =	vst v63  }
0x121: {  	_ =	swait.ge [sflag:s12], $0x1900  }
0x122: {  	[sflag:s12] =	ssyncset.done $0x0  }
0x123: {  	[sflag:s12] =	ssyncadd.s32 $0xFFFFE700  }
0x124: {  	_ =	swait.ge [sflag:s31], $0x1900  }
0x125: {  	[sflag:s31] =	ssyncset.done $0x0  }
0x126: {  	[sflag:s31] =	ssyncadd.s32 $0xFFFFE700  }
0x127: {  	[spmem:s3] =	stream.indirect.scatter.add.f32 [tilespmem:s24], [sflag:$0x6], $0x80, s9, s15, $0xb8;
	[tilespmem:$0x1FC80] =	vst v63  }
0x128: {  	_ =	swait.ge [sflag:s12], $0x1900  }
0x129: {  	[sflag:s12] =	ssyncset.done $0x0  }
0x12a: {  	s5 =	sadd.s32 $0x700, s7;
	s14 =	simm.s32 $0x0;
	[sflag:s12] =	ssyncadd.s32 $0xFFFFE700  }
0x12b: {  	[tilespmem:s14], [sflag:$0x6] =	stream.linear.gather [hbm4b:s5+s14], $0x1900, $0x38;
	[tilespmem:$0x1FC80] =	vst v63  }
0x12c: {  	_ =	swait.ge [sflag:s12], $0x1900  }
0x12d: {  	[sflag:s12] =	ssyncset.done $0x0  }
0x12e: {  	s17 =	simm.s32 $0x1C00;
	s5 =	sadd.s32 $0x700, s8;
	[sflag:s12] =	ssyncadd.s32 $0xFFFFE700  }
0x12f: {  	[tilespmem:s17], [sflag:$0x6] =	stream.linear.gather [hbm4b:s5+s14], $0x1900, $0x38;
	[tilespmem:$0x1FC80] =	vst v63  }
0x130: {  	_ =	swait.ge [sflag:s12], $0x1900  }
0x131: {  	[sflag:s12] =	ssyncset.done $0x0  }
0x132: {  	[sflag:s12] =	ssyncadd.s32 $0xFFFFE700  }
0x133: {  	[tilespmem:s16], [sflag:$0x1] =	stream.indirect.gather [hbm4b:s1+s15], $0x80, s14, s15, $0xb8;
	[tilespmem:$0x1FC80] =	vst v63  }
0x134: {  	s14 =	simm.s32 $0x80  }
0x135: {  	[tilespmem:s18], [sflag:$0x2] =	stream.indirect.gather [hbm4b:s1+s15], $0x80, s14, s15, $0xb8;
	[tilespmem:$0x1FC80] =	vst v63  }
0x136: {  	_ = 	snop  }
0x137: {  	[tilespmem:s20], [sflag:$0x3] =	stream.indirect.gather [hbm4b:s1+s15], $0x80, s19, s15, $0xb8;
	[tilespmem:$0x1FC80] =	vst v63  }
0x138: {  	_ = 	snop  }
0x139: {  	[tilespmem:s22], [sflag:$0x4] =	stream.indirect.gather [hbm4b:s1+s15], $0x80, s21, s15, $0xb8;
	[tilespmem:$0x1FC80] =	vst v63  }
0x13a: {  	_ = 	snop  }
0x13b: {  	[tilespmem:s24], [sflag:$0x5] =	stream.indirect.gather [hbm4b:s1+s15], $0x80, s23, s15, $0xb8;
	[tilespmem:$0x1FC80] =	vst v63  }
0x13c: {  	_ =	swait.ge [sflag:s26], $0x1900  }
0x13d: {  	[sflag:s26] =	ssyncset.done $0x0  }
0x13e: {  	s17 =	simm.s32 $0x1C00;
	[sflag:s26] =	ssyncadd.s32 $0xFFFFE700  }
0x13f: {  	[spmem:s3] =	stream.indirect.scatter.add.f32 [tilespmem:s16], [sflag:$0x6], $0x80, s17, s15, $0xb8;
	[tilespmem:$0x1FC80] =	vst v63  }
0x140: {  	_ =	swait.ge [sflag:s12], $0x1900  }
0x141: {  	[sflag:s12] =	ssyncset.done $0x0  }
0x142: {  	s14 =	simm.s32 $0x280;
	[sflag:s12] =	ssyncadd.s32 $0xFFFFE700  }
0x143: {  	[tilespmem:s16], [sflag:$0x1] =	stream.indirect.gather [hbm4b:s1+s15], $0x80, s14, s15, $0xb8;
	[tilespmem:$0x1FC80] =	vst v63  }
0x144: {  	_ =	swait.ge [sflag:s28], $0x1900  }
0x145: {  	[sflag:s28] =	ssyncset.done $0x0  }
0x146: {  	s17 =	simm.s32 $0x1C80;
	[sflag:s28] =	ssyncadd.s32 $0xFFFFE700  }
0x147: {  	[spmem:s3] =	stream.indirect.scatter.add.f32 [tilespmem:s18], [sflag:$0x6], $0x80, s17, s15, $0xb8;
	[tilespmem:$0x1FC80] =	vst v63  }
0x148: {  	_ =	swait.ge [sflag:s12], $0x1900  }
0x149: {  	[sflag:s12] =	ssyncset.done $0x0  }
0x14a: {  	s14 =	simm.s32 $0x300;
	[sflag:s12] =	ssyncadd.s32 $0xFFFFE700  }
0x14b: {  	[tilespmem:s18], [sflag:$0x2] =	stream.indirect.gather [hbm4b:s1+s15], $0x80, s14, s15, $0xb8;
	[tilespmem:$0x1FC80] =	vst v63  }
0x14c: {  	_ =	swait.ge [sflag:s29], $0x1900  }
0x14d: {  	[sflag:s29] =	ssyncset.done $0x0  }
0x14e: {  	s17 =	simm.s32 $0x1D00;
	[sflag:s29] =	ssyncadd.s32 $0xFFFFE700  }
0x14f: {  	[spmem:s3] =	stream.indirect.scatter.add.f32 [tilespmem:s20], [sflag:$0x6], $0x80, s17, s15, $0xb8;
	[tilespmem:$0x1FC80] =	vst v63  }
0x150: {  	_ =	swait.ge [sflag:s12], $0x1900  }
0x151: {  	[sflag:s12] =	ssyncset.done $0x0  }
0x152: {  	s14 =	simm.s32 $0x380;
	[sflag:s12] =	ssyncadd.s32 $0xFFFFE700  }
0x153: {  	[tilespmem:s20], [sflag:$0x3] =	stream.indirect.gather [hbm4b:s1+s15], $0x80, s14, s15, $0xb8;
	[tilespmem:$0x1FC80] =	vst v63  }
0x154: {  	_ =	swait.ge [sflag:s30], $0x1900  }
0x155: {  	[sflag:s30] =	ssyncset.done $0x0  }
0x156: {  	s17 =	simm.s32 $0x1D80;
	[sflag:s30] =	ssyncadd.s32 $0xFFFFE700  }
0x157: {  	[spmem:s3] =	stream.indirect.scatter.add.f32 [tilespmem:s22], [sflag:$0x6], $0x80, s17, s15, $0xb8;
	[tilespmem:$0x1FC80] =	vst v63  }
0x158: {  	_ =	swait.ge [sflag:s12], $0x1900  }
0x159: {  	[sflag:s12] =	ssyncset.done $0x0  }
0x15a: {  	s14 =	simm.s32 $0x400;
	[sflag:s12] =	ssyncadd.s32 $0xFFFFE700  }
0x15b: {  	[tilespmem:s22], [sflag:$0x4] =	stream.indirect.gather [hbm4b:s1+s15], $0x80, s14, s15, $0xb8;
	[tilespmem:$0x1FC80] =	vst v63  }
0x15c: {  	_ =	swait.ge [sflag:s31], $0x1900  }
0x15d: {  	[sflag:s31] =	ssyncset.done $0x0  }
0x15e: {  	s17 =	simm.s32 $0x1E00;
	[sflag:s31] =	ssyncadd.s32 $0xFFFFE700  }
0x15f: {  	[spmem:s3] =	stream.indirect.scatter.add.f32 [tilespmem:s24], [sflag:$0x6], $0x80, s17, s15, $0xb8;
	[tilespmem:$0x1FC80] =	vst v63  }
0x160: {  	_ =	swait.ge [sflag:s12], $0x1900  }
0x161: {  	[sflag:s12] =	ssyncset.done $0x0  }
0x162: {  	s5 =	simm.s32 $0xA00;
	s14 =	simm.s32 $0x480;
	[sflag:s12] =	ssyncadd.s32 $0xFFFFE700  }
.LBB2_6:
0x163: {  	[tilespmem:s24], [sflag:$0x5] =	stream.indirect.gather [hbm4b:s1+s15], $0x80, s14, s15, $0xb8;
	[tilespmem:$0x1FC80] =	vst v63  }
0x164: {  	s14 =	smov.u32 s5  }
0x165: {  	p1 =	sne.s32 s5, $0x5000;
	s5 =	sadd.s32 $0xA00, s5;
	_ =	swait.ge [sflag:s26], $0x1900  }
0x166: {  	s14 =	sshra.s32 s14, $0x2;
	[sflag:s26] =	ssyncset.done $0x0  }
0x167: {  	s17 =	sadd.s32 $0x1C00, s14;
	[sflag:s26] =	ssyncadd.s32 $0xFFFFE700  }
0x168: {  	[spmem:s3] =	stream.indirect.scatter.add.f32 [tilespmem:s16], [sflag:$0x6], $0x80, s17, s15, $0xb8;
	[tilespmem:$0x1FC80] =	vst v63  }
0x169: {  	_ =	swait.ge [sflag:s12], $0x1900  }
0x16a: {  	[sflag:s12] =	ssyncset.done $0x0  }
0x16b: {  	s17 =	sadd.s32 $0x280, s14;
	[sflag:s12] =	ssyncadd.s32 $0xFFFFE700  }
0x16c: {  	[tilespmem:s16], [sflag:$0x1] =	stream.indirect.gather [hbm4b:s1+s15], $0x80, s17, s15, $0xb8;
	[tilespmem:$0x1FC80] =	vst v63  }
0x16d: {  	_ =	swait.ge [sflag:s28], $0x1900  }
0x16e: {  	[sflag:s28] =	ssyncset.done $0x0  }
0x16f: {  	s17 =	sadd.s32 $0x1C80, s14;
	[sflag:s28] =	ssyncadd.s32 $0xFFFFE700  }
0x170: {  	[spmem:s3] =	stream.indirect.scatter.add.f32 [tilespmem:s18], [sflag:$0x6], $0x80, s17, s15, $0xb8;
	[tilespmem:$0x1FC80] =	vst v63  }
0x171: {  	_ =	swait.ge [sflag:s12], $0x1900  }
0x172: {  	[sflag:s12] =	ssyncset.done $0x0  }
0x173: {  	s17 =	sadd.s32 $0x300, s14;
	[sflag:s12] =	ssyncadd.s32 $0xFFFFE700  }
0x174: {  	[tilespmem:s18], [sflag:$0x2] =	stream.indirect.gather [hbm4b:s1+s15], $0x80, s17, s15, $0xb8;
	[tilespmem:$0x1FC80] =	vst v63  }
0x175: {  	_ =	swait.ge [sflag:s29], $0x1900  }
0x176: {  	[sflag:s29] =	ssyncset.done $0x0  }
0x177: {  	s17 =	sadd.s32 $0x1D00, s14;
	[sflag:s29] =	ssyncadd.s32 $0xFFFFE700  }
0x178: {  	[spmem:s3] =	stream.indirect.scatter.add.f32 [tilespmem:s20], [sflag:$0x6], $0x80, s17, s15, $0xb8;
	[tilespmem:$0x1FC80] =	vst v63  }
0x179: {  	_ =	swait.ge [sflag:s12], $0x1900  }
0x17a: {  	[sflag:s12] =	ssyncset.done $0x0  }
0x17b: {  	s17 =	sadd.s32 $0x380, s14;
	[sflag:s12] =	ssyncadd.s32 $0xFFFFE700  }
0x17c: {  	[tilespmem:s20], [sflag:$0x3] =	stream.indirect.gather [hbm4b:s1+s15], $0x80, s17, s15, $0xb8;
	[tilespmem:$0x1FC80] =	vst v63  }
0x17d: {  	_ =	swait.ge [sflag:s30], $0x1900  }
0x17e: {  	[sflag:s30] =	ssyncset.done $0x0  }
0x17f: {  	s17 =	sadd.s32 $0x1D80, s14;
	[sflag:s30] =	ssyncadd.s32 $0xFFFFE700  }
0x180: {  	[spmem:s3] =	stream.indirect.scatter.add.f32 [tilespmem:s22], [sflag:$0x6], $0x80, s17, s15, $0xb8;
	[tilespmem:$0x1FC80] =	vst v63  }
0x181: {  	_ =	swait.ge [sflag:s12], $0x1900  }
0x182: {  	[sflag:s12] =	ssyncset.done $0x0  }
0x183: {  	s17 =	sadd.s32 $0x400, s14;
	[sflag:s12] =	ssyncadd.s32 $0xFFFFE700  }
0x184: {  	[tilespmem:s22], [sflag:$0x4] =	stream.indirect.gather [hbm4b:s1+s15], $0x80, s17, s15, $0xb8;
	[tilespmem:$0x1FC80] =	vst v63  }
0x185: {  	_ =	swait.ge [sflag:s31], $0x1900  }
0x186: {  	[sflag:s31] =	ssyncset.done $0x0  }
.Ltmp2:
0x187: {  	s17 =	sadd.s32 $0x1E00, s14;
	[sflag:s31] =	ssyncadd.s32 $0xFFFFE700;
	(pc) =	sbr.rel @p1 .LBB2_6-.Ltmp2, $4  }
0x188: {  	[spmem:s3] =	stream.indirect.scatter.add.f32 [tilespmem:s24], [sflag:$0x6], $0x80, s17, s15, $0xb8;
	[tilespmem:$0x1FC80] =	vst v63  }
0x189: {  	_ =	swait.ge [sflag:s12], $0x1900  }
0x18a: {  	[sflag:s12] =	ssyncset.done $0x0  }
0x18b: {  	s14 =	sadd.s32 $0x480, s14;
	[sflag:s12] =	ssyncadd.s32 $0xFFFFE700  }
0x18c: {  	[tilespmem:s24], [sflag:$0x5] =	stream.indirect.gather [hbm4b:s1+s15], $0x80, s14, s15, $0xb8;
	[tilespmem:$0x1FC80] =	vst v63  }
0x18d: {  	_ =	swait.ge [sflag:s26], $0x1900  }
0x18e: {  	[sflag:s26] =	ssyncset.done $0x0  }
0x18f: {  	[sflag:s26] =	ssyncadd.s32 $0xFFFFE700  }
0x190: {  	[spmem:s3] =	stream.indirect.scatter.add.f32 [tilespmem:s16], [sflag:$0x6], $0x80, s2, s15, $0xb8;
	[tilespmem:$0x1FC80] =	vst v63  }
0x191: {  	_ =	swait.ge [sflag:s12], $0x1900  }
0x192: {  	[sflag:s12] =	ssyncset.done $0x0  }
0x193: {  	[sflag:s12] =	ssyncadd.s32 $0xFFFFE700  }
0x194: {  	_ =	swait.ge [sflag:s28], $0x1900  }
0x195: {  	[sflag:s28] =	ssyncset.done $0x0  }
0x196: {  	[sflag:s28] =	ssyncadd.s32 $0xFFFFE700  }
0x197: {  	[spmem:s3] =	stream.indirect.scatter.add.f32 [tilespmem:s18], [sflag:$0x6], $0x80, s0, s15, $0xb8;
	[tilespmem:$0x1FC80] =	vst v63  }
0x198: {  	_ =	swait.ge [sflag:s12], $0x1900  }
0x199: {  	[sflag:s12] =	ssyncset.done $0x0  }
0x19a: {  	[sflag:s12] =	ssyncadd.s32 $0xFFFFE700  }
0x19b: {  	_ =	swait.ge [sflag:s29], $0x1900  }
0x19c: {  	[sflag:s29] =	ssyncset.done $0x0  }
0x19d: {  	[sflag:s29] =	ssyncadd.s32 $0xFFFFE700  }
0x19e: {  	[spmem:s3] =	stream.indirect.scatter.add.f32 [tilespmem:s20], [sflag:$0x6], $0x80, s10, s15, $0xb8;
	[tilespmem:$0x1FC80] =	vst v63  }
0x19f: {  	_ =	swait.ge [sflag:s12], $0x1900  }
0x1a0: {  	[sflag:s12] =	ssyncset.done $0x0  }
0x1a1: {  	[sflag:s12] =	ssyncadd.s32 $0xFFFFE700  }
0x1a2: {  	_ =	swait.ge [sflag:s30], $0x1900  }
0x1a3: {  	[sflag:s30] =	ssyncset.done $0x0  }
0x1a4: {  	[sflag:s30] =	ssyncadd.s32 $0xFFFFE700  }
0x1a5: {  	[spmem:s3] =	stream.indirect.scatter.add.f32 [tilespmem:s22], [sflag:$0x6], $0x80, s25, s15, $0xb8;
	[tilespmem:$0x1FC80] =	vst v63  }
0x1a6: {  	_ =	swait.ge [sflag:s12], $0x1900  }
0x1a7: {  	[sflag:s12] =	ssyncset.done $0x0  }
0x1a8: {  	[sflag:s12] =	ssyncadd.s32 $0xFFFFE700  }
0x1a9: {  	_ =	swait.ge [sflag:s31], $0x1900  }
0x1aa: {  	[sflag:s31] =	ssyncset.done $0x0  }
0x1ab: {  	[sflag:s31] =	ssyncadd.s32 $0xFFFFE700  }
0x1ac: {  	[spmem:s3] =	stream.indirect.scatter.add.f32 [tilespmem:s24], [sflag:$0x6], $0x80, s9, s15, $0xb8;
	[tilespmem:$0x1FC80] =	vst v63  }
0x1ad: {  	_ =	swait.ge [sflag:s12], $0x1900  }
0x1ae: {  	[sflag:s12] =	ssyncset.done $0x0  }
0x1af: {  	s5 =	sadd.s32 $0xA80, s7;
	s14 =	simm.s32 $0x0;
	[sflag:s12] =	ssyncadd.s32 $0xFFFFE700  }
0x1b0: {  	[tilespmem:s14], [sflag:$0x6] =	stream.linear.gather [hbm4b:s5+s14], $0x1900, $0x38;
	[tilespmem:$0x1FC80] =	vst v63  }
0x1b1: {  	_ =	swait.ge [sflag:s12], $0x1900  }
0x1b2: {  	[sflag:s12] =	ssyncset.done $0x0  }
0x1b3: {  	s17 =	simm.s32 $0x1C00;
	s5 =	sadd.s32 $0xA80, s8;
	[sflag:s12] =	ssyncadd.s32 $0xFFFFE700  }
0x1b4: {  	[tilespmem:s17], [sflag:$0x6] =	stream.linear.gather [hbm4b:s5+s14], $0x1900, $0x38;
	[tilespmem:$0x1FC80] =	vst v63  }
0x1b5: {  	_ =	swait.ge [sflag:s12], $0x1900  }
0x1b6: {  	[sflag:s12] =	ssyncset.done $0x0  }
0x1b7: {  	[sflag:s12] =	ssyncadd.s32 $0xFFFFE700  }
0x1b8: {  	[tilespmem:s16], [sflag:$0x1] =	stream.indirect.gather [hbm4b:s1+s15], $0x80, s14, s15, $0xb8;
	[tilespmem:$0x1FC80] =	vst v63  }
0x1b9: {  	s14 =	simm.s32 $0x80  }
0x1ba: {  	[tilespmem:s18], [sflag:$0x2] =	stream.indirect.gather [hbm4b:s1+s15], $0x80, s14, s15, $0xb8;
	[tilespmem:$0x1FC80] =	vst v63  }
0x1bb: {  	_ = 	snop  }
0x1bc: {  	[tilespmem:s20], [sflag:$0x3] =	stream.indirect.gather [hbm4b:s1+s15], $0x80, s19, s15, $0xb8;
	[tilespmem:$0x1FC80] =	vst v63  }
0x1bd: {  	_ = 	snop  }
0x1be: {  	[tilespmem:s22], [sflag:$0x4] =	stream.indirect.gather [hbm4b:s1+s15], $0x80, s21, s15, $0xb8;
	[tilespmem:$0x1FC80] =	vst v63  }
0x1bf: {  	_ = 	snop  }
0x1c0: {  	[tilespmem:s24], [sflag:$0x5] =	stream.indirect.gather [hbm4b:s1+s15], $0x80, s23, s15, $0xb8;
	[tilespmem:$0x1FC80] =	vst v63  }
0x1c1: {  	_ =	swait.ge [sflag:s26], $0x1900  }
0x1c2: {  	[sflag:s26] =	ssyncset.done $0x0  }
0x1c3: {  	s17 =	simm.s32 $0x1C00;
	[sflag:s26] =	ssyncadd.s32 $0xFFFFE700  }
0x1c4: {  	[spmem:s3] =	stream.indirect.scatter.add.f32 [tilespmem:s16], [sflag:$0x6], $0x80, s17, s15, $0xb8;
	[tilespmem:$0x1FC80] =	vst v63  }
0x1c5: {  	_ =	swait.ge [sflag:s12], $0x1900  }
0x1c6: {  	[sflag:s12] =	ssyncset.done $0x0  }
0x1c7: {  	s14 =	simm.s32 $0x280;
	[sflag:s12] =	ssyncadd.s32 $0xFFFFE700  }
0x1c8: {  	[tilespmem:s16], [sflag:$0x1] =	stream.indirect.gather [hbm4b:s1+s15], $0x80, s14, s15, $0xb8;
	[tilespmem:$0x1FC80] =	vst v63  }
0x1c9: {  	_ =	swait.ge [sflag:s28], $0x1900  }
0x1ca: {  	[sflag:s28] =	ssyncset.done $0x0  }
0x1cb: {  	s17 =	simm.s32 $0x1C80;
	[sflag:s28] =	ssyncadd.s32 $0xFFFFE700  }
0x1cc: {  	[spmem:s3] =	stream.indirect.scatter.add.f32 [tilespmem:s18], [sflag:$0x6], $0x80, s17, s15, $0xb8;
	[tilespmem:$0x1FC80] =	vst v63  }
0x1cd: {  	_ =	swait.ge [sflag:s12], $0x1900  }
0x1ce: {  	[sflag:s12] =	ssyncset.done $0x0  }
0x1cf: {  	s14 =	simm.s32 $0x300;
	[sflag:s12] =	ssyncadd.s32 $0xFFFFE700  }
0x1d0: {  	[tilespmem:s18], [sflag:$0x2] =	stream.indirect.gather [hbm4b:s1+s15], $0x80, s14, s15, $0xb8;
	[tilespmem:$0x1FC80] =	vst v63  }
0x1d1: {  	_ =	swait.ge [sflag:s29], $0x1900  }
0x1d2: {  	[sflag:s29] =	ssyncset.done $0x0  }
0x1d3: {  	s17 =	simm.s32 $0x1D00;
	[sflag:s29] =	ssyncadd.s32 $0xFFFFE700  }
0x1d4: {  	[spmem:s3] =	stream.indirect.scatter.add.f32 [tilespmem:s20], [sflag:$0x6], $0x80, s17, s15, $0xb8;
	[tilespmem:$0x1FC80] =	vst v63  }
0x1d5: {  	_ =	swait.ge [sflag:s12], $0x1900  }
0x1d6: {  	[sflag:s12] =	ssyncset.done $0x0  }
0x1d7: {  	s14 =	simm.s32 $0x380;
	[sflag:s12] =	ssyncadd.s32 $0xFFFFE700  }
0x1d8: {  	[tilespmem:s20], [sflag:$0x3] =	stream.indirect.gather [hbm4b:s1+s15], $0x80, s14, s15, $0xb8;
	[tilespmem:$0x1FC80] =	vst v63  }
0x1d9: {  	_ =	swait.ge [sflag:s30], $0x1900  }
0x1da: {  	[sflag:s30] =	ssyncset.done $0x0  }
0x1db: {  	s17 =	simm.s32 $0x1D80;
	[sflag:s30] =	ssyncadd.s32 $0xFFFFE700  }
0x1dc: {  	[spmem:s3] =	stream.indirect.scatter.add.f32 [tilespmem:s22], [sflag:$0x6], $0x80, s17, s15, $0xb8;
	[tilespmem:$0x1FC80] =	vst v63  }
0x1dd: {  	_ =	swait.ge [sflag:s12], $0x1900  }
0x1de: {  	[sflag:s12] =	ssyncset.done $0x0  }
0x1df: {  	s14 =	simm.s32 $0x400;
	[sflag:s12] =	ssyncadd.s32 $0xFFFFE700  }
0x1e0: {  	[tilespmem:s22], [sflag:$0x4] =	stream.indirect.gather [hbm4b:s1+s15], $0x80, s14, s15, $0xb8;
	[tilespmem:$0x1FC80] =	vst v63  }
0x1e1: {  	_ =	swait.ge [sflag:s31], $0x1900  }
0x1e2: {  	[sflag:s31] =	ssyncset.done $0x0  }
0x1e3: {  	s17 =	simm.s32 $0x1E00;
	[sflag:s31] =	ssyncadd.s32 $0xFFFFE700  }
0x1e4: {  	[spmem:s3] =	stream.indirect.scatter.add.f32 [tilespmem:s24], [sflag:$0x6], $0x80, s17, s15, $0xb8;
	[tilespmem:$0x1FC80] =	vst v63  }
0x1e5: {  	_ =	swait.ge [sflag:s12], $0x1900  }
0x1e6: {  	[sflag:s12] =	ssyncset.done $0x0  }
0x1e7: {  	s5 =	simm.s32 $0xA00;
	s14 =	simm.s32 $0x480;
	[sflag:s12] =	ssyncadd.s32 $0xFFFFE700  }
.LBB2_8:
0x1e8: {  	[tilespmem:s24], [sflag:$0x5] =	stream.indirect.gather [hbm4b:s1+s15], $0x80, s14, s15, $0xb8;
	[tilespmem:$0x1FC80] =	vst v63  }
0x1e9: {  	s14 =	smov.u32 s5  }
0x1ea: {  	p1 =	sne.s32 s5, $0x5000;
	s5 =	sadd.s32 $0xA00, s5;
	_ =	swait.ge [sflag:s26], $0x1900  }
0x1eb: {  	s14 =	sshra.s32 s14, $0x2;
	[sflag:s26] =	ssyncset.done $0x0  }
0x1ec: {  	s17 =	sadd.s32 $0x1C00, s14;
	[sflag:s26] =	ssyncadd.s32 $0xFFFFE700  }
0x1ed: {  	[spmem:s3] =	stream.indirect.scatter.add.f32 [tilespmem:s16], [sflag:$0x6], $0x80, s17, s15, $0xb8;
	[tilespmem:$0x1FC80] =	vst v63  }
0x1ee: {  	_ =	swait.ge [sflag:s12], $0x1900  }
0x1ef: {  	[sflag:s12] =	ssyncset.done $0x0  }
0x1f0: {  	s17 =	sadd.s32 $0x280, s14;
	[sflag:s12] =	ssyncadd.s32 $0xFFFFE700  }
0x1f1: {  	[tilespmem:s16], [sflag:$0x1] =	stream.indirect.gather [hbm4b:s1+s15], $0x80, s17, s15, $0xb8;
	[tilespmem:$0x1FC80] =	vst v63  }
0x1f2: {  	_ =	swait.ge [sflag:s28], $0x1900  }
0x1f3: {  	[sflag:s28] =	ssyncset.done $0x0  }
0x1f4: {  	s17 =	sadd.s32 $0x1C80, s14;
	[sflag:s28] =	ssyncadd.s32 $0xFFFFE700  }
0x1f5: {  	[spmem:s3] =	stream.indirect.scatter.add.f32 [tilespmem:s18], [sflag:$0x6], $0x80, s17, s15, $0xb8;
	[tilespmem:$0x1FC80] =	vst v63  }
0x1f6: {  	_ =	swait.ge [sflag:s12], $0x1900  }
0x1f7: {  	[sflag:s12] =	ssyncset.done $0x0  }
0x1f8: {  	s17 =	sadd.s32 $0x300, s14;
	[sflag:s12] =	ssyncadd.s32 $0xFFFFE700  }
0x1f9: {  	[tilespmem:s18], [sflag:$0x2] =	stream.indirect.gather [hbm4b:s1+s15], $0x80, s17, s15, $0xb8;
	[tilespmem:$0x1FC80] =	vst v63  }
0x1fa: {  	_ =	swait.ge [sflag:s29], $0x1900  }
0x1fb: {  	[sflag:s29] =	ssyncset.done $0x0  }
0x1fc: {  	s17 =	sadd.s32 $0x1D00, s14;
	[sflag:s29] =	ssyncadd.s32 $0xFFFFE700  }
0x1fd: {  	[spmem:s3] =	stream.indirect.scatter.add.f32 [tilespmem:s20], [sflag:$0x6], $0x80, s17, s15, $0xb8;
	[tilespmem:$0x1FC80] =	vst v63  }
0x1fe: {  	_ =	swait.ge [sflag:s12], $0x1900  }
0x1ff: {  	[sflag:s12] =	ssyncset.done $0x0  }
0x200: {  	s17 =	sadd.s32 $0x380, s14;
	[sflag:s12] =	ssyncadd.s32 $0xFFFFE700  }
0x201: {  	[tilespmem:s20], [sflag:$0x3] =	stream.indirect.gather [hbm4b:s1+s15], $0x80, s17, s15, $0xb8;
	[tilespmem:$0x1FC80] =	vst v63  }
0x202: {  	_ =	swait.ge [sflag:s30], $0x1900  }
0x203: {  	[sflag:s30] =	ssyncset.done $0x0  }
0x204: {  	s17 =	sadd.s32 $0x1D80, s14;
	[sflag:s30] =	ssyncadd.s32 $0xFFFFE700  }
0x205: {  	[spmem:s3] =	stream.indirect.scatter.add.f32 [tilespmem:s22], [sflag:$0x6], $0x80, s17, s15, $0xb8;
	[tilespmem:$0x1FC80] =	vst v63  }
0x206: {  	_ =	swait.ge [sflag:s12], $0x1900  }
0x207: {  	[sflag:s12] =	ssyncset.done $0x0  }
0x208: {  	s17 =	sadd.s32 $0x400, s14;
	[sflag:s12] =	ssyncadd.s32 $0xFFFFE700  }
0x209: {  	[tilespmem:s22], [sflag:$0x4] =	stream.indirect.gather [hbm4b:s1+s15], $0x80, s17, s15, $0xb8;
	[tilespmem:$0x1FC80] =	vst v63  }
0x20a: {  	_ =	swait.ge [sflag:s31], $0x1900  }
0x20b: {  	[sflag:s31] =	ssyncset.done $0x0  }
.Ltmp3:
0x20c: {  	s17 =	sadd.s32 $0x1E00, s14;
	[sflag:s31] =	ssyncadd.s32 $0xFFFFE700;
	(pc) =	sbr.rel @p1 .LBB2_8-.Ltmp3, $4  }
0x20d: {  	[spmem:s3] =	stream.indirect.scatter.add.f32 [tilespmem:s24], [sflag:$0x6], $0x80, s17, s15, $0xb8;
	[tilespmem:$0x1FC80] =	vst v63  }
0x20e: {  	_ =	swait.ge [sflag:s12], $0x1900  }
0x20f: {  	[sflag:s12] =	ssyncset.done $0x0  }
0x210: {  	s14 =	sadd.s32 $0x480, s14;
	[sflag:s12] =	ssyncadd.s32 $0xFFFFE700  }
0x211: {  	[tilespmem:s24], [sflag:$0x5] =	stream.indirect.gather [hbm4b:s1+s15], $0x80, s14, s15, $0xb8;
	[tilespmem:$0x1FC80] =	vst v63  }
0x212: {  	_ =	swait.ge [sflag:s26], $0x1900  }
0x213: {  	[sflag:s26] =	ssyncset.done $0x0  }
0x214: {  	[sflag:s26] =	ssyncadd.s32 $0xFFFFE700  }
0x215: {  	[spmem:s3] =	stream.indirect.scatter.add.f32 [tilespmem:s16], [sflag:$0x6], $0x80, s2, s15, $0xb8;
	[tilespmem:$0x1FC80] =	vst v63  }
0x216: {  	_ =	swait.ge [sflag:s12], $0x1900  }
0x217: {  	[sflag:s12] =	ssyncset.done $0x0  }
0x218: {  	[sflag:s12] =	ssyncadd.s32 $0xFFFFE700  }
0x219: {  	_ =	swait.ge [sflag:s28], $0x1900  }
0x21a: {  	[sflag:s28] =	ssyncset.done $0x0  }
0x21b: {  	[sflag:s28] =	ssyncadd.s32 $0xFFFFE700  }
0x21c: {  	[spmem:s3] =	stream.indirect.scatter.add.f32 [tilespmem:s18], [sflag:$0x6], $0x80, s0, s15, $0xb8;
	[tilespmem:$0x1FC80] =	vst v63  }
0x21d: {  	_ =	swait.ge [sflag:s12], $0x1900  }
0x21e: {  	[sflag:s12] =	ssyncset.done $0x0  }
0x21f: {  	[sflag:s12] =	ssyncadd.s32 $0xFFFFE700  }
0x220: {  	_ =	swait.ge [sflag:s29], $0x1900  }
0x221: {  	[sflag:s29] =	ssyncset.done $0x0  }
0x222: {  	[sflag:s29] =	ssyncadd.s32 $0xFFFFE700  }
0x223: {  	[spmem:s3] =	stream.indirect.scatter.add.f32 [tilespmem:s20], [sflag:$0x6], $0x80, s10, s15, $0xb8;
	[tilespmem:$0x1FC80] =	vst v63  }
0x224: {  	_ =	swait.ge [sflag:s12], $0x1900  }
0x225: {  	[sflag:s12] =	ssyncset.done $0x0  }
0x226: {  	[sflag:s12] =	ssyncadd.s32 $0xFFFFE700  }
0x227: {  	_ =	swait.ge [sflag:s30], $0x1900  }
0x228: {  	[sflag:s30] =	ssyncset.done $0x0  }
0x229: {  	[sflag:s30] =	ssyncadd.s32 $0xFFFFE700  }
0x22a: {  	[spmem:s3] =	stream.indirect.scatter.add.f32 [tilespmem:s22], [sflag:$0x6], $0x80, s25, s15, $0xb8;
	[tilespmem:$0x1FC80] =	vst v63  }
0x22b: {  	_ =	swait.ge [sflag:s12], $0x1900  }
0x22c: {  	[sflag:s12] =	ssyncset.done $0x0  }
0x22d: {  	[sflag:s12] =	ssyncadd.s32 $0xFFFFE700  }
0x22e: {  	_ =	swait.ge [sflag:s31], $0x1900  }
0x22f: {  	[sflag:s31] =	ssyncset.done $0x0  }
0x230: {  	[sflag:s31] =	ssyncadd.s32 $0xFFFFE700  }
0x231: {  	[spmem:s3] =	stream.indirect.scatter.add.f32 [tilespmem:s24], [sflag:$0x6], $0x80, s9, s15, $0xb8;
	[tilespmem:$0x1FC80] =	vst v63  }
0x232: {  	_ =	swait.ge [sflag:s12], $0x1900  }
0x233: {  	[sflag:s12] =	ssyncset.done $0x0  }
0x234: {  	[sflag:s12] =	ssyncadd.s32 $0xFFFFE700  }
0x235: {  	[bflag:$0x0] =	sbarrier.arrive $0xFFFF  }
0x236: {  	s5 =	rddreg [dreg:$0x7]  }
0x237: {  	[hbm:s5], [sflag:s6] =	dma.local [spmem:s11], $0x2700  }
0x238: {  	_ =	swait.ge [sflag:s12], $0x2700  }
0x239: {  	[sflag:s12] =	ssyncset.done $0x0;
	s5 =	rddreg [dreg:$0x5]  }
0x23a: {  	[sflag:s12] =	ssyncadd.s32 $0xFFFFD900;
	s5 =	sadd.s32 @!p0 $0x27000, s5  }
0x23b: {  	[hbm:s5], [sflag:s6] =	dma.local @!p0 [spmem:s13], $0x100  }
0x23c: {  	s5 =	simm.s32 @!p0 $0x6  }
0x23d: {  	_ =	swait.ge @!p0 [sflag:s5], $0x100  }
0x23e: {  	s4 =	sadd.s32 $0x1, s4;
	s17 =	rddreg [dreg:$0x6]  }
0x23f: {  	p1 =	sne.s32 s4, s17  }
.Ltmp4:
0x240: {  	_ = 	snop;
	(pc) =	sbr.rel @p1 .LBB2_1-.Ltmp4, $3  }
0x241: {  	_ =	sdelay $0x1  }
0x242: {  	[sflag:s5] =	ssyncset.done @!p0 $0x0  }
0x243: {  	[sflag:s5] =	ssyncadd.s32 @!p0 $0xFFFFFF00  }
0x244: {  	_ =	sfence.sel $0x180000  }
0x245: {  	[bflag:$0x0] =	sbarrier.arrive $0xFFFF  }
0x246: {  	_ =	strace $0x90000047  }
0x247: {  	s0 =	stileid.u32;
	[bflag:$0x2] =	sbarrier.arrive $0xFFFF  }
0x248: {  	p0 =	sne.s32 s0, $0x0;
	s0 =	rddreg [dreg:$0x3]  }
0x249: {  	s0 =	sadd.s32 @!p0 $0x100000, s0  }
0x24a: {  	[sflag:s0] =	ssyncadd.tile.s32 @!p0 $0x1;
	_ =	shalt  }
.Lfunc_end2:
_tile_overlayer_lowered:
.L_overlay_start_2:
0x24b: {  	(tag) =	ssettag $0x2  }
0x24c: {  	s0 =	rddreg [dreg:$0x0];
	s2 =	stileid.u32  }
0x24d: {  	s1 =	rddreg [dreg:$0x1];
	p0 =	sne.s32 s2, $0x0  }
0x24e: {  	s3 =	rddreg [dreg:$0x2];
	[bflag:$0x3] =	sbarrier.arrive $0xFFFF;
	s2 =	simm.s32 @!p0 $0x1C06  }
0x24f: {  	[timem:s3], [sflag:s2] =	dma.local @!p0 [hbm:s0], s1  }
0x250: {  	s0 =	simm.s32 @!p0 $0x6  }
0x251: {  	_ =	swait.ge @!p0 [sflag:s0], s1  }
0x252: {  	s1 =	ssub.s32 @!p0 $0x0, s1;
	[sflag:s0] =	ssyncset.done @!p0 $0x0  }
0x253: {  	[sflag:s0] =	ssyncadd.s32 @!p0 s1  }
0x254: {  	[bflag:$0x3] =	sbarrier.arrive $0xFFFF  }
0x255: {  	_ =	shalt  }

</sc_bundles>
